<compile_context>
chip_gen: v7x
topology: tpu7x:2x2x1
jax: 0.10.2.dev20260603
libtpu: 0.0.44.dev20260713+nightly
codegen_flags: <defaults>
</compile_context>

<pallas_src>
import functools

import jax
import jax.numpy as jnp
from jax import lax
from jax.experimental import pallas as pl
from jax.experimental.pallas import tpu as pltpu
from jax.experimental.pallas import tpu_sc as plsc

_E = 16
_NW = 32
_HS = 96
_TOK = 1024
_UNROLL = 2
_ROWS = 34
_T = 24576.0
_CAP = 2048.0
_LN2 = 0.6931471805599453
_LOGC = (3.342326876376589e-08, 1.0000030986470878, -0.5000129330593647,
         0.3330481239502715, -0.2491121064546097, 0.2061178523961052,
         -0.18627697325371723, 0.11448435452477138)

_CTOK = 256
_NCH = (3 * _TOK) // _CTOK
_CSTEPS = _CTOK // _E


def _sc_body(x_hbm, out_hbm, buf0, buf1, accs, sem0, sem1):
    cid = lax.axis_index("c")
    sid = lax.axis_index("s")
    wid = sid * 2 + cid
    iota = lax.iota(jnp.int32, _E)
    bufs = (buf0, buf1)
    sems = (sem0, sem1)
    cols = [jnp.full((_E,), j, jnp.int32) for j in range(_E)]

    def chunk_src(c):
        h = wid + _NW * (c >> 2)
        t0 = pl.multiple_of(h * _TOK + (c & 3) * _CTOK, _CTOK)
        return x_hbm.at[pl.ds(t0, _CTOK), :]

    def one_step(buf, rows):
        xs = [plsc.load_gather(buf, [rows, cols[j]]) for j in range(_E)]
        vals = xs
        idxs = [jnp.full((_E,), j, jnp.int32) for j in range(_E)]
        while len(vals) > 1:
            nv, ni = [], []
            for a in range(0, len(vals), 2):
                gt = vals[a + 1] > vals[a]
                nv.append(jnp.where(gt, vals[a + 1], vals[a]))
                ni.append(jnp.where(gt, idxs[a + 1], idxs[a]))
            vals, idxs = nv, ni
        bv, bi = vals[0], idxs[0]
        es = [jnp.exp(x - bv) for x in xs]
        ss = es
        while len(ss) > 1:
            ss = [ss[a] + ss[a + 1] for a in range(0, len(ss), 2)]
        s = ss[0]
        rs = 1.0 / s
        plsc.addupdate_scatter(
            accs, [bi + _E, iota], jnp.full((_E,), 1.0, jnp.float32))
        si = plsc.bitcast(s, jnp.int32)
        ee = (si - jnp.int32(0x3F3504F3)) >> 23
        mf = plsc.bitcast(si - (ee << 23), jnp.float32)
        u = mf - 1.0
        p = jnp.full((_E,), _LOGC[-1], jnp.float32)
        for c in _LOGC[-2::-1]:
            p = p * u + jnp.float32(c)
        logz = bv + (ee.astype(jnp.float32) * jnp.float32(_LN2) + p)
        return [e * rs for e in es], logz * logz

    def process_chunk(buf, acc):
        def step(i, carry):
            a2 = carry
            for uu in range(_UNROLL):
                rows = iota + (i * _UNROLL + uu) * _E
                dps, dz = one_step(buf, rows)
                a2 = [a + d for a, d in zip(a2, dps + [dz])]
            return a2
        return lax.fori_loop(0, _CSTEPS // _UNROLL, step, acc)

    pltpu.async_copy(chunk_src(jnp.int32(0)), buf0, sem0)
    pltpu.async_copy(chunk_src(jnp.int32(1)), buf1, sem1)

    def outer(ci, carry):
        acc = carry
        for b in range(2):
            c = 2 * ci + b
            h = wid + _NW * (c >> 2)
            pltpu.make_async_copy(chunk_src(c), bufs[b], sems[b]).wait()

            @pl.when((c & 3) == 0)
            def _zero():
                for r in range(_E, 2 * _E):
                    accs[r, :] = jnp.zeros((_E,), jnp.float32)

            acc = process_chunk(bufs[b], acc)
            nc = c + 2

            @pl.when(nc < _NCH)
            def _next():
                pltpu.async_copy(chunk_src(nc), bufs[b], sems[b])

            done = (c & 3) == 3

            @pl.when(done)
            def _flush():
                for j in range(_E):
                    accs[j, :] = acc[j]
                accs[2 * _E, :] = acc[_E]
                pltpu.sync_copy(accs, out_hbm.at[h])

            acc = [jnp.where(done, 0.0, a) for a in acc]
        return acc

    init = [jnp.zeros((_E,), jnp.float32)] * (_E + 1)
    lax.fori_loop(0, _NCH // 2, outer, init)


_sc_stats = functools.partial(
    pl.kernel,
    mesh=plsc.VectorSubcoreMesh(core_axis_name="c", subcore_axis_name="s"),
    out_type=jax.ShapeDtypeStruct((_HS, _ROWS, _E), jnp.float32),
    scratch_types=[
        pltpu.VMEM((_CTOK, _E), jnp.float32),
        pltpu.VMEM((_CTOK, _E), jnp.float32),
        pltpu.VMEM((_ROWS, _E), jnp.float32),
        pltpu.SemaphoreType.DMA,
        pltpu.SemaphoreType.DMA,
    ],
    compiler_params=pltpu.CompilerParams(
        needs_layout_passes=False, skip_device_barrier=True),
)(_sc_body)


def _ep_body(d_ref, o_ref):
    d = d_ref[...]
    hh = lax.broadcasted_iota(jnp.int32, (_HS, 1, 1), 0)
    gh = (hh // 2) % 4
    ps = d[:, 0:_E, :]
    cs = d[:, _E:2 * _E, :]
    zsum = jnp.sum(d[:, 2 * _E:2 * _E + 1, :])
    pg, cg = [], []
    for g in range(4):
        mk = (gh == g).astype(jnp.float32)
        pg.append(jnp.sum(jnp.sum(ps * mk, axis=0), axis=1))
        cg.append(jnp.sum(jnp.sum(cs * mk, axis=0), axis=1))
    prob = jnp.stack(pg)
    cnt = jnp.stack(cg)
    over = jnp.maximum(cnt - _CAP, 0.0)
    keep = jnp.minimum(cnt, _CAP)
    extra = jnp.sum(over, axis=1, keepdims=True)
    e0 = (lax.broadcasted_iota(jnp.int32, (4, _E), 1) == 0).astype(jnp.float32)
    cadj = keep + extra * e0
    aux = jnp.sum(cadj * prob) * (_E * _E / (4.0 * _E * _T * _T))
    z = zsum / (4.0 * _T)
    o_ref[...] = jnp.full((1, 1), 0.001 * (z + aux), jnp.float32)


def kernel(router_outputs, attention_mask):
    del attention_mask
    parts = _sc_stats(router_outputs.reshape(_HS * _TOK, _E))
    out = pl.pallas_call(
        _ep_body,
        out_shape=jax.ShapeDtypeStruct((1, 1), jnp.float32),
    )(parts)
    return out[0, 0]

# --- scband reference (transcript-rebuilt; emitter-appended) ---
"""Pipeline reference for scband-switch-router-loss-13125420057240 (READ-ONLY COPY).

The authoritative reference and input builder live on the scoring server;
editing this copy changes nothing except your own understanding.
"""

import jax, jax.numpy as jnp
import numpy as np

NUM_EXPERTS = 16
EXPERT_CAPACITY = 2048
Z_COEF = 0.001
AUX_COEF = 0.001


def setup_inputs(seed: int = 0) -> dict:
    key = jax.random.key(seed)
    k1, k2 = jax.random.split(key)
    router_outputs = jax.random.normal(k1, (12, 4, 2048, NUM_EXPERTS), dtype=jnp.float32)
    attention_mask = jnp.ones((4, 2048), dtype=jnp.float32)
    return {"router_outputs": router_outputs, "attention_mask": attention_mask}


def _forward(router_outputs):
    # _switch_unpack_router_logits: concat per-layer logits along token dim
    router_logits = jnp.concatenate([router_outputs[i] for i in range(router_outputs.shape[0])], axis=1)
    num_groups, tokens_per_group, num_experts = router_logits.shape
    # z loss
    log_z = jax.scipy.special.logsumexp(router_logits, axis=-1)
    z_loss = jnp.sum(log_z ** 2) / (num_groups * tokens_per_group)
    # softmax probs
    router_probs = jax.nn.softmax(router_logits, axis=-1)
    # recompute expert indices with capacity constraint
    expert_index = jnp.argmax(router_probs, axis=-1)
    oh = jax.nn.one_hot(expert_index, num_experts, dtype=jnp.int32)
    token_priority = jnp.cumsum(oh, axis=-2)
    expert_capacity_mask = (token_priority <= EXPERT_CAPACITY).astype(jnp.int32)
    oh = oh * expert_capacity_mask
    expert_indexes = jnp.argmax(oh, axis=-1)
    # load balancing aux loss
    ei = expert_indexes[..., None]  # [G, T, 1]
    expert_mask = jax.nn.one_hot(ei, num_experts, dtype=jnp.float32)  # [G, T, 1, E]
    expert_mask = jnp.max(expert_mask, axis=-2)  # [G, T, E]
    tokens_per_group_and_expert = jnp.mean(expert_mask, axis=-2)
    router_prob_per_group_and_expert = jnp.mean(router_probs, axis=-2)
    aux_loss = jnp.mean(tokens_per_group_and_expert * router_prob_per_group_and_expert) * num_experts ** 2
    return Z_COEF * z_loss + AUX_COEF * aux_loss


def reference(router_outputs, attention_mask):
    return _forward(router_outputs)

if __name__ == "__main__":
    import jax
    _d = setup_inputs()
    print(jax.jit(kernel)(*tuple(_d.values())))

</pallas_src>

<mosaic_0001>
#map = affine_map<(d0, d1) -> (0, 0)>
#map1 = affine_map<(d0, d1) -> (0, 0, 0)>
module attributes {stable_mosaic.version = 14 : i64} {
  func.func @_sc_body(%arg0: i32, %arg1: i32, %arg2: memref<98304x16xf32, #tpu.memory_space<hbm>>, %arg3: memref<96x34x16xf32, #tpu.memory_space<hbm>>, %arg4: memref<256x16xf32, #tpu.memory_space<vmem>>, %arg5: memref<256x16xf32, #tpu.memory_space<vmem>>, %arg6: memref<34x16xf32, #tpu.memory_space<vmem>>, %arg7: memref<!tpu.dma_semaphore, #tpu.memory_space<semaphore_mem>>, %arg8: memref<!tpu.dma_semaphore, #tpu.memory_space<semaphore_mem>>) attributes {dimension_semantics = [#tpu.dimension_semantics<core_parallel>, #tpu.dimension_semantics<subcore_parallel>], iteration_bounds = array<i64: 2, 16>, scalar_prefetch = 0 : i64, scratch_operands = 5 : i64, tpu.core_type = #tpu.core_type<sc_vector_subcore>, window_params = [{transform_indices = #map}, {transform_indices = #map1}]} {
    %mul3A = arith.constant 2 : i32
    %mul3A_0 = arith.muli %arg1, %mul3A : i32
    %add3A = arith.addi %mul3A_0, %arg0 : i32
    %iota3A = tpu.iota {dimensions = array<i32: 0>} : vector<16xi32>
    %broadcast_in_dim3A = arith.constant 0 : i32
    %broadcast_in_dim3A_1 = vector.broadcast %broadcast_in_dim3A : i32 to vector<16xi32>
    %broadcast_in_dim3A_2 = arith.constant 1 : i32
    %broadcast_in_dim3A_3 = vector.broadcast %broadcast_in_dim3A_2 : i32 to vector<16xi32>
    %broadcast_in_dim3A_4 = arith.constant 2 : i32
    %broadcast_in_dim3A_5 = vector.broadcast %broadcast_in_dim3A_4 : i32 to vector<16xi32>
    %broadcast_in_dim3A_6 = arith.constant 3 : i32
    %broadcast_in_dim3A_7 = vector.broadcast %broadcast_in_dim3A_6 : i32 to vector<16xi32>
    %broadcast_in_dim3A_8 = arith.constant 4 : i32
    %broadcast_in_dim3A_9 = vector.broadcast %broadcast_in_dim3A_8 : i32 to vector<16xi32>
    %broadcast_in_dim3A_10 = arith.constant 5 : i32
    %broadcast_in_dim3A_11 = vector.broadcast %broadcast_in_dim3A_10 : i32 to vector<16xi32>
    %broadcast_in_dim3A_12 = arith.constant 6 : i32
    %broadcast_in_dim3A_13 = vector.broadcast %broadcast_in_dim3A_12 : i32 to vector<16xi32>
    %broadcast_in_dim3A_14 = arith.constant 7 : i32
    %broadcast_in_dim3A_15 = vector.broadcast %broadcast_in_dim3A_14 : i32 to vector<16xi32>
    %broadcast_in_dim3A_16 = arith.constant 8 : i32
    %broadcast_in_dim3A_17 = vector.broadcast %broadcast_in_dim3A_16 : i32 to vector<16xi32>
    %broadcast_in_dim3A_18 = arith.constant 9 : i32
    %broadcast_in_dim3A_19 = vector.broadcast %broadcast_in_dim3A_18 : i32 to vector<16xi32>
    %broadcast_in_dim3A_20 = arith.constant 10 : i32
    %broadcast_in_dim3A_21 = vector.broadcast %broadcast_in_dim3A_20 : i32 to vector<16xi32>
    %broadcast_in_dim3A_22 = arith.constant 11 : i32
    %broadcast_in_dim3A_23 = vector.broadcast %broadcast_in_dim3A_22 : i32 to vector<16xi32>
    %broadcast_in_dim3A_24 = arith.constant 12 : i32
    %broadcast_in_dim3A_25 = vector.broadcast %broadcast_in_dim3A_24 : i32 to vector<16xi32>
    %broadcast_in_dim3A_26 = arith.constant 13 : i32
    %broadcast_in_dim3A_27 = vector.broadcast %broadcast_in_dim3A_26 : i32 to vector<16xi32>
    %broadcast_in_dim3A_28 = arith.constant 14 : i32
    %broadcast_in_dim3A_29 = vector.broadcast %broadcast_in_dim3A_28 : i32 to vector<16xi32>
    %broadcast_in_dim3A_30 = arith.constant 15 : i32
    %broadcast_in_dim3A_31 = vector.broadcast %broadcast_in_dim3A_30 : i32 to vector<16xi32>
    %shift_right_arithmetic3A = arith.constant 0 : i32
    %shift_right_arithmetic3A_32 = arith.constant 2 : i32
    %shift_right_arithmetic3A_33 = arith.shrsi %shift_right_arithmetic3A, %shift_right_arithmetic3A_32 : i32
    %mul3A_34 = arith.constant 32 : i32
    %mul3A_35 = arith.muli %mul3A_34, %shift_right_arithmetic3A_33 : i32
    %add3A_36 = arith.addi %add3A, %mul3A_35 : i32
    %mul3A_37 = arith.constant 1024 : i32
    %mul3A_38 = arith.muli %add3A_36, %mul3A_37 : i32
    %and3A = arith.constant 0 : i32
    %and3A_39 = arith.constant 3 : i32
    %and3A_40 = arith.andi %and3A, %and3A_39 : i32
    %mul3A_41 = arith.constant 256 : i32
    %mul3A_42 = arith.muli %and3A_40, %mul3A_41 : i32
    %add3A_43 = arith.addi %mul3A_38, %mul3A_42 : i32
    %multiple_of3A = tpu.assume_multiple %add3A_43, 256 : i32
    %dma_start3A = arith.constant 0 : i32
    %dma_start3A_44 = tpu.memref_slice %arg2[%multiple_of3A, %dma_start3A] : memref<98304x16xf32, #tpu.memory_space<hbm>> -> memref<256x16xf32, #tpu.memory_space<hbm>>
    %dma_start3A_45 = arith.constant 0 : i32
    %dma_start3A_46 = tpu.memref_slice %arg2[%multiple_of3A, %dma_start3A_45] : memref<98304x16xf32, #tpu.memory_space<hbm>> -> memref<256x16xf32, #tpu.memory_space<hbm>>
    tpu.enqueue_dma source(%dma_start3A_46 : memref<256x16xf32, #tpu.memory_space<hbm>>) target(%arg4 : memref<256x16xf32, #tpu.memory_space<vmem>>) target_semaphore(%arg7 : memref<!tpu.dma_semaphore, #tpu.memory_space<semaphore_mem>>)
    %shift_right_arithmetic3A_47 = arith.constant 1 : i32
    %shift_right_arithmetic3A_48 = arith.constant 2 : i32
    %shift_right_arithmetic3A_49 = arith.shrsi %shift_right_arithmetic3A_47, %shift_right_arithmetic3A_48 : i32
    %mul3A_50 = arith.constant 32 : i32
    %mul3A_51 = arith.muli %mul3A_50, %shift_right_arithmetic3A_49 : i32
    %add3A_52 = arith.addi %add3A, %mul3A_51 : i32
    %mul3A_53 = arith.constant 1024 : i32
    %mul3A_54 = arith.muli %add3A_52, %mul3A_53 : i32
    %and3A_55 = arith.constant 1 : i32
    %and3A_56 = arith.constant 3 : i32
    %and3A_57 = arith.andi %and3A_55, %and3A_56 : i32
    %mul3A_58 = arith.constant 256 : i32
    %mul3A_59 = arith.muli %and3A_57, %mul3A_58 : i32
    %add3A_60 = arith.addi %mul3A_54, %mul3A_59 : i32
    %multiple_of3A_61 = tpu.assume_multiple %add3A_60, 256 : i32
    %dma_start3A_62 = arith.constant 0 : i32
    %dma_start3A_63 = tpu.memref_slice %arg2[%multiple_of3A_61, %dma_start3A_62] : memref<98304x16xf32, #tpu.memory_space<hbm>> -> memref<256x16xf32, #tpu.memory_space<hbm>>
    %dma_start3A_64 = arith.constant 0 : i32
    %dma_start3A_65 = tpu.memref_slice %arg2[%multiple_of3A_61, %dma_start3A_64] : memref<98304x16xf32, #tpu.memory_space<hbm>> -> memref<256x16xf32, #tpu.memory_space<hbm>>
    tpu.enqueue_dma source(%dma_start3A_65 : memref<256x16xf32, #tpu.memory_space<hbm>>) target(%arg5 : memref<256x16xf32, #tpu.memory_space<vmem>>) target_semaphore(%arg8 : memref<!tpu.dma_semaphore, #tpu.memory_space<semaphore_mem>>)
    %broadcast_in_dim3A_66 = arith.constant 0.000000e+00 : f32
    %broadcast_in_dim3A_67 = vector.broadcast %broadcast_in_dim3A_66 : f32 to vector<16xf32>
    %scan3A = arith.constant 0 : i32
    %scan3A_68 = arith.constant 6 : i32
    %scan3A_69 = arith.addi %scan3A, %scan3A_68 : i32
    %scan3A_70 = arith.constant 1 : i32
    %scan3A_71:17 = scf.for %scan3A_73 = %scan3A to %scan3A_69 step %scan3A_70 iter_args(%scan3A_74 = %broadcast_in_dim3A_67, %scan3A_75 = %broadcast_in_dim3A_67, %scan3A_76 = %broadcast_in_dim3A_67, %scan3A_77 = %broadcast_in_dim3A_67, %scan3A_78 = %broadcast_in_dim3A_67, %scan3A_79 = %broadcast_in_dim3A_67, %scan3A_80 = %broadcast_in_dim3A_67, %scan3A_81 = %broadcast_in_dim3A_67, %scan3A_82 = %broadcast_in_dim3A_67, %scan3A_83 = %broadcast_in_dim3A_67, %scan3A_84 = %broadcast_in_dim3A_67, %scan3A_85 = %broadcast_in_dim3A_67, %scan3A_86 = %broadcast_in_dim3A_67, %scan3A_87 = %broadcast_in_dim3A_67, %scan3A_88 = %broadcast_in_dim3A_67, %scan3A_89 = %broadcast_in_dim3A_67, %scan3A_90 = %broadcast_in_dim3A_67) -> (vector<16xf32>, vector<16xf32>, vector<16xf32>, vector<16xf32>, vector<16xf32>, vector<16xf32>, vector<16xf32>, vector<16xf32>, vector<16xf32>, vector<16xf32>, vector<16xf32>, vector<16xf32>, vector<16xf32>, vector<16xf32>, vector<16xf32>, vector<16xf32>, vector<16xf32>)  : i32 {
      %mul3A_91 = arith.constant 2 : i32
      %mul3A_92 = arith.muli %mul3A_91, %scan3A_73 : i32
      %add3A_93 = arith.constant 0 : i32
      %add3A_94 = arith.addi %mul3A_92, %add3A_93 : i32
      %shift_right_arithmetic3A_95 = arith.constant 2 : i32
      %shift_right_arithmetic3A_96 = arith.shrsi %add3A_94, %shift_right_arithmetic3A_95 : i32
      %mul3A_97 = arith.constant 32 : i32
      %mul3A_98 = arith.muli %mul3A_97, %shift_right_arithmetic3A_96 : i32
      %add3A_99 = arith.addi %add3A, %mul3A_98 : i32
      %shift_right_arithmetic3A_100 = arith.constant 2 : i32
      %shift_right_arithmetic3A_101 = arith.shrsi %add3A_94, %shift_right_arithmetic3A_100 : i32
      %mul3A_102 = arith.constant 32 : i32
      %mul3A_103 = arith.muli %mul3A_102, %shift_right_arithmetic3A_101 : i32
      %add3A_104 = arith.addi %add3A, %mul3A_103 : i32
      %mul3A_105 = arith.constant 1024 : i32
      %mul3A_106 = arith.muli %add3A_104, %mul3A_105 : i32
      %and3A_107 = arith.constant 3 : i32
      %and3A_108 = arith.andi %add3A_94, %and3A_107 : i32
      %mul3A_109 = arith.constant 256 : i32
      %mul3A_110 = arith.muli %and3A_108, %mul3A_109 : i32
      %add3A_111 = arith.addi %mul3A_106, %mul3A_110 : i32
      %multiple_of3A_112 = tpu.assume_multiple %add3A_111, 256 : i32
      %dma_wait3A = arith.constant 0 : i32
      %dma_wait3A_113 = tpu.memref_slice %arg2[%multiple_of3A_112, %dma_wait3A] : memref<98304x16xf32, #tpu.memory_space<hbm>> -> memref<256x16xf32, #tpu.memory_space<hbm>>
      %dma_wait3A_114 = arith.constant 0 : i32
      %dma_wait3A_115 = tpu.memref_slice %arg2[%multiple_of3A_112, %dma_wait3A_114] : memref<98304x16xf32, #tpu.memory_space<hbm>> -> memref<256x16xf32, #tpu.memory_space<hbm>>
      tpu.wait_dma2 semaphore(%arg7 : memref<!tpu.dma_semaphore, #tpu.memory_space<semaphore_mem>>) src(%dma_wait3A_115 : memref<256x16xf32, #tpu.memory_space<hbm>>) dst(%arg4 : memref<256x16xf32, #tpu.memory_space<vmem>>)
      %and3A_116 = arith.constant 3 : i32
      %and3A_117 = arith.andi %add3A_94, %and3A_116 : i32
      %eq3A = arith.constant 0 : i32
      %eq3A_118 = arith.cmpi eq, %and3A_117, %eq3A : i32
      %convert_element_type3A = arith.extui %eq3A_118 : i1 to i32
      %cond3A = arith.constant 0 : i32
      %cond3A_119 = arith.cmpi ne, %convert_element_type3A, %cond3A : i32
      scf.if %cond3A_119 {
        %broadcast_in_dim3A_292 = arith.constant 0.000000e+00 : f32
        %broadcast_in_dim3A_293 = vector.broadcast %broadcast_in_dim3A_292 : f32 to vector<16xf32>
        %swap3A = arith.constant 16 : i32
        %swap3A_294 = arith.index_cast %swap3A : i32 to index
        %swap3A_295 = arith.constant 0 : index
        %swap3A_296 = tpu.vector_load %arg6[%swap3A_294, %swap3A_295] {strides = array<i32>} : memref<34x16xf32, #tpu.memory_space<vmem>>, vector<16xf32>,
        tpu.vector_store %arg6[%swap3A_294, %swap3A_295], %broadcast_in_dim3A_293 {strides = array<i32>} : memref<34x16xf32, #tpu.memory_space<vmem>>, vector<16xf32>,
        %broadcast_in_dim3A_297 = arith.constant 0.000000e+00 : f32
        %broadcast_in_dim3A_298 = vector.broadcast %broadcast_in_dim3A_297 : f32 to vector<16xf32>
        %swap3A_299 = arith.constant 17 : i32
        %swap3A_300 = arith.index_cast %swap3A_299 : i32 to index
        %swap3A_301 = arith.constant 0 : index
        %swap3A_302 = tpu.vector_load %arg6[%swap3A_300, %swap3A_301] {strides = array<i32>} : memref<34x16xf32, #tpu.memory_space<vmem>>, vector<16xf32>,
        tpu.vector_store %arg6[%swap3A_300, %swap3A_301], %broadcast_in_dim3A_298 {strides = array<i32>} : memref<34x16xf32, #tpu.memory_space<vmem>>, vector<16xf32>,
        %broadcast_in_dim3A_303 = arith.constant 0.000000e+00 : f32
        %broadcast_in_dim3A_304 = vector.broadcast %broadcast_in_dim3A_303 : f32 to vector<16xf32>
        %swap3A_305 = arith.constant 18 : i32
        %swap3A_306 = arith.index_cast %swap3A_305 : i32 to index
        %swap3A_307 = arith.constant 0 : index
        %swap3A_308 = tpu.vector_load %arg6[%swap3A_306, %swap3A_307] {strides = array<i32>} : memref<34x16xf32, #tpu.memory_space<vmem>>, vector<16xf32>,
        tpu.vector_store %arg6[%swap3A_306, %swap3A_307], %broadcast_in_dim3A_304 {strides = array<i32>} : memref<34x16xf32, #tpu.memory_space<vmem>>, vector<16xf32>,
        %broadcast_in_dim3A_309 = arith.constant 0.000000e+00 : f32
        %broadcast_in_dim3A_310 = vector.broadcast %broadcast_in_dim3A_309 : f32 to vector<16xf32>
        %swap3A_311 = arith.constant 19 : i32
        %swap3A_312 = arith.index_cast %swap3A_311 : i32 to index
        %swap3A_313 = arith.constant 0 : index
        %swap3A_314 = tpu.vector_load %arg6[%swap3A_312, %swap3A_313] {strides = array<i32>} : memref<34x16xf32, #tpu.memory_space<vmem>>, vector<16xf32>,
        tpu.vector_store %arg6[%swap3A_312, %swap3A_313], %broadcast_in_dim3A_310 {strides = array<i32>} : memref<34x16xf32, #tpu.memory_space<vmem>>, vector<16xf32>,
        %broadcast_in_dim3A_315 = arith.constant 0.000000e+00 : f32
        %broadcast_in_dim3A_316 = vector.broadcast %broadcast_in_dim3A_315 : f32 to vector<16xf32>
        %swap3A_317 = arith.constant 20 : i32
        %swap3A_318 = arith.index_cast %swap3A_317 : i32 to index
        %swap3A_319 = arith.constant 0 : index
        %swap3A_320 = tpu.vector_load %arg6[%swap3A_318, %swap3A_319] {strides = array<i32>} : memref<34x16xf32, #tpu.memory_space<vmem>>, vector<16xf32>,
        tpu.vector_store %arg6[%swap3A_318, %swap3A_319], %broadcast_in_dim3A_316 {strides = array<i32>} : memref<34x16xf32, #tpu.memory_space<vmem>>, vector<16xf32>,
        %broadcast_in_dim3A_321 = arith.constant 0.000000e+00 : f32
        %broadcast_in_dim3A_322 = vector.broadcast %broadcast_in_dim3A_321 : f32 to vector<16xf32>
        %swap3A_323 = arith.constant 21 : i32
        %swap3A_324 = arith.index_cast %swap3A_323 : i32 to index
        %swap3A_325 = arith.constant 0 : index
        %swap3A_326 = tpu.vector_load %arg6[%swap3A_324, %swap3A_325] {strides = array<i32>} : memref<34x16xf32, #tpu.memory_space<vmem>>, vector<16xf32>,
        tpu.vector_store %arg6[%swap3A_324, %swap3A_325], %broadcast_in_dim3A_322 {strides = array<i32>} : memref<34x16xf32, #tpu.memory_space<vmem>>, vector<16xf32>,
        %broadcast_in_dim3A_327 = arith.constant 0.000000e+00 : f32
        %broadcast_in_dim3A_328 = vector.broadcast %broadcast_in_dim3A_327 : f32 to vector<16xf32>
        %swap3A_329 = arith.constant 22 : i32
        %swap3A_330 = arith.index_cast %swap3A_329 : i32 to index
        %swap3A_331 = arith.constant 0 : index
        %swap3A_332 = tpu.vector_load %arg6[%swap3A_330, %swap3A_331] {strides = array<i32>} : memref<34x16xf32, #tpu.memory_space<vmem>>, vector<16xf32>,
        tpu.vector_store %arg6[%swap3A_330, %swap3A_331], %broadcast_in_dim3A_328 {strides = array<i32>} : memref<34x16xf32, #tpu.memory_space<vmem>>, vector<16xf32>,
        %broadcast_in_dim3A_333 = arith.constant 0.000000e+00 : f32
        %broadcast_in_dim3A_334 = vector.broadcast %broadcast_in_dim3A_333 : f32 to vector<16xf32>
        %swap3A_335 = arith.constant 23 : i32
        %swap3A_336 = arith.index_cast %swap3A_335 : i32 to index
        %swap3A_337 = arith.constant 0 : index
        %swap3A_338 = tpu.vector_load %arg6[%swap3A_336, %swap3A_337] {strides = array<i32>} : memref<34x16xf32, #tpu.memory_space<vmem>>, vector<16xf32>,
        tpu.vector_store %arg6[%swap3A_336, %swap3A_337], %broadcast_in_dim3A_334 {strides = array<i32>} : memref<34x16xf32, #tpu.memory_space<vmem>>, vector<16xf32>,
        %broadcast_in_dim3A_339 = arith.constant 0.000000e+00 : f32
        %broadcast_in_dim3A_340 = vector.broadcast %broadcast_in_dim3A_339 : f32 to vector<16xf32>
        %swap3A_341 = arith.constant 24 : i32
        %swap3A_342 = arith.index_cast %swap3A_341 : i32 to index
        %swap3A_343 = arith.constant 0 : index
        %swap3A_344 = tpu.vector_load %arg6[%swap3A_342, %swap3A_343] {strides = array<i32>} : memref<34x16xf32, #tpu.memory_space<vmem>>, vector<16xf32>,
        tpu.vector_store %arg6[%swap3A_342, %swap3A_343], %broadcast_in_dim3A_340 {strides = array<i32>} : memref<34x16xf32, #tpu.memory_space<vmem>>, vector<16xf32>,
        %broadcast_in_dim3A_345 = arith.constant 0.000000e+00 : f32
        %broadcast_in_dim3A_346 = vector.broadcast %broadcast_in_dim3A_345 : f32 to vector<16xf32>
        %swap3A_347 = arith.constant 25 : i32
        %swap3A_348 = arith.index_cast %swap3A_347 : i32 to index
        %swap3A_349 = arith.constant 0 : index
        %swap3A_350 = tpu.vector_load %arg6[%swap3A_348, %swap3A_349] {strides = array<i32>} : memref<34x16xf32, #tpu.memory_space<vmem>>, vector<16xf32>,
        tpu.vector_store %arg6[%swap3A_348, %swap3A_349], %broadcast_in_dim3A_346 {strides = array<i32>} : memref<34x16xf32, #tpu.memory_space<vmem>>, vector<16xf32>,
        %broadcast_in_dim3A_351 = arith.constant 0.000000e+00 : f32
        %broadcast_in_dim3A_352 = vector.broadcast %broadcast_in_dim3A_351 : f32 to vector<16xf32>
        %swap3A_353 = arith.constant 26 : i32
        %swap3A_354 = arith.index_cast %swap3A_353 : i32 to index
        %swap3A_355 = arith.constant 0 : index
        %swap3A_356 = tpu.vector_load %arg6[%swap3A_354, %swap3A_355] {strides = array<i32>} : memref<34x16xf32, #tpu.memory_space<vmem>>, vector<16xf32>,
        tpu.vector_store %arg6[%swap3A_354, %swap3A_355], %broadcast_in_dim3A_352 {strides = array<i32>} : memref<34x16xf32, #tpu.memory_space<vmem>>, vector<16xf32>,
        %broadcast_in_dim3A_357 = arith.constant 0.000000e+00 : f32
        %broadcast_in_dim3A_358 = vector.broadcast %broadcast_in_dim3A_357 : f32 to vector<16xf32>
        %swap3A_359 = arith.constant 27 : i32
        %swap3A_360 = arith.index_cast %swap3A_359 : i32 to index
        %swap3A_361 = arith.constant 0 : index
        %swap3A_362 = tpu.vector_load %arg6[%swap3A_360, %swap3A_361] {strides = array<i32>} : memref<34x16xf32, #tpu.memory_space<vmem>>, vector<16xf32>,
        tpu.vector_store %arg6[%swap3A_360, %swap3A_361], %broadcast_in_dim3A_358 {strides = array<i32>} : memref<34x16xf32, #tpu.memory_space<vmem>>, vector<16xf32>,
        %broadcast_in_dim3A_363 = arith.constant 0.000000e+00 : f32
        %broadcast_in_dim3A_364 = vector.broadcast %broadcast_in_dim3A_363 : f32 to vector<16xf32>
        %swap3A_365 = arith.constant 28 : i32
        %swap3A_366 = arith.index_cast %swap3A_365 : i32 to index
        %swap3A_367 = arith.constant 0 : index
        %swap3A_368 = tpu.vector_load %arg6[%swap3A_366, %swap3A_367] {strides = array<i32>} : memref<34x16xf32, #tpu.memory_space<vmem>>, vector<16xf32>,
        tpu.vector_store %arg6[%swap3A_366, %swap3A_367], %broadcast_in_dim3A_364 {strides = array<i32>} : memref<34x16xf32, #tpu.memory_space<vmem>>, vector<16xf32>,
        %broadcast_in_dim3A_369 = arith.constant 0.000000e+00 : f32
        %broadcast_in_dim3A_370 = vector.broadcast %broadcast_in_dim3A_369 : f32 to vector<16xf32>
        %swap3A_371 = arith.constant 29 : i32
        %swap3A_372 = arith.index_cast %swap3A_371 : i32 to index
        %swap3A_373 = arith.constant 0 : index
        %swap3A_374 = tpu.vector_load %arg6[%swap3A_372, %swap3A_373] {strides = array<i32>} : memref<34x16xf32, #tpu.memory_space<vmem>>, vector<16xf32>,
        tpu.vector_store %arg6[%swap3A_372, %swap3A_373], %broadcast_in_dim3A_370 {strides = array<i32>} : memref<34x16xf32, #tpu.memory_space<vmem>>, vector<16xf32>,
        %broadcast_in_dim3A_375 = arith.constant 0.000000e+00 : f32
        %broadcast_in_dim3A_376 = vector.broadcast %broadcast_in_dim3A_375 : f32 to vector<16xf32>
        %swap3A_377 = arith.constant 30 : i32
        %swap3A_378 = arith.index_cast %swap3A_377 : i32 to index
        %swap3A_379 = arith.constant 0 : index
        %swap3A_380 = tpu.vector_load %arg6[%swap3A_378, %swap3A_379] {strides = array<i32>} : memref<34x16xf32, #tpu.memory_space<vmem>>, vector<16xf32>,
        tpu.vector_store %arg6[%swap3A_378, %swap3A_379], %broadcast_in_dim3A_376 {strides = array<i32>} : memref<34x16xf32, #tpu.memory_space<vmem>>, vector<16xf32>,
        %broadcast_in_dim3A_381 = arith.constant 0.000000e+00 : f32
        %broadcast_in_dim3A_382 = vector.broadcast %broadcast_in_dim3A_381 : f32 to vector<16xf32>
        %swap3A_383 = arith.constant 31 : i32
        %swap3A_384 = arith.index_cast %swap3A_383 : i32 to index
        %swap3A_385 = arith.constant 0 : index
        %swap3A_386 = tpu.vector_load %arg6[%swap3A_384, %swap3A_385] {strides = array<i32>} : memref<34x16xf32, #tpu.memory_space<vmem>>, vector<16xf32>,
        tpu.vector_store %arg6[%swap3A_384, %swap3A_385], %broadcast_in_dim3A_382 {strides = array<i32>} : memref<34x16xf32, #tpu.memory_space<vmem>>, vector<16xf32>,
      } else {
      }
      %scan3A_120 = arith.constant 0 : i32
      %scan3A_121 = arith.constant 8 : i32
      %scan3A_122 = arith.addi %scan3A_120, %scan3A_121 : i32
      %scan3A_123 = arith.constant 1 : i32
      %scan3A_124:17 = scf.for %scan3A_292 = %scan3A_120 to %scan3A_122 step %scan3A_123 iter_args(%scan3A_293 = %scan3A_74, %scan3A_294 = %scan3A_75, %scan3A_295 = %scan3A_76, %scan3A_296 = %scan3A_77, %scan3A_297 = %scan3A_78, %scan3A_298 = %scan3A_79, %scan3A_299 = %scan3A_80, %scan3A_300 = %scan3A_81, %scan3A_301 = %scan3A_82, %scan3A_302 = %scan3A_83, %scan3A_303 = %scan3A_84, %scan3A_304 = %scan3A_85, %scan3A_305 = %scan3A_86, %scan3A_306 = %scan3A_87, %scan3A_307 = %scan3A_88, %scan3A_308 = %scan3A_89, %scan3A_309 = %scan3A_90) -> (vector<16xf32>, vector<16xf32>, vector<16xf32>, vector<16xf32>, vector<16xf32>, vector<16xf32>, vector<16xf32>, vector<16xf32>, vector<16xf32>, vector<16xf32>, vector<16xf32>, vector<16xf32>, vector<16xf32>, vector<16xf32>, vector<16xf32>, vector<16xf32>, vector<16xf32>)  : i32 {
        %mul3A_310 = arith.constant 2 : i32
        %mul3A_311 = arith.muli %scan3A_292, %mul3A_310 : i32
        %add3A_312 = arith.constant 0 : i32
        %add3A_313 = arith.addi %mul3A_311, %add3A_312 : i32
        %mul3A_314 = arith.constant 16 : i32
        %mul3A_315 = arith.muli %add3A_313, %mul3A_314 : i32
        %add3A_316 = vector.broadcast %mul3A_315 : i32 to vector<16xi32>
        %add3A_317 = arith.addi %iota3A, %add3A_316 : vector<16xi32>
        %gather3A = tpu.vector_load_idx %arg4[%add3A_317, %broadcast_in_dim3A_1] : memref<256x16xf32, #tpu.memory_space<vmem>>[vector<16xi32>, vector<16xi32>], vector<16xf32>,
        %gather3A_318 = tpu.vector_load_idx %arg4[%add3A_317, %broadcast_in_dim3A_3] : memref<256x16xf32, #tpu.memory_space<vmem>>[vector<16xi32>, vector<16xi32>], vector<16xf32>,
        %gather3A_319 = tpu.vector_load_idx %arg4[%add3A_317, %broadcast_in_dim3A_5] : memref<256x16xf32, #tpu.memory_space<vmem>>[vector<16xi32>, vector<16xi32>], vector<16xf32>,
        %gather3A_320 = tpu.vector_load_idx %arg4[%add3A_317, %broadcast_in_dim3A_7] : memref<256x16xf32, #tpu.memory_space<vmem>>[vector<16xi32>, vector<16xi32>], vector<16xf32>,
        %gather3A_321 = tpu.vector_load_idx %arg4[%add3A_317, %broadcast_in_dim3A_9] : memref<256x16xf32, #tpu.memory_space<vmem>>[vector<16xi32>, vector<16xi32>], vector<16xf32>,
        %gather3A_322 = tpu.vector_load_idx %arg4[%add3A_317, %broadcast_in_dim3A_11] : memref<256x16xf32, #tpu.memory_space<vmem>>[vector<16xi32>, vector<16xi32>], vector<16xf32>,
        %gather3A_323 = tpu.vector_load_idx %arg4[%add3A_317, %broadcast_in_dim3A_13] : memref<256x16xf32, #tpu.memory_space<vmem>>[vector<16xi32>, vector<16xi32>], vector<16xf32>,
        %gather3A_324 = tpu.vector_load_idx %arg4[%add3A_317, %broadcast_in_dim3A_15] : memref<256x16xf32, #tpu.memory_space<vmem>>[vector<16xi32>, vector<16xi32>], vector<16xf32>,
        %gather3A_325 = tpu.vector_load_idx %arg4[%add3A_317, %broadcast_in_dim3A_17] : memref<256x16xf32, #tpu.memory_space<vmem>>[vector<16xi32>, vector<16xi32>], vector<16xf32>,
        %gather3A_326 = tpu.vector_load_idx %arg4[%add3A_317, %broadcast_in_dim3A_19] : memref<256x16xf32, #tpu.memory_space<vmem>>[vector<16xi32>, vector<16xi32>], vector<16xf32>,
        %gather3A_327 = tpu.vector_load_idx %arg4[%add3A_317, %broadcast_in_dim3A_21] : memref<256x16xf32, #tpu.memory_space<vmem>>[vector<16xi32>, vector<16xi32>], vector<16xf32>,
        %gather3A_328 = tpu.vector_load_idx %arg4[%add3A_317, %broadcast_in_dim3A_23] : memref<256x16xf32, #tpu.memory_space<vmem>>[vector<16xi32>, vector<16xi32>], vector<16xf32>,
        %gather3A_329 = tpu.vector_load_idx %arg4[%add3A_317, %broadcast_in_dim3A_25] : memref<256x16xf32, #tpu.memory_space<vmem>>[vector<16xi32>, vector<16xi32>], vector<16xf32>,
        %gather3A_330 = tpu.vector_load_idx %arg4[%add3A_317, %broadcast_in_dim3A_27] : memref<256x16xf32, #tpu.memory_space<vmem>>[vector<16xi32>, vector<16xi32>], vector<16xf32>,
        %gather3A_331 = tpu.vector_load_idx %arg4[%add3A_317, %broadcast_in_dim3A_29] : memref<256x16xf32, #tpu.memory_space<vmem>>[vector<16xi32>, vector<16xi32>], vector<16xf32>,
        %gather3A_332 = tpu.vector_load_idx %arg4[%add3A_317, %broadcast_in_dim3A_31] : memref<256x16xf32, #tpu.memory_space<vmem>>[vector<16xi32>, vector<16xi32>], vector<16xf32>,
        %broadcast_in_dim3A_333 = arith.constant 0 : i32
        %broadcast_in_dim3A_334 = vector.broadcast %broadcast_in_dim3A_333 : i32 to vector<16xi32>
        %broadcast_in_dim3A_335 = arith.constant 1 : i32
        %broadcast_in_dim3A_336 = vector.broadcast %broadcast_in_dim3A_335 : i32 to vector<16xi32>
        %broadcast_in_dim3A_337 = arith.constant 2 : i32
        %broadcast_in_dim3A_338 = vector.broadcast %broadcast_in_dim3A_337 : i32 to vector<16xi32>
        %broadcast_in_dim3A_339 = arith.constant 3 : i32
        %broadcast_in_dim3A_340 = vector.broadcast %broadcast_in_dim3A_339 : i32 to vector<16xi32>
        %broadcast_in_dim3A_341 = arith.constant 4 : i32
        %broadcast_in_dim3A_342 = vector.broadcast %broadcast_in_dim3A_341 : i32 to vector<16xi32>
        %broadcast_in_dim3A_343 = arith.constant 5 : i32
        %broadcast_in_dim3A_344 = vector.broadcast %broadcast_in_dim3A_343 : i32 to vector<16xi32>
        %broadcast_in_dim3A_345 = arith.constant 6 : i32
        %broadcast_in_dim3A_346 = vector.broadcast %broadcast_in_dim3A_345 : i32 to vector<16xi32>
        %broadcast_in_dim3A_347 = arith.constant 7 : i32
        %broadcast_in_dim3A_348 = vector.broadcast %broadcast_in_dim3A_347 : i32 to vector<16xi32>
        %broadcast_in_dim3A_349 = arith.constant 8 : i32
        %broadcast_in_dim3A_350 = vector.broadcast %broadcast_in_dim3A_349 : i32 to vector<16xi32>
        %broadcast_in_dim3A_351 = arith.constant 9 : i32
        %broadcast_in_dim3A_352 = vector.broadcast %broadcast_in_dim3A_351 : i32 to vector<16xi32>
        %broadcast_in_dim3A_353 = arith.constant 10 : i32
        %broadcast_in_dim3A_354 = vector.broadcast %broadcast_in_dim3A_353 : i32 to vector<16xi32>
        %broadcast_in_dim3A_355 = arith.constant 11 : i32
        %broadcast_in_dim3A_356 = vector.broadcast %broadcast_in_dim3A_355 : i32 to vector<16xi32>
        %broadcast_in_dim3A_357 = arith.constant 12 : i32
        %broadcast_in_dim3A_358 = vector.broadcast %broadcast_in_dim3A_357 : i32 to vector<16xi32>
        %broadcast_in_dim3A_359 = arith.constant 13 : i32
        %broadcast_in_dim3A_360 = vector.broadcast %broadcast_in_dim3A_359 : i32 to vector<16xi32>
        %broadcast_in_dim3A_361 = arith.constant 14 : i32
        %broadcast_in_dim3A_362 = vector.broadcast %broadcast_in_dim3A_361 : i32 to vector<16xi32>
        %broadcast_in_dim3A_363 = arith.constant 15 : i32
        %broadcast_in_dim3A_364 = vector.broadcast %broadcast_in_dim3A_363 : i32 to vector<16xi32>
        %gt3A = arith.cmpf ogt, %gather3A_318, %gather3A : vector<16xf32>
        %select_n3A_365 = arith.select %gt3A, %gather3A_318, %gather3A : vector<16xi1>, vector<16xf32>
        %select_n3A_366 = arith.select %gt3A, %broadcast_in_dim3A_336, %broadcast_in_dim3A_334 : vector<16xi1>, vector<16xi32>
        %gt3A_367 = arith.cmpf ogt, %gather3A_320, %gather3A_319 : vector<16xf32>
        %select_n3A_368 = arith.select %gt3A_367, %gather3A_320, %gather3A_319 : vector<16xi1>, vector<16xf32>
        %select_n3A_369 = arith.select %gt3A_367, %broadcast_in_dim3A_340, %broadcast_in_dim3A_338 : vector<16xi1>, vector<16xi32>
        %gt3A_370 = arith.cmpf ogt, %gather3A_322, %gather3A_321 : vector<16xf32>
        %select_n3A_371 = arith.select %gt3A_370, %gather3A_322, %gather3A_321 : vector<16xi1>, vector<16xf32>
        %select_n3A_372 = arith.select %gt3A_370, %broadcast_in_dim3A_344, %broadcast_in_dim3A_342 : vector<16xi1>, vector<16xi32>
        %gt3A_373 = arith.cmpf ogt, %gather3A_324, %gather3A_323 : vector<16xf32>
        %select_n3A_374 = arith.select %gt3A_373, %gather3A_324, %gather3A_323 : vector<16xi1>, vector<16xf32>
        %select_n3A_375 = arith.select %gt3A_373, %broadcast_in_dim3A_348, %broadcast_in_dim3A_346 : vector<16xi1>, vector<16xi32>
        %gt3A_376 = arith.cmpf ogt, %gather3A_326, %gather3A_325 : vector<16xf32>
        %select_n3A_377 = arith.select %gt3A_376, %gather3A_326, %gather3A_325 : vector<16xi1>, vector<16xf32>
        %select_n3A_378 = arith.select %gt3A_376, %broadcast_in_dim3A_352, %broadcast_in_dim3A_350 : vector<16xi1>, vector<16xi32>
        %gt3A_379 = arith.cmpf ogt, %gather3A_328, %gather3A_327 : vector<16xf32>
        %select_n3A_380 = arith.select %gt3A_379, %gather3A_328, %gather3A_327 : vector<16xi1>, vector<16xf32>
        %select_n3A_381 = arith.select %gt3A_379, %broadcast_in_dim3A_356, %broadcast_in_dim3A_354 : vector<16xi1>, vector<16xi32>
        %gt3A_382 = arith.cmpf ogt, %gather3A_330, %gather3A_329 : vector<16xf32>
        %select_n3A_383 = arith.select %gt3A_382, %gather3A_330, %gather3A_329 : vector<16xi1>, vector<16xf32>
        %select_n3A_384 = arith.select %gt3A_382, %broadcast_in_dim3A_360, %broadcast_in_dim3A_358 : vector<16xi1>, vector<16xi32>
        %gt3A_385 = arith.cmpf ogt, %gather3A_332, %gather3A_331 : vector<16xf32>
        %select_n3A_386 = arith.select %gt3A_385, %gather3A_332, %gather3A_331 : vector<16xi1>, vector<16xf32>
        %select_n3A_387 = arith.select %gt3A_385, %broadcast_in_dim3A_364, %broadcast_in_dim3A_362 : vector<16xi1>, vector<16xi32>
        %gt3A_388 = arith.cmpf ogt, %select_n3A_368, %select_n3A_365 : vector<16xf32>
        %select_n3A_389 = arith.select %gt3A_388, %select_n3A_368, %select_n3A_365 : vector<16xi1>, vector<16xf32>
        %select_n3A_390 = arith.select %gt3A_388, %select_n3A_369, %select_n3A_366 : vector<16xi1>, vector<16xi32>
        %gt3A_391 = arith.cmpf ogt, %select_n3A_374, %select_n3A_371 : vector<16xf32>
        %select_n3A_392 = arith.select %gt3A_391, %select_n3A_374, %select_n3A_371 : vector<16xi1>, vector<16xf32>
        %select_n3A_393 = arith.select %gt3A_391, %select_n3A_375, %select_n3A_372 : vector<16xi1>, vector<16xi32>
        %gt3A_394 = arith.cmpf ogt, %select_n3A_380, %select_n3A_377 : vector<16xf32>
        %select_n3A_395 = arith.select %gt3A_394, %select_n3A_380, %select_n3A_377 : vector<16xi1>, vector<16xf32>
        %select_n3A_396 = arith.select %gt3A_394, %select_n3A_381, %select_n3A_378 : vector<16xi1>, vector<16xi32>
        %gt3A_397 = arith.cmpf ogt, %select_n3A_386, %select_n3A_383 : vector<16xf32>
        %select_n3A_398 = arith.select %gt3A_397, %select_n3A_386, %select_n3A_383 : vector<16xi1>, vector<16xf32>
        %select_n3A_399 = arith.select %gt3A_397, %select_n3A_387, %select_n3A_384 : vector<16xi1>, vector<16xi32>
        %gt3A_400 = arith.cmpf ogt, %select_n3A_392, %select_n3A_389 : vector<16xf32>
        %select_n3A_401 = arith.select %gt3A_400, %select_n3A_392, %select_n3A_389 : vector<16xi1>, vector<16xf32>
        %select_n3A_402 = arith.select %gt3A_400, %select_n3A_393, %select_n3A_390 : vector<16xi1>, vector<16xi32>
        %gt3A_403 = arith.cmpf ogt, %select_n3A_398, %select_n3A_395 : vector<16xf32>
        %select_n3A_404 = arith.select %gt3A_403, %select_n3A_398, %select_n3A_395 : vector<16xi1>, vector<16xf32>
        %select_n3A_405 = arith.select %gt3A_403, %select_n3A_399, %select_n3A_396 : vector<16xi1>, vector<16xi32>
        %gt3A_406 = arith.cmpf ogt, %select_n3A_404, %select_n3A_401 : vector<16xf32>
        %select_n3A_407 = arith.select %gt3A_406, %select_n3A_404, %select_n3A_401 : vector<16xi1>, vector<16xf32>
        %select_n3A_408 = arith.select %gt3A_406, %select_n3A_405, %select_n3A_402 : vector<16xi1>, vector<16xi32>
        %sub3A = arith.subf %gather3A, %select_n3A_407 : vector<16xf32>
        %exp3A = math.exp %sub3A : vector<16xf32>
        %sub3A_409 = arith.subf %gather3A_318, %select_n3A_407 : vector<16xf32>
        %exp3A_410 = math.exp %sub3A_409 : vector<16xf32>
        %sub3A_411 = arith.subf %gather3A_319, %select_n3A_407 : vector<16xf32>
        %exp3A_412 = math.exp %sub3A_411 : vector<16xf32>
        %sub3A_413 = arith.subf %gather3A_320, %select_n3A_407 : vector<16xf32>
        %exp3A_414 = math.exp %sub3A_413 : vector<16xf32>
        %sub3A_415 = arith.subf %gather3A_321, %select_n3A_407 : vector<16xf32>
        %exp3A_416 = math.exp %sub3A_415 : vector<16xf32>
        %sub3A_417 = arith.subf %gather3A_322, %select_n3A_407 : vector<16xf32>
        %exp3A_418 = math.exp %sub3A_417 : vector<16xf32>
        %sub3A_419 = arith.subf %gather3A_323, %select_n3A_407 : vector<16xf32>
        %exp3A_420 = math.exp %sub3A_419 : vector<16xf32>
        %sub3A_421 = arith.subf %gather3A_324, %select_n3A_407 : vector<16xf32>
        %exp3A_422 = math.exp %sub3A_421 : vector<16xf32>
        %sub3A_423 = arith.subf %gather3A_325, %select_n3A_407 : vector<16xf32>
        %exp3A_424 = math.exp %sub3A_423 : vector<16xf32>
        %sub3A_425 = arith.subf %gather3A_326, %select_n3A_407 : vector<16xf32>
        %exp3A_426 = math.exp %sub3A_425 : vector<16xf32>
        %sub3A_427 = arith.subf %gather3A_327, %select_n3A_407 : vector<16xf32>
        %exp3A_428 = math.exp %sub3A_427 : vector<16xf32>
        %sub3A_429 = arith.subf %gather3A_328, %select_n3A_407 : vector<16xf32>
        %exp3A_430 = math.exp %sub3A_429 : vector<16xf32>
        %sub3A_431 = arith.subf %gather3A_329, %select_n3A_407 : vector<16xf32>
        %exp3A_432 = math.exp %sub3A_431 : vector<16xf32>
        %sub3A_433 = arith.subf %gather3A_330, %select_n3A_407 : vector<16xf32>
        %exp3A_434 = math.exp %sub3A_433 : vector<16xf32>
        %sub3A_435 = arith.subf %gather3A_331, %select_n3A_407 : vector<16xf32>
        %exp3A_436 = math.exp %sub3A_435 : vector<16xf32>
        %sub3A_437 = arith.subf %gather3A_332, %select_n3A_407 : vector<16xf32>
        %exp3A_438 = math.exp %sub3A_437 : vector<16xf32>
        %add3A_439 = arith.addf %exp3A, %exp3A_410 : vector<16xf32>
        %add3A_440 = arith.addf %exp3A_412, %exp3A_414 : vector<16xf32>
        %add3A_441 = arith.addf %exp3A_416, %exp3A_418 : vector<16xf32>
        %add3A_442 = arith.addf %exp3A_420, %exp3A_422 : vector<16xf32>
        %add3A_443 = arith.addf %exp3A_424, %exp3A_426 : vector<16xf32>
        %add3A_444 = arith.addf %exp3A_428, %exp3A_430 : vector<16xf32>
        %add3A_445 = arith.addf %exp3A_432, %exp3A_434 : vector<16xf32>
        %add3A_446 = arith.addf %exp3A_436, %exp3A_438 : vector<16xf32>
        %add3A_447 = arith.addf %add3A_439, %add3A_440 : vector<16xf32>
        %add3A_448 = arith.addf %add3A_441, %add3A_442 : vector<16xf32>
        %add3A_449 = arith.addf %add3A_443, %add3A_444 : vector<16xf32>
        %add3A_450 = arith.addf %add3A_445, %add3A_446 : vector<16xf32>
        %add3A_451 = arith.addf %add3A_447, %add3A_448 : vector<16xf32>
        %add3A_452 = arith.addf %add3A_449, %add3A_450 : vector<16xf32>
        %add3A_453 = arith.addf %add3A_451, %add3A_452 : vector<16xf32>
        %div3A = arith.constant 1.000000e+00 : f32
        %div3A_454 = vector.broadcast %div3A : f32 to vector<16xf32>
        %div3A_455 = arith.divf %div3A_454, %add3A_453 : vector<16xf32>
        %add3A_456 = arith.constant 16 : i32
        %add3A_457 = vector.broadcast %add3A_456 : i32 to vector<16xi32>
        %add3A_458 = arith.addi %select_n3A_408, %add3A_457 : vector<16xi32>
        %broadcast_in_dim3A_459 = arith.constant 1.000000e+00 : f32
        %broadcast_in_dim3A_460 = vector.broadcast %broadcast_in_dim3A_459 : f32 to vector<16xf32>
        tpu.vector_store_idx %arg6[%add3A_458, %iota3A], %broadcast_in_dim3A_460 {add = true} : memref<34x16xf32, #tpu.memory_space<vmem>>[vector<16xi32>, vector<16xi32>], vector<16xf32>,
        %bitcast3A = vector.bitcast %add3A_453 : vector<16xf32> to vector<16xi32>
        %sub3A_461 = arith.constant 1060439283 : i32
        %sub3A_462 = vector.broadcast %sub3A_461 : i32 to vector<16xi32>
        %sub3A_463 = arith.subi %bitcast3A, %sub3A_462 : vector<16xi32>
        %shift_right_arithmetic3A_464 = arith.constant 23 : i32
        %shift_right_arithmetic3A_465 = vector.broadcast %shift_right_arithmetic3A_464 : i32 to vector<16xi32>
        %shift_right_arithmetic3A_466 = arith.shrsi %sub3A_463, %shift_right_arithmetic3A_465 : vector<16xi32>
        %shift_left3A = arith.constant 23 : i32
        %shift_left3A_467 = vector.broadcast %shift_left3A : i32 to vector<16xi32>
        %shift_left3A_468 = arith.shli %shift_right_arithmetic3A_466, %shift_left3A_467 : vector<16xi32>
        %sub3A_469 = arith.subi %bitcast3A, %shift_left3A_468 : vector<16xi32>
        %bitcast3A_470 = vector.bitcast %sub3A_469 : vector<16xi32> to vector<16xf32>
        %sub3A_471 = arith.constant 1.000000e+00 : f32
        %sub3A_472 = vector.broadcast %sub3A_471 : f32 to vector<16xf32>
        %sub3A_473 = arith.subf %bitcast3A_470, %sub3A_472 : vector<16xf32>
        %broadcast_in_dim3A_474 = arith.constant 0.114484355 : f32
        %broadcast_in_dim3A_475 = vector.broadcast %broadcast_in_dim3A_474 : f32 to vector<16xf32>
        %mul3A_476 = arith.mulf %broadcast_in_dim3A_475, %sub3A_473 : vector<16xf32>
        %add3A_477 = arith.constant -0.186276972 : f32
        %add3A_478 = vector.broadcast %add3A_477 : f32 to vector<16xf32>
        %add3A_479 = arith.addf %mul3A_476, %add3A_478 : vector<16xf32>
        %mul3A_480 = arith.mulf %add3A_479, %sub3A_473 : vector<16xf32>
        %add3A_481 = arith.constant 0.206117854 : f32
        %add3A_482 = vector.broadcast %add3A_481 : f32 to vector<16xf32>
        %add3A_483 = arith.addf %mul3A_480, %add3A_482 : vector<16xf32>
        %mul3A_484 = arith.mulf %add3A_483, %sub3A_473 : vector<16xf32>
        %add3A_485 = arith.constant -0.249112099 : f32
        %add3A_486 = vector.broadcast %add3A_485 : f32 to vector<16xf32>
        %add3A_487 = arith.addf %mul3A_484, %add3A_486 : vector<16xf32>
        %mul3A_488 = arith.mulf %add3A_487, %sub3A_473 : vector<16xf32>
        %add3A_489 = arith.constant 0.333048135 : f32
        %add3A_490 = vector.broadcast %add3A_489 : f32 to vector<16xf32>
        %add3A_491 = arith.addf %mul3A_488, %add3A_490 : vector<16xf32>
        %mul3A_492 = arith.mulf %add3A_491, %sub3A_473 : vector<16xf32>
        %add3A_493 = arith.constant -0.500012934 : f32
        %add3A_494 = vector.broadcast %add3A_493 : f32 to vector<16xf32>
        %add3A_495 = arith.addf %mul3A_492, %add3A_494 : vector<16xf32>
        %mul3A_496 = arith.mulf %add3A_495, %sub3A_473 : vector<16xf32>
        %add3A_497 = arith.constant 1.0000031 : f32
        %add3A_498 = vector.broadcast %add3A_497 : f32 to vector<16xf32>
        %add3A_499 = arith.addf %mul3A_496, %add3A_498 : vector<16xf32>
        %mul3A_500 = arith.mulf %add3A_499, %sub3A_473 : vector<16xf32>
        %add3A_501 = arith.constant 3.34232695E-8 : f32
        %add3A_502 = vector.broadcast %add3A_501 : f32 to vector<16xf32>
        %add3A_503 = arith.addf %mul3A_500, %add3A_502 : vector<16xf32>
        %convert_element_type3A_504 = arith.sitofp %shift_right_arithmetic3A_466 : vector<16xi32> to vector<16xf32>
        %mul3A_505 = arith.constant 0.693147182 : f32
        %mul3A_506 = vector.broadcast %mul3A_505 : f32 to vector<16xf32>
        %mul3A_507 = arith.mulf %convert_element_type3A_504, %mul3A_506 : vector<16xf32>
        %add3A_508 = arith.addf %mul3A_507, %add3A_503 : vector<16xf32>
        %add3A_509 = arith.addf %select_n3A_407, %add3A_508 : vector<16xf32>
        %mul3A_510 = arith.mulf %exp3A, %div3A_455 : vector<16xf32>
        %mul3A_511 = arith.mulf %exp3A_410, %div3A_455 : vector<16xf32>
        %mul3A_512 = arith.mulf %exp3A_412, %div3A_455 : vector<16xf32>
        %mul3A_513 = arith.mulf %exp3A_414, %div3A_455 : vector<16xf32>
        %mul3A_514 = arith.mulf %exp3A_416, %div3A_455 : vector<16xf32>
        %mul3A_515 = arith.mulf %exp3A_418, %div3A_455 : vector<16xf32>
        %mul3A_516 = arith.mulf %exp3A_420, %div3A_455 : vector<16xf32>
        %mul3A_517 = arith.mulf %exp3A_422, %div3A_455 : vector<16xf32>
        %mul3A_518 = arith.mulf %exp3A_424, %div3A_455 : vector<16xf32>
        %mul3A_519 = arith.mulf %exp3A_426, %div3A_455 : vector<16xf32>
        %mul3A_520 = arith.mulf %exp3A_428, %div3A_455 : vector<16xf32>
        %mul3A_521 = arith.mulf %exp3A_430, %div3A_455 : vector<16xf32>
        %mul3A_522 = arith.mulf %exp3A_432, %div3A_455 : vector<16xf32>
        %mul3A_523 = arith.mulf %exp3A_434, %div3A_455 : vector<16xf32>
        %mul3A_524 = arith.mulf %exp3A_436, %div3A_455 : vector<16xf32>
        %mul3A_525 = arith.mulf %exp3A_438, %div3A_455 : vector<16xf32>
        %mul3A_526 = arith.mulf %add3A_509, %add3A_509 : vector<16xf32>
        %add3A_527 = arith.addf %scan3A_293, %mul3A_510 : vector<16xf32>
        %add3A_528 = arith.addf %scan3A_294, %mul3A_511 : vector<16xf32>
        %add3A_529 = arith.addf %scan3A_295, %mul3A_512 : vector<16xf32>
        %add3A_530 = arith.addf %scan3A_296, %mul3A_513 : vector<16xf32>
        %add3A_531 = arith.addf %scan3A_297, %mul3A_514 : vector<16xf32>
        %add3A_532 = arith.addf %scan3A_298, %mul3A_515 : vector<16xf32>
        %add3A_533 = arith.addf %scan3A_299, %mul3A_516 : vector<16xf32>
        %add3A_534 = arith.addf %scan3A_300, %mul3A_517 : vector<16xf32>
        %add3A_535 = arith.addf %scan3A_301, %mul3A_518 : vector<16xf32>
        %add3A_536 = arith.addf %scan3A_302, %mul3A_519 : vector<16xf32>
        %add3A_537 = arith.addf %scan3A_303, %mul3A_520 : vector<16xf32>
        %add3A_538 = arith.addf %scan3A_304, %mul3A_521 : vector<16xf32>
        %add3A_539 = arith.addf %scan3A_305, %mul3A_522 : vector<16xf32>
        %add3A_540 = arith.addf %scan3A_306, %mul3A_523 : vector<16xf32>
        %add3A_541 = arith.addf %scan3A_307, %mul3A_524 : vector<16xf32>
        %add3A_542 = arith.addf %scan3A_308, %mul3A_525 : vector<16xf32>
        %add3A_543 = arith.addf %scan3A_309, %mul3A_526 : vector<16xf32>
        %mul3A_544 = arith.constant 2 : i32
        %mul3A_545 = arith.muli %scan3A_292, %mul3A_544 : i32
        %add3A_546 = arith.constant 1 : i32
        %add3A_547 = arith.addi %mul3A_545, %add3A_546 : i32
        %mul3A_548 = arith.constant 16 : i32
        %mul3A_549 = arith.muli %add3A_547, %mul3A_548 : i32
        %add3A_550 = vector.broadcast %mul3A_549 : i32 to vector<16xi32>
        %add3A_551 = arith.addi %iota3A, %add3A_550 : vector<16xi32>
        %gather3A_552 = tpu.vector_load_idx %arg4[%add3A_551, %broadcast_in_dim3A_1] : memref<256x16xf32, #tpu.memory_space<vmem>>[vector<16xi32>, vector<16xi32>], vector<16xf32>,
        %gather3A_553 = tpu.vector_load_idx %arg4[%add3A_551, %broadcast_in_dim3A_3] : memref<256x16xf32, #tpu.memory_space<vmem>>[vector<16xi32>, vector<16xi32>], vector<16xf32>,
        %gather3A_554 = tpu.vector_load_idx %arg4[%add3A_551, %broadcast_in_dim3A_5] : memref<256x16xf32, #tpu.memory_space<vmem>>[vector<16xi32>, vector<16xi32>], vector<16xf32>,
        %gather3A_555 = tpu.vector_load_idx %arg4[%add3A_551, %broadcast_in_dim3A_7] : memref<256x16xf32, #tpu.memory_space<vmem>>[vector<16xi32>, vector<16xi32>], vector<16xf32>,
        %gather3A_556 = tpu.vector_load_idx %arg4[%add3A_551, %broadcast_in_dim3A_9] : memref<256x16xf32, #tpu.memory_space<vmem>>[vector<16xi32>, vector<16xi32>], vector<16xf32>,
        %gather3A_557 = tpu.vector_load_idx %arg4[%add3A_551, %broadcast_in_dim3A_11] : memref<256x16xf32, #tpu.memory_space<vmem>>[vector<16xi32>, vector<16xi32>], vector<16xf32>,
        %gather3A_558 = tpu.vector_load_idx %arg4[%add3A_551, %broadcast_in_dim3A_13] : memref<256x16xf32, #tpu.memory_space<vmem>>[vector<16xi32>, vector<16xi32>], vector<16xf32>,
        %gather3A_559 = tpu.vector_load_idx %arg4[%add3A_551, %broadcast_in_dim3A_15] : memref<256x16xf32, #tpu.memory_space<vmem>>[vector<16xi32>, vector<16xi32>], vector<16xf32>,
        %gather3A_560 = tpu.vector_load_idx %arg4[%add3A_551, %broadcast_in_dim3A_17] : memref<256x16xf32, #tpu.memory_space<vmem>>[vector<16xi32>, vector<16xi32>], vector<16xf32>,
        %gather3A_561 = tpu.vector_load_idx %arg4[%add3A_551, %broadcast_in_dim3A_19] : memref<256x16xf32, #tpu.memory_space<vmem>>[vector<16xi32>, vector<16xi32>], vector<16xf32>,
        %gather3A_562 = tpu.vector_load_idx %arg4[%add3A_551, %broadcast_in_dim3A_21] : memref<256x16xf32, #tpu.memory_space<vmem>>[vector<16xi32>, vector<16xi32>], vector<16xf32>,
        %gather3A_563 = tpu.vector_load_idx %arg4[%add3A_551, %broadcast_in_dim3A_23] : memref<256x16xf32, #tpu.memory_space<vmem>>[vector<16xi32>, vector<16xi32>], vector<16xf32>,
        %gather3A_564 = tpu.vector_load_idx %arg4[%add3A_551, %broadcast_in_dim3A_25] : memref<256x16xf32, #tpu.memory_space<vmem>>[vector<16xi32>, vector<16xi32>], vector<16xf32>,
        %gather3A_565 = tpu.vector_load_idx %arg4[%add3A_551, %broadcast_in_dim3A_27] : memref<256x16xf32, #tpu.memory_space<vmem>>[vector<16xi32>, vector<16xi32>], vector<16xf32>,
        %gather3A_566 = tpu.vector_load_idx %arg4[%add3A_551, %broadcast_in_dim3A_29] : memref<256x16xf32, #tpu.memory_space<vmem>>[vector<16xi32>, vector<16xi32>], vector<16xf32>,
        %gather3A_567 = tpu.vector_load_idx %arg4[%add3A_551, %broadcast_in_dim3A_31] : memref<256x16xf32, #tpu.memory_space<vmem>>[vector<16xi32>, vector<16xi32>], vector<16xf32>,
        %broadcast_in_dim3A_568 = arith.constant 0 : i32
        %broadcast_in_dim3A_569 = vector.broadcast %broadcast_in_dim3A_568 : i32 to vector<16xi32>
        %broadcast_in_dim3A_570 = arith.constant 1 : i32
        %broadcast_in_dim3A_571 = vector.broadcast %broadcast_in_dim3A_570 : i32 to vector<16xi32>
        %broadcast_in_dim3A_572 = arith.constant 2 : i32
        %broadcast_in_dim3A_573 = vector.broadcast %broadcast_in_dim3A_572 : i32 to vector<16xi32>
        %broadcast_in_dim3A_574 = arith.constant 3 : i32
        %broadcast_in_dim3A_575 = vector.broadcast %broadcast_in_dim3A_574 : i32 to vector<16xi32>
        %broadcast_in_dim3A_576 = arith.constant 4 : i32
        %broadcast_in_dim3A_577 = vector.broadcast %broadcast_in_dim3A_576 : i32 to vector<16xi32>
        %broadcast_in_dim3A_578 = arith.constant 5 : i32
        %broadcast_in_dim3A_579 = vector.broadcast %broadcast_in_dim3A_578 : i32 to vector<16xi32>
        %broadcast_in_dim3A_580 = arith.constant 6 : i32
        %broadcast_in_dim3A_581 = vector.broadcast %broadcast_in_dim3A_580 : i32 to vector<16xi32>
        %broadcast_in_dim3A_582 = arith.constant 7 : i32
        %broadcast_in_dim3A_583 = vector.broadcast %broadcast_in_dim3A_582 : i32 to vector<16xi32>
        %broadcast_in_dim3A_584 = arith.constant 8 : i32
        %broadcast_in_dim3A_585 = vector.broadcast %broadcast_in_dim3A_584 : i32 to vector<16xi32>
        %broadcast_in_dim3A_586 = arith.constant 9 : i32
        %broadcast_in_dim3A_587 = vector.broadcast %broadcast_in_dim3A_586 : i32 to vector<16xi32>
        %broadcast_in_dim3A_588 = arith.constant 10 : i32
        %broadcast_in_dim3A_589 = vector.broadcast %broadcast_in_dim3A_588 : i32 to vector<16xi32>
        %broadcast_in_dim3A_590 = arith.constant 11 : i32
        %broadcast_in_dim3A_591 = vector.broadcast %broadcast_in_dim3A_590 : i32 to vector<16xi32>
        %broadcast_in_dim3A_592 = arith.constant 12 : i32
        %broadcast_in_dim3A_593 = vector.broadcast %broadcast_in_dim3A_592 : i32 to vector<16xi32>
        %broadcast_in_dim3A_594 = arith.constant 13 : i32
        %broadcast_in_dim3A_595 = vector.broadcast %broadcast_in_dim3A_594 : i32 to vector<16xi32>
        %broadcast_in_dim3A_596 = arith.constant 14 : i32
        %broadcast_in_dim3A_597 = vector.broadcast %broadcast_in_dim3A_596 : i32 to vector<16xi32>
        %broadcast_in_dim3A_598 = arith.constant 15 : i32
        %broadcast_in_dim3A_599 = vector.broadcast %broadcast_in_dim3A_598 : i32 to vector<16xi32>
        %gt3A_600 = arith.cmpf ogt, %gather3A_553, %gather3A_552 : vector<16xf32>
        %select_n3A_601 = arith.select %gt3A_600, %gather3A_553, %gather3A_552 : vector<16xi1>, vector<16xf32>
        %select_n3A_602 = arith.select %gt3A_600, %broadcast_in_dim3A_571, %broadcast_in_dim3A_569 : vector<16xi1>, vector<16xi32>
        %gt3A_603 = arith.cmpf ogt, %gather3A_555, %gather3A_554 : vector<16xf32>
        %select_n3A_604 = arith.select %gt3A_603, %gather3A_555, %gather3A_554 : vector<16xi1>, vector<16xf32>
        %select_n3A_605 = arith.select %gt3A_603, %broadcast_in_dim3A_575, %broadcast_in_dim3A_573 : vector<16xi1>, vector<16xi32>
        %gt3A_606 = arith.cmpf ogt, %gather3A_557, %gather3A_556 : vector<16xf32>
        %select_n3A_607 = arith.select %gt3A_606, %gather3A_557, %gather3A_556 : vector<16xi1>, vector<16xf32>
        %select_n3A_608 = arith.select %gt3A_606, %broadcast_in_dim3A_579, %broadcast_in_dim3A_577 : vector<16xi1>, vector<16xi32>
        %gt3A_609 = arith.cmpf ogt, %gather3A_559, %gather3A_558 : vector<16xf32>
        %select_n3A_610 = arith.select %gt3A_609, %gather3A_559, %gather3A_558 : vector<16xi1>, vector<16xf32>
        %select_n3A_611 = arith.select %gt3A_609, %broadcast_in_dim3A_583, %broadcast_in_dim3A_581 : vector<16xi1>, vector<16xi32>
        %gt3A_612 = arith.cmpf ogt, %gather3A_561, %gather3A_560 : vector<16xf32>
        %select_n3A_613 = arith.select %gt3A_612, %gather3A_561, %gather3A_560 : vector<16xi1>, vector<16xf32>
        %select_n3A_614 = arith.select %gt3A_612, %broadcast_in_dim3A_587, %broadcast_in_dim3A_585 : vector<16xi1>, vector<16xi32>
        %gt3A_615 = arith.cmpf ogt, %gather3A_563, %gather3A_562 : vector<16xf32>
        %select_n3A_616 = arith.select %gt3A_615, %gather3A_563, %gather3A_562 : vector<16xi1>, vector<16xf32>
        %select_n3A_617 = arith.select %gt3A_615, %broadcast_in_dim3A_591, %broadcast_in_dim3A_589 : vector<16xi1>, vector<16xi32>
        %gt3A_618 = arith.cmpf ogt, %gather3A_565, %gather3A_564 : vector<16xf32>
        %select_n3A_619 = arith.select %gt3A_618, %gather3A_565, %gather3A_564 : vector<16xi1>, vector<16xf32>
        %select_n3A_620 = arith.select %gt3A_618, %broadcast_in_dim3A_595, %broadcast_in_dim3A_593 : vector<16xi1>, vector<16xi32>
        %gt3A_621 = arith.cmpf ogt, %gather3A_567, %gather3A_566 : vector<16xf32>
        %select_n3A_622 = arith.select %gt3A_621, %gather3A_567, %gather3A_566 : vector<16xi1>, vector<16xf32>
        %select_n3A_623 = arith.select %gt3A_621, %broadcast_in_dim3A_599, %broadcast_in_dim3A_597 : vector<16xi1>, vector<16xi32>
        %gt3A_624 = arith.cmpf ogt, %select_n3A_604, %select_n3A_601 : vector<16xf32>
        %select_n3A_625 = arith.select %gt3A_624, %select_n3A_604, %select_n3A_601 : vector<16xi1>, vector<16xf32>
        %select_n3A_626 = arith.select %gt3A_624, %select_n3A_605, %select_n3A_602 : vector<16xi1>, vector<16xi32>
        %gt3A_627 = arith.cmpf ogt, %select_n3A_610, %select_n3A_607 : vector<16xf32>
        %select_n3A_628 = arith.select %gt3A_627, %select_n3A_610, %select_n3A_607 : vector<16xi1>, vector<16xf32>
        %select_n3A_629 = arith.select %gt3A_627, %select_n3A_611, %select_n3A_608 : vector<16xi1>, vector<16xi32>
        %gt3A_630 = arith.cmpf ogt, %select_n3A_616, %select_n3A_613 : vector<16xf32>
        %select_n3A_631 = arith.select %gt3A_630, %select_n3A_616, %select_n3A_613 : vector<16xi1>, vector<16xf32>
        %select_n3A_632 = arith.select %gt3A_630, %select_n3A_617, %select_n3A_614 : vector<16xi1>, vector<16xi32>
        %gt3A_633 = arith.cmpf ogt, %select_n3A_622, %select_n3A_619 : vector<16xf32>
        %select_n3A_634 = arith.select %gt3A_633, %select_n3A_622, %select_n3A_619 : vector<16xi1>, vector<16xf32>
        %select_n3A_635 = arith.select %gt3A_633, %select_n3A_623, %select_n3A_620 : vector<16xi1>, vector<16xi32>
        %gt3A_636 = arith.cmpf ogt, %select_n3A_628, %select_n3A_625 : vector<16xf32>
        %select_n3A_637 = arith.select %gt3A_636, %select_n3A_628, %select_n3A_625 : vector<16xi1>, vector<16xf32>
        %select_n3A_638 = arith.select %gt3A_636, %select_n3A_629, %select_n3A_626 : vector<16xi1>, vector<16xi32>
        %gt3A_639 = arith.cmpf ogt, %select_n3A_634, %select_n3A_631 : vector<16xf32>
        %select_n3A_640 = arith.select %gt3A_639, %select_n3A_634, %select_n3A_631 : vector<16xi1>, vector<16xf32>
        %select_n3A_641 = arith.select %gt3A_639, %select_n3A_635, %select_n3A_632 : vector<16xi1>, vector<16xi32>
        %gt3A_642 = arith.cmpf ogt, %select_n3A_640, %select_n3A_637 : vector<16xf32>
        %select_n3A_643 = arith.select %gt3A_642, %select_n3A_640, %select_n3A_637 : vector<16xi1>, vector<16xf32>
        %select_n3A_644 = arith.select %gt3A_642, %select_n3A_641, %select_n3A_638 : vector<16xi1>, vector<16xi32>
        %sub3A_645 = arith.subf %gather3A_552, %select_n3A_643 : vector<16xf32>
        %exp3A_646 = math.exp %sub3A_645 : vector<16xf32>
        %sub3A_647 = arith.subf %gather3A_553, %select_n3A_643 : vector<16xf32>
        %exp3A_648 = math.exp %sub3A_647 : vector<16xf32>
        %sub3A_649 = arith.subf %gather3A_554, %select_n3A_643 : vector<16xf32>
        %exp3A_650 = math.exp %sub3A_649 : vector<16xf32>
        %sub3A_651 = arith.subf %gather3A_555, %select_n3A_643 : vector<16xf32>
        %exp3A_652 = math.exp %sub3A_651 : vector<16xf32>
        %sub3A_653 = arith.subf %gather3A_556, %select_n3A_643 : vector<16xf32>
        %exp3A_654 = math.exp %sub3A_653 : vector<16xf32>
        %sub3A_655 = arith.subf %gather3A_557, %select_n3A_643 : vector<16xf32>
        %exp3A_656 = math.exp %sub3A_655 : vector<16xf32>
        %sub3A_657 = arith.subf %gather3A_558, %select_n3A_643 : vector<16xf32>
        %exp3A_658 = math.exp %sub3A_657 : vector<16xf32>
        %sub3A_659 = arith.subf %gather3A_559, %select_n3A_643 : vector<16xf32>
        %exp3A_660 = math.exp %sub3A_659 : vector<16xf32>
        %sub3A_661 = arith.subf %gather3A_560, %select_n3A_643 : vector<16xf32>
        %exp3A_662 = math.exp %sub3A_661 : vector<16xf32>
        %sub3A_663 = arith.subf %gather3A_561, %select_n3A_643 : vector<16xf32>
        %exp3A_664 = math.exp %sub3A_663 : vector<16xf32>
        %sub3A_665 = arith.subf %gather3A_562, %select_n3A_643 : vector<16xf32>
        %exp3A_666 = math.exp %sub3A_665 : vector<16xf32>
        %sub3A_667 = arith.subf %gather3A_563, %select_n3A_643 : vector<16xf32>
        %exp3A_668 = math.exp %sub3A_667 : vector<16xf32>
        %sub3A_669 = arith.subf %gather3A_564, %select_n3A_643 : vector<16xf32>
        %exp3A_670 = math.exp %sub3A_669 : vector<16xf32>
        %sub3A_671 = arith.subf %gather3A_565, %select_n3A_643 : vector<16xf32>
        %exp3A_672 = math.exp %sub3A_671 : vector<16xf32>
        %sub3A_673 = arith.subf %gather3A_566, %select_n3A_643 : vector<16xf32>
        %exp3A_674 = math.exp %sub3A_673 : vector<16xf32>
        %sub3A_675 = arith.subf %gather3A_567, %select_n3A_643 : vector<16xf32>
        %exp3A_676 = math.exp %sub3A_675 : vector<16xf32>
        %add3A_677 = arith.addf %exp3A_646, %exp3A_648 : vector<16xf32>
        %add3A_678 = arith.addf %exp3A_650, %exp3A_652 : vector<16xf32>
        %add3A_679 = arith.addf %exp3A_654, %exp3A_656 : vector<16xf32>
        %add3A_680 = arith.addf %exp3A_658, %exp3A_660 : vector<16xf32>
        %add3A_681 = arith.addf %exp3A_662, %exp3A_664 : vector<16xf32>
        %add3A_682 = arith.addf %exp3A_666, %exp3A_668 : vector<16xf32>
        %add3A_683 = arith.addf %exp3A_670, %exp3A_672 : vector<16xf32>
        %add3A_684 = arith.addf %exp3A_674, %exp3A_676 : vector<16xf32>
        %add3A_685 = arith.addf %add3A_677, %add3A_678 : vector<16xf32>
        %add3A_686 = arith.addf %add3A_679, %add3A_680 : vector<16xf32>
        %add3A_687 = arith.addf %add3A_681, %add3A_682 : vector<16xf32>
        %add3A_688 = arith.addf %add3A_683, %add3A_684 : vector<16xf32>
        %add3A_689 = arith.addf %add3A_685, %add3A_686 : vector<16xf32>
        %add3A_690 = arith.addf %add3A_687, %add3A_688 : vector<16xf32>
        %add3A_691 = arith.addf %add3A_689, %add3A_690 : vector<16xf32>
        %div3A_692 = arith.constant 1.000000e+00 : f32
        %div3A_693 = vector.broadcast %div3A_692 : f32 to vector<16xf32>
        %div3A_694 = arith.divf %div3A_693, %add3A_691 : vector<16xf32>
        %add3A_695 = arith.constant 16 : i32
        %add3A_696 = vector.broadcast %add3A_695 : i32 to vector<16xi32>
        %add3A_697 = arith.addi %select_n3A_644, %add3A_696 : vector<16xi32>
        %broadcast_in_dim3A_698 = arith.constant 1.000000e+00 : f32
        %broadcast_in_dim3A_699 = vector.broadcast %broadcast_in_dim3A_698 : f32 to vector<16xf32>
        tpu.vector_store_idx %arg6[%add3A_697, %iota3A], %broadcast_in_dim3A_699 {add = true} : memref<34x16xf32, #tpu.memory_space<vmem>>[vector<16xi32>, vector<16xi32>], vector<16xf32>,
        %bitcast3A_700 = vector.bitcast %add3A_691 : vector<16xf32> to vector<16xi32>
        %sub3A_701 = arith.constant 1060439283 : i32
        %sub3A_702 = vector.broadcast %sub3A_701 : i32 to vector<16xi32>
        %sub3A_703 = arith.subi %bitcast3A_700, %sub3A_702 : vector<16xi32>
        %shift_right_arithmetic3A_704 = arith.constant 23 : i32
        %shift_right_arithmetic3A_705 = vector.broadcast %shift_right_arithmetic3A_704 : i32 to vector<16xi32>
        %shift_right_arithmetic3A_706 = arith.shrsi %sub3A_703, %shift_right_arithmetic3A_705 : vector<16xi32>
        %shift_left3A_707 = arith.constant 23 : i32
        %shift_left3A_708 = vector.broadcast %shift_left3A_707 : i32 to vector<16xi32>
        %shift_left3A_709 = arith.shli %shift_right_arithmetic3A_706, %shift_left3A_708 : vector<16xi32>
        %sub3A_710 = arith.subi %bitcast3A_700, %shift_left3A_709 : vector<16xi32>
        %bitcast3A_711 = vector.bitcast %sub3A_710 : vector<16xi32> to vector<16xf32>
        %sub3A_712 = arith.constant 1.000000e+00 : f32
        %sub3A_713 = vector.broadcast %sub3A_712 : f32 to vector<16xf32>
        %sub3A_714 = arith.subf %bitcast3A_711, %sub3A_713 : vector<16xf32>
        %broadcast_in_dim3A_715 = arith.constant 0.114484355 : f32
        %broadcast_in_dim3A_716 = vector.broadcast %broadcast_in_dim3A_715 : f32 to vector<16xf32>
        %mul3A_717 = arith.mulf %broadcast_in_dim3A_716, %sub3A_714 : vector<16xf32>
        %add3A_718 = arith.constant -0.186276972 : f32
        %add3A_719 = vector.broadcast %add3A_718 : f32 to vector<16xf32>
        %add3A_720 = arith.addf %mul3A_717, %add3A_719 : vector<16xf32>
        %mul3A_721 = arith.mulf %add3A_720, %sub3A_714 : vector<16xf32>
        %add3A_722 = arith.constant 0.206117854 : f32
        %add3A_723 = vector.broadcast %add3A_722 : f32 to vector<16xf32>
        %add3A_724 = arith.addf %mul3A_721, %add3A_723 : vector<16xf32>
        %mul3A_725 = arith.mulf %add3A_724, %sub3A_714 : vector<16xf32>
        %add3A_726 = arith.constant -0.249112099 : f32
        %add3A_727 = vector.broadcast %add3A_726 : f32 to vector<16xf32>
        %add3A_728 = arith.addf %mul3A_725, %add3A_727 : vector<16xf32>
        %mul3A_729 = arith.mulf %add3A_728, %sub3A_714 : vector<16xf32>
        %add3A_730 = arith.constant 0.333048135 : f32
        %add3A_731 = vector.broadcast %add3A_730 : f32 to vector<16xf32>
        %add3A_732 = arith.addf %mul3A_729, %add3A_731 : vector<16xf32>
        %mul3A_733 = arith.mulf %add3A_732, %sub3A_714 : vector<16xf32>
        %add3A_734 = arith.constant -0.500012934 : f32
        %add3A_735 = vector.broadcast %add3A_734 : f32 to vector<16xf32>
        %add3A_736 = arith.addf %mul3A_733, %add3A_735 : vector<16xf32>
        %mul3A_737 = arith.mulf %add3A_736, %sub3A_714 : vector<16xf32>
        %add3A_738 = arith.constant 1.0000031 : f32
        %add3A_739 = vector.broadcast %add3A_738 : f32 to vector<16xf32>
        %add3A_740 = arith.addf %mul3A_737, %add3A_739 : vector<16xf32>
        %mul3A_741 = arith.mulf %add3A_740, %sub3A_714 : vector<16xf32>
        %add3A_742 = arith.constant 3.34232695E-8 : f32
        %add3A_743 = vector.broadcast %add3A_742 : f32 to vector<16xf32>
        %add3A_744 = arith.addf %mul3A_741, %add3A_743 : vector<16xf32>
        %convert_element_type3A_745 = arith.sitofp %shift_right_arithmetic3A_706 : vector<16xi32> to vector<16xf32>
        %mul3A_746 = arith.constant 0.693147182 : f32
        %mul3A_747 = vector.broadcast %mul3A_746 : f32 to vector<16xf32>
        %mul3A_748 = arith.mulf %convert_element_type3A_745, %mul3A_747 : vector<16xf32>
        %add3A_749 = arith.addf %mul3A_748, %add3A_744 : vector<16xf32>
        %add3A_750 = arith.addf %select_n3A_643, %add3A_749 : vector<16xf32>
        %mul3A_751 = arith.mulf %exp3A_646, %div3A_694 : vector<16xf32>
        %mul3A_752 = arith.mulf %exp3A_648, %div3A_694 : vector<16xf32>
        %mul3A_753 = arith.mulf %exp3A_650, %div3A_694 : vector<16xf32>
        %mul3A_754 = arith.mulf %exp3A_652, %div3A_694 : vector<16xf32>
        %mul3A_755 = arith.mulf %exp3A_654, %div3A_694 : vector<16xf32>
        %mul3A_756 = arith.mulf %exp3A_656, %div3A_694 : vector<16xf32>
        %mul3A_757 = arith.mulf %exp3A_658, %div3A_694 : vector<16xf32>
        %mul3A_758 = arith.mulf %exp3A_660, %div3A_694 : vector<16xf32>
        %mul3A_759 = arith.mulf %exp3A_662, %div3A_694 : vector<16xf32>
        %mul3A_760 = arith.mulf %exp3A_664, %div3A_694 : vector<16xf32>
        %mul3A_761 = arith.mulf %exp3A_666, %div3A_694 : vector<16xf32>
        %mul3A_762 = arith.mulf %exp3A_668, %div3A_694 : vector<16xf32>
        %mul3A_763 = arith.mulf %exp3A_670, %div3A_694 : vector<16xf32>
        %mul3A_764 = arith.mulf %exp3A_672, %div3A_694 : vector<16xf32>
        %mul3A_765 = arith.mulf %exp3A_674, %div3A_694 : vector<16xf32>
        %mul3A_766 = arith.mulf %exp3A_676, %div3A_694 : vector<16xf32>
        %mul3A_767 = arith.mulf %add3A_750, %add3A_750 : vector<16xf32>
        %add3A_768 = arith.addf %add3A_527, %mul3A_751 : vector<16xf32>
        %add3A_769 = arith.addf %add3A_528, %mul3A_752 : vector<16xf32>
        %add3A_770 = arith.addf %add3A_529, %mul3A_753 : vector<16xf32>
        %add3A_771 = arith.addf %add3A_530, %mul3A_754 : vector<16xf32>
        %add3A_772 = arith.addf %add3A_531, %mul3A_755 : vector<16xf32>
        %add3A_773 = arith.addf %add3A_532, %mul3A_756 : vector<16xf32>
        %add3A_774 = arith.addf %add3A_533, %mul3A_757 : vector<16xf32>
        %add3A_775 = arith.addf %add3A_534, %mul3A_758 : vector<16xf32>
        %add3A_776 = arith.addf %add3A_535, %mul3A_759 : vector<16xf32>
        %add3A_777 = arith.addf %add3A_536, %mul3A_760 : vector<16xf32>
        %add3A_778 = arith.addf %add3A_537, %mul3A_761 : vector<16xf32>
        %add3A_779 = arith.addf %add3A_538, %mul3A_762 : vector<16xf32>
        %add3A_780 = arith.addf %add3A_539, %mul3A_763 : vector<16xf32>
        %add3A_781 = arith.addf %add3A_540, %mul3A_764 : vector<16xf32>
        %add3A_782 = arith.addf %add3A_541, %mul3A_765 : vector<16xf32>
        %add3A_783 = arith.addf %add3A_542, %mul3A_766 : vector<16xf32>
        %add3A_784 = arith.addf %add3A_543, %mul3A_767 : vector<16xf32>
        scf.yield %add3A_768, %add3A_769, %add3A_770, %add3A_771, %add3A_772, %add3A_773, %add3A_774, %add3A_775, %add3A_776, %add3A_777, %add3A_778, %add3A_779, %add3A_780, %add3A_781, %add3A_782, %add3A_783, %add3A_784 : vector<16xf32>, vector<16xf32>, vector<16xf32>, vector<16xf32>, vector<16xf32>, vector<16xf32>, vector<16xf32>, vector<16xf32>, vector<16xf32>, vector<16xf32>, vector<16xf32>, vector<16xf32>, vector<16xf32>, vector<16xf32>, vector<16xf32>, vector<16xf32>, vector<16xf32>
      }
      %scan3A_125 = arith.constant 8 : i32
      %add3A_126 = arith.constant 2 : i32
      %add3A_127 = arith.addi %add3A_94, %add3A_126 : i32
      %lt3A = arith.constant 12 : i32
      %lt3A_128 = arith.cmpi slt, %add3A_127, %lt3A : i32
      %convert_element_type3A_129 = arith.extui %lt3A_128 : i1 to i32
      %cond3A_130 = arith.constant 0 : i32
      %cond3A_131 = arith.cmpi ne, %convert_element_type3A_129, %cond3A_130 : i32
      scf.if %cond3A_131 {
        %shift_right_arithmetic3A_292 = arith.constant 2 : i32
        %shift_right_arithmetic3A_293 = arith.shrsi %add3A_127, %shift_right_arithmetic3A_292 : i32
        %mul3A_294 = arith.constant 32 : i32
        %mul3A_295 = arith.muli %mul3A_294, %shift_right_arithmetic3A_293 : i32
        %add3A_296 = arith.addi %add3A, %mul3A_295 : i32
        %mul3A_297 = arith.constant 1024 : i32
        %mul3A_298 = arith.muli %add3A_296, %mul3A_297 : i32
        %and3A_299 = arith.constant 3 : i32
        %and3A_300 = arith.andi %add3A_127, %and3A_299 : i32
        %mul3A_301 = arith.constant 256 : i32
        %mul3A_302 = arith.muli %and3A_300, %mul3A_301 : i32
        %add3A_303 = arith.addi %mul3A_298, %mul3A_302 : i32
        %multiple_of3A_304 = tpu.assume_multiple %add3A_303, 256 : i32
        %dma_start3A_305 = arith.constant 0 : i32
        %dma_start3A_306 = tpu.memref_slice %arg2[%multiple_of3A_304, %dma_start3A_305] : memref<98304x16xf32, #tpu.memory_space<hbm>> -> memref<256x16xf32, #tpu.memory_space<hbm>>
        %dma_start3A_307 = arith.constant 0 : i32
        %dma_start3A_308 = tpu.memref_slice %arg2[%multiple_of3A_304, %dma_start3A_307] : memref<98304x16xf32, #tpu.memory_space<hbm>> -> memref<256x16xf32, #tpu.memory_space<hbm>>
        tpu.enqueue_dma source(%dma_start3A_308 : memref<256x16xf32, #tpu.memory_space<hbm>>) target(%arg4 : memref<256x16xf32, #tpu.memory_space<vmem>>) target_semaphore(%arg7 : memref<!tpu.dma_semaphore, #tpu.memory_space<semaphore_mem>>)
      } else {
      }
      %and3A_132 = arith.constant 3 : i32
      %and3A_133 = arith.andi %add3A_94, %and3A_132 : i32
      %eq3A_134 = arith.constant 3 : i32
      %eq3A_135 = arith.cmpi eq, %and3A_133, %eq3A_134 : i32
      %convert_element_type3A_136 = arith.extui %eq3A_135 : i1 to i32
      %cond3A_137 = arith.constant 0 : i32
      %cond3A_138 = arith.cmpi ne, %convert_element_type3A_136, %cond3A_137 : i32
      scf.if %cond3A_138 {
        %swap3A = arith.constant 0 : i32
        %swap3A_292 = arith.index_cast %swap3A : i32 to index
        %swap3A_293 = arith.constant 0 : index
        %swap3A_294 = tpu.vector_load %arg6[%swap3A_292, %swap3A_293] {strides = array<i32>} : memref<34x16xf32, #tpu.memory_space<vmem>>, vector<16xf32>,
        tpu.vector_store %arg6[%swap3A_292, %swap3A_293], %scan3A_124#0 {strides = array<i32>} : memref<34x16xf32, #tpu.memory_space<vmem>>, vector<16xf32>,
        %swap3A_295 = arith.constant 1 : i32
        %swap3A_296 = arith.index_cast %swap3A_295 : i32 to index
        %swap3A_297 = arith.constant 0 : index
        %swap3A_298 = tpu.vector_load %arg6[%swap3A_296, %swap3A_297] {strides = array<i32>} : memref<34x16xf32, #tpu.memory_space<vmem>>, vector<16xf32>,
        tpu.vector_store %arg6[%swap3A_296, %swap3A_297], %scan3A_124#1 {strides = array<i32>} : memref<34x16xf32, #tpu.memory_space<vmem>>, vector<16xf32>,
        %swap3A_299 = arith.constant 2 : i32
        %swap3A_300 = arith.index_cast %swap3A_299 : i32 to index
        %swap3A_301 = arith.constant 0 : index
        %swap3A_302 = tpu.vector_load %arg6[%swap3A_300, %swap3A_301] {strides = array<i32>} : memref<34x16xf32, #tpu.memory_space<vmem>>, vector<16xf32>,
        tpu.vector_store %arg6[%swap3A_300, %swap3A_301], %scan3A_124#2 {strides = array<i32>} : memref<34x16xf32, #tpu.memory_space<vmem>>, vector<16xf32>,
        %swap3A_303 = arith.constant 3 : i32
        %swap3A_304 = arith.index_cast %swap3A_303 : i32 to index
        %swap3A_305 = arith.constant 0 : index
        %swap3A_306 = tpu.vector_load %arg6[%swap3A_304, %swap3A_305] {strides = array<i32>} : memref<34x16xf32, #tpu.memory_space<vmem>>, vector<16xf32>,
        tpu.vector_store %arg6[%swap3A_304, %swap3A_305], %scan3A_124#3 {strides = array<i32>} : memref<34x16xf32, #tpu.memory_space<vmem>>, vector<16xf32>,
        %swap3A_307 = arith.constant 4 : i32
        %swap3A_308 = arith.index_cast %swap3A_307 : i32 to index
        %swap3A_309 = arith.constant 0 : index
        %swap3A_310 = tpu.vector_load %arg6[%swap3A_308, %swap3A_309] {strides = array<i32>} : memref<34x16xf32, #tpu.memory_space<vmem>>, vector<16xf32>,
        tpu.vector_store %arg6[%swap3A_308, %swap3A_309], %scan3A_124#4 {strides = array<i32>} : memref<34x16xf32, #tpu.memory_space<vmem>>, vector<16xf32>,
        %swap3A_311 = arith.constant 5 : i32
        %swap3A_312 = arith.index_cast %swap3A_311 : i32 to index
        %swap3A_313 = arith.constant 0 : index
        %swap3A_314 = tpu.vector_load %arg6[%swap3A_312, %swap3A_313] {strides = array<i32>} : memref<34x16xf32, #tpu.memory_space<vmem>>, vector<16xf32>,
        tpu.vector_store %arg6[%swap3A_312, %swap3A_313], %scan3A_124#5 {strides = array<i32>} : memref<34x16xf32, #tpu.memory_space<vmem>>, vector<16xf32>,
        %swap3A_315 = arith.constant 6 : i32
        %swap3A_316 = arith.index_cast %swap3A_315 : i32 to index
        %swap3A_317 = arith.constant 0 : index
        %swap3A_318 = tpu.vector_load %arg6[%swap3A_316, %swap3A_317] {strides = array<i32>} : memref<34x16xf32, #tpu.memory_space<vmem>>, vector<16xf32>,
        tpu.vector_store %arg6[%swap3A_316, %swap3A_317], %scan3A_124#6 {strides = array<i32>} : memref<34x16xf32, #tpu.memory_space<vmem>>, vector<16xf32>,
        %swap3A_319 = arith.constant 7 : i32
        %swap3A_320 = arith.index_cast %swap3A_319 : i32 to index
        %swap3A_321 = arith.constant 0 : index
        %swap3A_322 = tpu.vector_load %arg6[%swap3A_320, %swap3A_321] {strides = array<i32>} : memref<34x16xf32, #tpu.memory_space<vmem>>, vector<16xf32>,
        tpu.vector_store %arg6[%swap3A_320, %swap3A_321], %scan3A_124#7 {strides = array<i32>} : memref<34x16xf32, #tpu.memory_space<vmem>>, vector<16xf32>,
        %swap3A_323 = arith.constant 8 : i32
        %swap3A_324 = arith.index_cast %swap3A_323 : i32 to index
        %swap3A_325 = arith.constant 0 : index
        %swap3A_326 = tpu.vector_load %arg6[%swap3A_324, %swap3A_325] {strides = array<i32>} : memref<34x16xf32, #tpu.memory_space<vmem>>, vector<16xf32>,
        tpu.vector_store %arg6[%swap3A_324, %swap3A_325], %scan3A_124#8 {strides = array<i32>} : memref<34x16xf32, #tpu.memory_space<vmem>>, vector<16xf32>,
        %swap3A_327 = arith.constant 9 : i32
        %swap3A_328 = arith.index_cast %swap3A_327 : i32 to index
        %swap3A_329 = arith.constant 0 : index
        %swap3A_330 = tpu.vector_load %arg6[%swap3A_328, %swap3A_329] {strides = array<i32>} : memref<34x16xf32, #tpu.memory_space<vmem>>, vector<16xf32>,
        tpu.vector_store %arg6[%swap3A_328, %swap3A_329], %scan3A_124#9 {strides = array<i32>} : memref<34x16xf32, #tpu.memory_space<vmem>>, vector<16xf32>,
        %swap3A_331 = arith.constant 10 : i32
        %swap3A_332 = arith.index_cast %swap3A_331 : i32 to index
        %swap3A_333 = arith.constant 0 : index
        %swap3A_334 = tpu.vector_load %arg6[%swap3A_332, %swap3A_333] {strides = array<i32>} : memref<34x16xf32, #tpu.memory_space<vmem>>, vector<16xf32>,
        tpu.vector_store %arg6[%swap3A_332, %swap3A_333], %scan3A_124#10 {strides = array<i32>} : memref<34x16xf32, #tpu.memory_space<vmem>>, vector<16xf32>,
        %swap3A_335 = arith.constant 11 : i32
        %swap3A_336 = arith.index_cast %swap3A_335 : i32 to index
        %swap3A_337 = arith.constant 0 : index
        %swap3A_338 = tpu.vector_load %arg6[%swap3A_336, %swap3A_337] {strides = array<i32>} : memref<34x16xf32, #tpu.memory_space<vmem>>, vector<16xf32>,
        tpu.vector_store %arg6[%swap3A_336, %swap3A_337], %scan3A_124#11 {strides = array<i32>} : memref<34x16xf32, #tpu.memory_space<vmem>>, vector<16xf32>,
        %swap3A_339 = arith.constant 12 : i32
        %swap3A_340 = arith.index_cast %swap3A_339 : i32 to index
        %swap3A_341 = arith.constant 0 : index
        %swap3A_342 = tpu.vector_load %arg6[%swap3A_340, %swap3A_341] {strides = array<i32>} : memref<34x16xf32, #tpu.memory_space<vmem>>, vector<16xf32>,
        tpu.vector_store %arg6[%swap3A_340, %swap3A_341], %scan3A_124#12 {strides = array<i32>} : memref<34x16xf32, #tpu.memory_space<vmem>>, vector<16xf32>,
        %swap3A_343 = arith.constant 13 : i32
        %swap3A_344 = arith.index_cast %swap3A_343 : i32 to index
        %swap3A_345 = arith.constant 0 : index
        %swap3A_346 = tpu.vector_load %arg6[%swap3A_344, %swap3A_345] {strides = array<i32>} : memref<34x16xf32, #tpu.memory_space<vmem>>, vector<16xf32>,
        tpu.vector_store %arg6[%swap3A_344, %swap3A_345], %scan3A_124#13 {strides = array<i32>} : memref<34x16xf32, #tpu.memory_space<vmem>>, vector<16xf32>,
        %swap3A_347 = arith.constant 14 : i32
        %swap3A_348 = arith.index_cast %swap3A_347 : i32 to index
        %swap3A_349 = arith.constant 0 : index
        %swap3A_350 = tpu.vector_load %arg6[%swap3A_348, %swap3A_349] {strides = array<i32>} : memref<34x16xf32, #tpu.memory_space<vmem>>, vector<16xf32>,
        tpu.vector_store %arg6[%swap3A_348, %swap3A_349], %scan3A_124#14 {strides = array<i32>} : memref<34x16xf32, #tpu.memory_space<vmem>>, vector<16xf32>,
        %swap3A_351 = arith.constant 15 : i32
        %swap3A_352 = arith.index_cast %swap3A_351 : i32 to index
        %swap3A_353 = arith.constant 0 : index
        %swap3A_354 = tpu.vector_load %arg6[%swap3A_352, %swap3A_353] {strides = array<i32>} : memref<34x16xf32, #tpu.memory_space<vmem>>, vector<16xf32>,
        tpu.vector_store %arg6[%swap3A_352, %swap3A_353], %scan3A_124#15 {strides = array<i32>} : memref<34x16xf32, #tpu.memory_space<vmem>>, vector<16xf32>,
        %swap3A_355 = arith.constant 32 : i32
        %swap3A_356 = arith.index_cast %swap3A_355 : i32 to index
        %swap3A_357 = arith.constant 0 : index
        %swap3A_358 = tpu.vector_load %arg6[%swap3A_356, %swap3A_357] {strides = array<i32>} : memref<34x16xf32, #tpu.memory_space<vmem>>, vector<16xf32>,
        tpu.vector_store %arg6[%swap3A_356, %swap3A_357], %scan3A_124#16 {strides = array<i32>} : memref<34x16xf32, #tpu.memory_space<vmem>>, vector<16xf32>,
        "tpu.region"() ({
          %run_scoped3A = tpu.sem_alloc : memref<!tpu.dma_semaphore, #tpu.memory_space<semaphore_mem>>
          %dma_start3A_359 = arith.constant 0 : i32
          %dma_start3A_360 = arith.constant 0 : i32
          %dma_start3A_361 = tpu.memref_slice %arg3[%add3A_99, %dma_start3A_359, %dma_start3A_360] : memref<96x34x16xf32, #tpu.memory_space<hbm>> -> memref<1x34x16xf32, #tpu.memory_space<hbm>>
          %dma_start3A_362 = tpu.memref_squeeze %dma_start3A_361 : memref<1x34x16xf32, #tpu.memory_space<hbm>> -> memref<34x16xf32, #tpu.memory_space<hbm>>
          %dma_start3A_363 = arith.constant 0 : i32
          %dma_start3A_364 = arith.constant 0 : i32
          %dma_start3A_365 = tpu.memref_slice %arg3[%add3A_99, %dma_start3A_363, %dma_start3A_364] : memref<96x34x16xf32, #tpu.memory_space<hbm>> -> memref<1x34x16xf32, #tpu.memory_space<hbm>>
          %dma_start3A_366 = tpu.memref_squeeze %dma_start3A_365 : memref<1x34x16xf32, #tpu.memory_space<hbm>> -> memref<34x16xf32, #tpu.memory_space<hbm>>
          tpu.enqueue_dma source(%arg6 : memref<34x16xf32, #tpu.memory_space<vmem>>) target(%dma_start3A_366 : memref<34x16xf32, #tpu.memory_space<hbm>>) target_semaphore(%run_scoped3A : memref<!tpu.dma_semaphore, #tpu.memory_space<semaphore_mem>>)
          %dma_wait3A_367 = arith.constant 0 : i32
          %dma_wait3A_368 = arith.constant 0 : i32
          %dma_wait3A_369 = tpu.memref_slice %arg3[%add3A_99, %dma_wait3A_367, %dma_wait3A_368] : memref<96x34x16xf32, #tpu.memory_space<hbm>> -> memref<1x34x16xf32, #tpu.memory_space<hbm>>
          %dma_wait3A_370 = tpu.memref_squeeze %dma_wait3A_369 : memref<1x34x16xf32, #tpu.memory_space<hbm>> -> memref<34x16xf32, #tpu.memory_space<hbm>>
          %dma_wait3A_371 = arith.constant 0 : i32
          %dma_wait3A_372 = arith.constant 0 : i32
          %dma_wait3A_373 = tpu.memref_slice %arg3[%add3A_99, %dma_wait3A_371, %dma_wait3A_372] : memref<96x34x16xf32, #tpu.memory_space<hbm>> -> memref<1x34x16xf32, #tpu.memory_space<hbm>>
          %dma_wait3A_374 = tpu.memref_squeeze %dma_wait3A_373 : memref<1x34x16xf32, #tpu.memory_space<hbm>> -> memref<34x16xf32, #tpu.memory_space<hbm>>
          tpu.wait_dma2 semaphore(%run_scoped3A : memref<!tpu.dma_semaphore, #tpu.memory_space<semaphore_mem>>) src(%arg6 : memref<34x16xf32, #tpu.memory_space<vmem>>) dst(%dma_wait3A_374 : memref<34x16xf32, #tpu.memory_space<hbm>>)
          tpu.yield
        }) : () -> ()
      } else {
      }
      %jit3A = arith.constant 0.000000e+00 : f32
      %broadcast_in_dim3A_139 = vector.broadcast %jit3A : f32 to vector<16xf32>
      %select_n3A = arith.select %eq3A_135, %broadcast_in_dim3A_139, %scan3A_124#0 : vector<16xf32>
      %jit3A_140 = arith.constant 0.000000e+00 : f32
      %broadcast_in_dim3A_141 = vector.broadcast %jit3A_140 : f32 to vector<16xf32>
      %select_n3A_142 = arith.select %eq3A_135, %broadcast_in_dim3A_141, %scan3A_124#1 : vector<16xf32>
      %jit3A_143 = arith.constant 0.000000e+00 : f32
      %broadcast_in_dim3A_144 = vector.broadcast %jit3A_143 : f32 to vector<16xf32>
      %select_n3A_145 = arith.select %eq3A_135, %broadcast_in_dim3A_144, %scan3A_124#2 : vector<16xf32>
      %jit3A_146 = arith.constant 0.000000e+00 : f32
      %broadcast_in_dim3A_147 = vector.broadcast %jit3A_146 : f32 to vector<16xf32>
      %select_n3A_148 = arith.select %eq3A_135, %broadcast_in_dim3A_147, %scan3A_124#3 : vector<16xf32>
      %jit3A_149 = arith.constant 0.000000e+00 : f32
      %broadcast_in_dim3A_150 = vector.broadcast %jit3A_149 : f32 to vector<16xf32>
      %select_n3A_151 = arith.select %eq3A_135, %broadcast_in_dim3A_150, %scan3A_124#4 : vector<16xf32>
      %jit3A_152 = arith.constant 0.000000e+00 : f32
      %broadcast_in_dim3A_153 = vector.broadcast %jit3A_152 : f32 to vector<16xf32>
      %select_n3A_154 = arith.select %eq3A_135, %broadcast_in_dim3A_153, %scan3A_124#5 : vector<16xf32>
      %jit3A_155 = arith.constant 0.000000e+00 : f32
      %broadcast_in_dim3A_156 = vector.broadcast %jit3A_155 : f32 to vector<16xf32>
      %select_n3A_157 = arith.select %eq3A_135, %broadcast_in_dim3A_156, %scan3A_124#6 : vector<16xf32>
      %jit3A_158 = arith.constant 0.000000e+00 : f32
      %broadcast_in_dim3A_159 = vector.broadcast %jit3A_158 : f32 to vector<16xf32>
      %select_n3A_160 = arith.select %eq3A_135, %broadcast_in_dim3A_159, %scan3A_124#7 : vector<16xf32>
      %jit3A_161 = arith.constant 0.000000e+00 : f32
      %broadcast_in_dim3A_162 = vector.broadcast %jit3A_161 : f32 to vector<16xf32>
      %select_n3A_163 = arith.select %eq3A_135, %broadcast_in_dim3A_162, %scan3A_124#8 : vector<16xf32>
      %jit3A_164 = arith.constant 0.000000e+00 : f32
      %broadcast_in_dim3A_165 = vector.broadcast %jit3A_164 : f32 to vector<16xf32>
      %select_n3A_166 = arith.select %eq3A_135, %broadcast_in_dim3A_165, %scan3A_124#9 : vector<16xf32>
      %jit3A_167 = arith.constant 0.000000e+00 : f32
      %broadcast_in_dim3A_168 = vector.broadcast %jit3A_167 : f32 to vector<16xf32>
      %select_n3A_169 = arith.select %eq3A_135, %broadcast_in_dim3A_168, %scan3A_124#10 : vector<16xf32>
      %jit3A_170 = arith.constant 0.000000e+00 : f32
      %broadcast_in_dim3A_171 = vector.broadcast %jit3A_170 : f32 to vector<16xf32>
      %select_n3A_172 = arith.select %eq3A_135, %broadcast_in_dim3A_171, %scan3A_124#11 : vector<16xf32>
      %jit3A_173 = arith.constant 0.000000e+00 : f32
      %broadcast_in_dim3A_174 = vector.broadcast %jit3A_173 : f32 to vector<16xf32>
      %select_n3A_175 = arith.select %eq3A_135, %broadcast_in_dim3A_174, %scan3A_124#12 : vector<16xf32>
      %jit3A_176 = arith.constant 0.000000e+00 : f32
      %broadcast_in_dim3A_177 = vector.broadcast %jit3A_176 : f32 to vector<16xf32>
      %select_n3A_178 = arith.select %eq3A_135, %broadcast_in_dim3A_177, %scan3A_124#13 : vector<16xf32>
      %jit3A_179 = arith.constant 0.000000e+00 : f32
      %broadcast_in_dim3A_180 = vector.broadcast %jit3A_179 : f32 to vector<16xf32>
      %select_n3A_181 = arith.select %eq3A_135, %broadcast_in_dim3A_180, %scan3A_124#14 : vector<16xf32>
      %jit3A_182 = arith.constant 0.000000e+00 : f32
      %broadcast_in_dim3A_183 = vector.broadcast %jit3A_182 : f32 to vector<16xf32>
      %select_n3A_184 = arith.select %eq3A_135, %broadcast_in_dim3A_183, %scan3A_124#15 : vector<16xf32>
      %jit3A_185 = arith.constant 0.000000e+00 : f32
      %broadcast_in_dim3A_186 = vector.broadcast %jit3A_185 : f32 to vector<16xf32>
      %select_n3A_187 = arith.select %eq3A_135, %broadcast_in_dim3A_186, %scan3A_124#16 : vector<16xf32>
      %mul3A_188 = arith.constant 2 : i32
      %mul3A_189 = arith.muli %mul3A_188, %scan3A_73 : i32
      %add3A_190 = arith.constant 1 : i32
      %add3A_191 = arith.addi %mul3A_189, %add3A_190 : i32
      %shift_right_arithmetic3A_192 = arith.constant 2 : i32
      %shift_right_arithmetic3A_193 = arith.shrsi %add3A_191, %shift_right_arithmetic3A_192 : i32
      %mul3A_194 = arith.constant 32 : i32
      %mul3A_195 = arith.muli %mul3A_194, %shift_right_arithmetic3A_193 : i32
      %add3A_196 = arith.addi %add3A, %mul3A_195 : i32
      %shift_right_arithmetic3A_197 = arith.constant 2 : i32
      %shift_right_arithmetic3A_198 = arith.shrsi %add3A_191, %shift_right_arithmetic3A_197 : i32
      %mul3A_199 = arith.constant 32 : i32
      %mul3A_200 = arith.muli %mul3A_199, %shift_right_arithmetic3A_198 : i32
      %add3A_201 = arith.addi %add3A, %mul3A_200 : i32
      %mul3A_202 = arith.constant 1024 : i32
      %mul3A_203 = arith.muli %add3A_201, %mul3A_202 : i32
      %and3A_204 = arith.constant 3 : i32
      %and3A_205 = arith.andi %add3A_191, %and3A_204 : i32
      %mul3A_206 = arith.constant 256 : i32
      %mul3A_207 = arith.muli %and3A_205, %mul3A_206 : i32
      %add3A_208 = arith.addi %mul3A_203, %mul3A_207 : i32
      %multiple_of3A_209 = tpu.assume_multiple %add3A_208, 256 : i32
      %dma_wait3A_210 = arith.constant 0 : i32
      %dma_wait3A_211 = tpu.memref_slice %arg2[%multiple_of3A_209, %dma_wait3A_210] : memref<98304x16xf32, #tpu.memory_space<hbm>> -> memref<256x16xf32, #tpu.memory_space<hbm>>
      %dma_wait3A_212 = arith.constant 0 : i32
      %dma_wait3A_213 = tpu.memref_slice %arg2[%multiple_of3A_209, %dma_wait3A_212] : memref<98304x16xf32, #tpu.memory_space<hbm>> -> memref<256x16xf32, #tpu.memory_space<hbm>>
      tpu.wait_dma2 semaphore(%arg8 : memref<!tpu.dma_semaphore, #tpu.memory_space<semaphore_mem>>) src(%dma_wait3A_213 : memref<256x16xf32, #tpu.memory_space<hbm>>) dst(%arg5 : memref<256x16xf32, #tpu.memory_space<vmem>>)
      %and3A_214 = arith.constant 3 : i32
      %and3A_215 = arith.andi %add3A_191, %and3A_214 : i32
      %eq3A_216 = arith.constant 0 : i32
      %eq3A_217 = arith.cmpi eq, %and3A_215, %eq3A_216 : i32
      %convert_element_type3A_218 = arith.extui %eq3A_217 : i1 to i32
      %cond3A_219 = arith.constant 0 : i32
      %cond3A_220 = arith.cmpi ne, %convert_element_type3A_218, %cond3A_219 : i32
      scf.if %cond3A_220 {
        %broadcast_in_dim3A_292 = arith.constant 0.000000e+00 : f32
        %broadcast_in_dim3A_293 = vector.broadcast %broadcast_in_dim3A_292 : f32 to vector<16xf32>
        %swap3A = arith.constant 16 : i32
        %swap3A_294 = arith.index_cast %swap3A : i32 to index
        %swap3A_295 = arith.constant 0 : index
        %swap3A_296 = tpu.vector_load %arg6[%swap3A_294, %swap3A_295] {strides = array<i32>} : memref<34x16xf32, #tpu.memory_space<vmem>>, vector<16xf32>,
        tpu.vector_store %arg6[%swap3A_294, %swap3A_295], %broadcast_in_dim3A_293 {strides = array<i32>} : memref<34x16xf32, #tpu.memory_space<vmem>>, vector<16xf32>,
        %broadcast_in_dim3A_297 = arith.constant 0.000000e+00 : f32
        %broadcast_in_dim3A_298 = vector.broadcast %broadcast_in_dim3A_297 : f32 to vector<16xf32>
        %swap3A_299 = arith.constant 17 : i32
        %swap3A_300 = arith.index_cast %swap3A_299 : i32 to index
        %swap3A_301 = arith.constant 0 : index
        %swap3A_302 = tpu.vector_load %arg6[%swap3A_300, %swap3A_301] {strides = array<i32>} : memref<34x16xf32, #tpu.memory_space<vmem>>, vector<16xf32>,
        tpu.vector_store %arg6[%swap3A_300, %swap3A_301], %broadcast_in_dim3A_298 {strides = array<i32>} : memref<34x16xf32, #tpu.memory_space<vmem>>, vector<16xf32>,
        %broadcast_in_dim3A_303 = arith.constant 0.000000e+00 : f32
        %broadcast_in_dim3A_304 = vector.broadcast %broadcast_in_dim3A_303 : f32 to vector<16xf32>
        %swap3A_305 = arith.constant 18 : i32
        %swap3A_306 = arith.index_cast %swap3A_305 : i32 to index
        %swap3A_307 = arith.constant 0 : index
        %swap3A_308 = tpu.vector_load %arg6[%swap3A_306, %swap3A_307] {strides = array<i32>} : memref<34x16xf32, #tpu.memory_space<vmem>>, vector<16xf32>,
        tpu.vector_store %arg6[%swap3A_306, %swap3A_307], %broadcast_in_dim3A_304 {strides = array<i32>} : memref<34x16xf32, #tpu.memory_space<vmem>>, vector<16xf32>,
        %broadcast_in_dim3A_309 = arith.constant 0.000000e+00 : f32
        %broadcast_in_dim3A_310 = vector.broadcast %broadcast_in_dim3A_309 : f32 to vector<16xf32>
        %swap3A_311 = arith.constant 19 : i32
        %swap3A_312 = arith.index_cast %swap3A_311 : i32 to index
        %swap3A_313 = arith.constant 0 : index
        %swap3A_314 = tpu.vector_load %arg6[%swap3A_312, %swap3A_313] {strides = array<i32>} : memref<34x16xf32, #tpu.memory_space<vmem>>, vector<16xf32>,
        tpu.vector_store %arg6[%swap3A_312, %swap3A_313], %broadcast_in_dim3A_310 {strides = array<i32>} : memref<34x16xf32, #tpu.memory_space<vmem>>, vector<16xf32>,
        %broadcast_in_dim3A_315 = arith.constant 0.000000e+00 : f32
        %broadcast_in_dim3A_316 = vector.broadcast %broadcast_in_dim3A_315 : f32 to vector<16xf32>
        %swap3A_317 = arith.constant 20 : i32
        %swap3A_318 = arith.index_cast %swap3A_317 : i32 to index
        %swap3A_319 = arith.constant 0 : index
        %swap3A_320 = tpu.vector_load %arg6[%swap3A_318, %swap3A_319] {strides = array<i32>} : memref<34x16xf32, #tpu.memory_space<vmem>>, vector<16xf32>,
        tpu.vector_store %arg6[%swap3A_318, %swap3A_319], %broadcast_in_dim3A_316 {strides = array<i32>} : memref<34x16xf32, #tpu.memory_space<vmem>>, vector<16xf32>,
        %broadcast_in_dim3A_321 = arith.constant 0.000000e+00 : f32
        %broadcast_in_dim3A_322 = vector.broadcast %broadcast_in_dim3A_321 : f32 to vector<16xf32>
        %swap3A_323 = arith.constant 21 : i32
        %swap3A_324 = arith.index_cast %swap3A_323 : i32 to index
        %swap3A_325 = arith.constant 0 : index
        %swap3A_326 = tpu.vector_load %arg6[%swap3A_324, %swap3A_325] {strides = array<i32>} : memref<34x16xf32, #tpu.memory_space<vmem>>, vector<16xf32>,
        tpu.vector_store %arg6[%swap3A_324, %swap3A_325], %broadcast_in_dim3A_322 {strides = array<i32>} : memref<34x16xf32, #tpu.memory_space<vmem>>, vector<16xf32>,
        %broadcast_in_dim3A_327 = arith.constant 0.000000e+00 : f32
        %broadcast_in_dim3A_328 = vector.broadcast %broadcast_in_dim3A_327 : f32 to vector<16xf32>
        %swap3A_329 = arith.constant 22 : i32
        %swap3A_330 = arith.index_cast %swap3A_329 : i32 to index
        %swap3A_331 = arith.constant 0 : index
        %swap3A_332 = tpu.vector_load %arg6[%swap3A_330, %swap3A_331] {strides = array<i32>} : memref<34x16xf32, #tpu.memory_space<vmem>>, vector<16xf32>,
        tpu.vector_store %arg6[%swap3A_330, %swap3A_331], %broadcast_in_dim3A_328 {strides = array<i32>} : memref<34x16xf32, #tpu.memory_space<vmem>>, vector<16xf32>,
        %broadcast_in_dim3A_333 = arith.constant 0.000000e+00 : f32
        %broadcast_in_dim3A_334 = vector.broadcast %broadcast_in_dim3A_333 : f32 to vector<16xf32>
        %swap3A_335 = arith.constant 23 : i32
        %swap3A_336 = arith.index_cast %swap3A_335 : i32 to index
        %swap3A_337 = arith.constant 0 : index
        %swap3A_338 = tpu.vector_load %arg6[%swap3A_336, %swap3A_337] {strides = array<i32>} : memref<34x16xf32, #tpu.memory_space<vmem>>, vector<16xf32>,
        tpu.vector_store %arg6[%swap3A_336, %swap3A_337], %broadcast_in_dim3A_334 {strides = array<i32>} : memref<34x16xf32, #tpu.memory_space<vmem>>, vector<16xf32>,
        %broadcast_in_dim3A_339 = arith.constant 0.000000e+00 : f32
        %broadcast_in_dim3A_340 = vector.broadcast %broadcast_in_dim3A_339 : f32 to vector<16xf32>
        %swap3A_341 = arith.constant 24 : i32
        %swap3A_342 = arith.index_cast %swap3A_341 : i32 to index
        %swap3A_343 = arith.constant 0 : index
        %swap3A_344 = tpu.vector_load %arg6[%swap3A_342, %swap3A_343] {strides = array<i32>} : memref<34x16xf32, #tpu.memory_space<vmem>>, vector<16xf32>,
        tpu.vector_store %arg6[%swap3A_342, %swap3A_343], %broadcast_in_dim3A_340 {strides = array<i32>} : memref<34x16xf32, #tpu.memory_space<vmem>>, vector<16xf32>,
        %broadcast_in_dim3A_345 = arith.constant 0.000000e+00 : f32
        %broadcast_in_dim3A_346 = vector.broadcast %broadcast_in_dim3A_345 : f32 to vector<16xf32>
        %swap3A_347 = arith.constant 25 : i32
        %swap3A_348 = arith.index_cast %swap3A_347 : i32 to index
        %swap3A_349 = arith.constant 0 : index
        %swap3A_350 = tpu.vector_load %arg6[%swap3A_348, %swap3A_349] {strides = array<i32>} : memref<34x16xf32, #tpu.memory_space<vmem>>, vector<16xf32>,
        tpu.vector_store %arg6[%swap3A_348, %swap3A_349], %broadcast_in_dim3A_346 {strides = array<i32>} : memref<34x16xf32, #tpu.memory_space<vmem>>, vector<16xf32>,
        %broadcast_in_dim3A_351 = arith.constant 0.000000e+00 : f32
        %broadcast_in_dim3A_352 = vector.broadcast %broadcast_in_dim3A_351 : f32 to vector<16xf32>
        %swap3A_353 = arith.constant 26 : i32
        %swap3A_354 = arith.index_cast %swap3A_353 : i32 to index
        %swap3A_355 = arith.constant 0 : index
        %swap3A_356 = tpu.vector_load %arg6[%swap3A_354, %swap3A_355] {strides = array<i32>} : memref<34x16xf32, #tpu.memory_space<vmem>>, vector<16xf32>,
        tpu.vector_store %arg6[%swap3A_354, %swap3A_355], %broadcast_in_dim3A_352 {strides = array<i32>} : memref<34x16xf32, #tpu.memory_space<vmem>>, vector<16xf32>,
        %broadcast_in_dim3A_357 = arith.constant 0.000000e+00 : f32
        %broadcast_in_dim3A_358 = vector.broadcast %broadcast_in_dim3A_357 : f32 to vector<16xf32>
        %swap3A_359 = arith.constant 27 : i32
        %swap3A_360 = arith.index_cast %swap3A_359 : i32 to index
        %swap3A_361 = arith.constant 0 : index
        %swap3A_362 = tpu.vector_load %arg6[%swap3A_360, %swap3A_361] {strides = array<i32>} : memref<34x16xf32, #tpu.memory_space<vmem>>, vector<16xf32>,
        tpu.vector_store %arg6[%swap3A_360, %swap3A_361], %broadcast_in_dim3A_358 {strides = array<i32>} : memref<34x16xf32, #tpu.memory_space<vmem>>, vector<16xf32>,
        %broadcast_in_dim3A_363 = arith.constant 0.000000e+00 : f32
        %broadcast_in_dim3A_364 = vector.broadcast %broadcast_in_dim3A_363 : f32 to vector<16xf32>
        %swap3A_365 = arith.constant 28 : i32
        %swap3A_366 = arith.index_cast %swap3A_365 : i32 to index
        %swap3A_367 = arith.constant 0 : index
        %swap3A_368 = tpu.vector_load %arg6[%swap3A_366, %swap3A_367] {strides = array<i32>} : memref<34x16xf32, #tpu.memory_space<vmem>>, vector<16xf32>,
        tpu.vector_store %arg6[%swap3A_366, %swap3A_367], %broadcast_in_dim3A_364 {strides = array<i32>} : memref<34x16xf32, #tpu.memory_space<vmem>>, vector<16xf32>,
        %broadcast_in_dim3A_369 = arith.constant 0.000000e+00 : f32
        %broadcast_in_dim3A_370 = vector.broadcast %broadcast_in_dim3A_369 : f32 to vector<16xf32>
        %swap3A_371 = arith.constant 29 : i32
        %swap3A_372 = arith.index_cast %swap3A_371 : i32 to index
        %swap3A_373 = arith.constant 0 : index
        %swap3A_374 = tpu.vector_load %arg6[%swap3A_372, %swap3A_373] {strides = array<i32>} : memref<34x16xf32, #tpu.memory_space<vmem>>, vector<16xf32>,
        tpu.vector_store %arg6[%swap3A_372, %swap3A_373], %broadcast_in_dim3A_370 {strides = array<i32>} : memref<34x16xf32, #tpu.memory_space<vmem>>, vector<16xf32>,
        %broadcast_in_dim3A_375 = arith.constant 0.000000e+00 : f32
        %broadcast_in_dim3A_376 = vector.broadcast %broadcast_in_dim3A_375 : f32 to vector<16xf32>
        %swap3A_377 = arith.constant 30 : i32
        %swap3A_378 = arith.index_cast %swap3A_377 : i32 to index
        %swap3A_379 = arith.constant 0 : index
        %swap3A_380 = tpu.vector_load %arg6[%swap3A_378, %swap3A_379] {strides = array<i32>} : memref<34x16xf32, #tpu.memory_space<vmem>>, vector<16xf32>,
        tpu.vector_store %arg6[%swap3A_378, %swap3A_379], %broadcast_in_dim3A_376 {strides = array<i32>} : memref<34x16xf32, #tpu.memory_space<vmem>>, vector<16xf32>,
        %broadcast_in_dim3A_381 = arith.constant 0.000000e+00 : f32
        %broadcast_in_dim3A_382 = vector.broadcast %broadcast_in_dim3A_381 : f32 to vector<16xf32>
        %swap3A_383 = arith.constant 31 : i32
        %swap3A_384 = arith.index_cast %swap3A_383 : i32 to index
        %swap3A_385 = arith.constant 0 : index
        %swap3A_386 = tpu.vector_load %arg6[%swap3A_384, %swap3A_385] {strides = array<i32>} : memref<34x16xf32, #tpu.memory_space<vmem>>, vector<16xf32>,
        tpu.vector_store %arg6[%swap3A_384, %swap3A_385], %broadcast_in_dim3A_382 {strides = array<i32>} : memref<34x16xf32, #tpu.memory_space<vmem>>, vector<16xf32>,
      } else {
      }
      %scan3A_221 = arith.constant 0 : i32
      %scan3A_222 = arith.constant 8 : i32
      %scan3A_223 = arith.addi %scan3A_221, %scan3A_222 : i32
      %scan3A_224 = arith.constant 1 : i32
      %scan3A_225:17 = scf.for %scan3A_292 = %scan3A_221 to %scan3A_223 step %scan3A_224 iter_args(%scan3A_293 = %select_n3A, %scan3A_294 = %select_n3A_142, %scan3A_295 = %select_n3A_145, %scan3A_296 = %select_n3A_148, %scan3A_297 = %select_n3A_151, %scan3A_298 = %select_n3A_154, %scan3A_299 = %select_n3A_157, %scan3A_300 = %select_n3A_160, %scan3A_301 = %select_n3A_163, %scan3A_302 = %select_n3A_166, %scan3A_303 = %select_n3A_169, %scan3A_304 = %select_n3A_172, %scan3A_305 = %select_n3A_175, %scan3A_306 = %select_n3A_178, %scan3A_307 = %select_n3A_181, %scan3A_308 = %select_n3A_184, %scan3A_309 = %select_n3A_187) -> (vector<16xf32>, vector<16xf32>, vector<16xf32>, vector<16xf32>, vector<16xf32>, vector<16xf32>, vector<16xf32>, vector<16xf32>, vector<16xf32>, vector<16xf32>, vector<16xf32>, vector<16xf32>, vector<16xf32>, vector<16xf32>, vector<16xf32>, vector<16xf32>, vector<16xf32>)  : i32 {
        %mul3A_310 = arith.constant 2 : i32
        %mul3A_311 = arith.muli %scan3A_292, %mul3A_310 : i32
        %add3A_312 = arith.constant 0 : i32
        %add3A_313 = arith.addi %mul3A_311, %add3A_312 : i32
        %mul3A_314 = arith.constant 16 : i32
        %mul3A_315 = arith.muli %add3A_313, %mul3A_314 : i32
        %add3A_316 = vector.broadcast %mul3A_315 : i32 to vector<16xi32>
        %add3A_317 = arith.addi %iota3A, %add3A_316 : vector<16xi32>
        %gather3A = tpu.vector_load_idx %arg5[%add3A_317, %broadcast_in_dim3A_1] : memref<256x16xf32, #tpu.memory_space<vmem>>[vector<16xi32>, vector<16xi32>], vector<16xf32>,
        %gather3A_318 = tpu.vector_load_idx %arg5[%add3A_317, %broadcast_in_dim3A_3] : memref<256x16xf32, #tpu.memory_space<vmem>>[vector<16xi32>, vector<16xi32>], vector<16xf32>,
        %gather3A_319 = tpu.vector_load_idx %arg5[%add3A_317, %broadcast_in_dim3A_5] : memref<256x16xf32, #tpu.memory_space<vmem>>[vector<16xi32>, vector<16xi32>], vector<16xf32>,
        %gather3A_320 = tpu.vector_load_idx %arg5[%add3A_317, %broadcast_in_dim3A_7] : memref<256x16xf32, #tpu.memory_space<vmem>>[vector<16xi32>, vector<16xi32>], vector<16xf32>,
        %gather3A_321 = tpu.vector_load_idx %arg5[%add3A_317, %broadcast_in_dim3A_9] : memref<256x16xf32, #tpu.memory_space<vmem>>[vector<16xi32>, vector<16xi32>], vector<16xf32>,
        %gather3A_322 = tpu.vector_load_idx %arg5[%add3A_317, %broadcast_in_dim3A_11] : memref<256x16xf32, #tpu.memory_space<vmem>>[vector<16xi32>, vector<16xi32>], vector<16xf32>,
        %gather3A_323 = tpu.vector_load_idx %arg5[%add3A_317, %broadcast_in_dim3A_13] : memref<256x16xf32, #tpu.memory_space<vmem>>[vector<16xi32>, vector<16xi32>], vector<16xf32>,
        %gather3A_324 = tpu.vector_load_idx %arg5[%add3A_317, %broadcast_in_dim3A_15] : memref<256x16xf32, #tpu.memory_space<vmem>>[vector<16xi32>, vector<16xi32>], vector<16xf32>,
        %gather3A_325 = tpu.vector_load_idx %arg5[%add3A_317, %broadcast_in_dim3A_17] : memref<256x16xf32, #tpu.memory_space<vmem>>[vector<16xi32>, vector<16xi32>], vector<16xf32>,
        %gather3A_326 = tpu.vector_load_idx %arg5[%add3A_317, %broadcast_in_dim3A_19] : memref<256x16xf32, #tpu.memory_space<vmem>>[vector<16xi32>, vector<16xi32>], vector<16xf32>,
        %gather3A_327 = tpu.vector_load_idx %arg5[%add3A_317, %broadcast_in_dim3A_21] : memref<256x16xf32, #tpu.memory_space<vmem>>[vector<16xi32>, vector<16xi32>], vector<16xf32>,
        %gather3A_328 = tpu.vector_load_idx %arg5[%add3A_317, %broadcast_in_dim3A_23] : memref<256x16xf32, #tpu.memory_space<vmem>>[vector<16xi32>, vector<16xi32>], vector<16xf32>,
        %gather3A_329 = tpu.vector_load_idx %arg5[%add3A_317, %broadcast_in_dim3A_25] : memref<256x16xf32, #tpu.memory_space<vmem>>[vector<16xi32>, vector<16xi32>], vector<16xf32>,
        %gather3A_330 = tpu.vector_load_idx %arg5[%add3A_317, %broadcast_in_dim3A_27] : memref<256x16xf32, #tpu.memory_space<vmem>>[vector<16xi32>, vector<16xi32>], vector<16xf32>,
        %gather3A_331 = tpu.vector_load_idx %arg5[%add3A_317, %broadcast_in_dim3A_29] : memref<256x16xf32, #tpu.memory_space<vmem>>[vector<16xi32>, vector<16xi32>], vector<16xf32>,
        %gather3A_332 = tpu.vector_load_idx %arg5[%add3A_317, %broadcast_in_dim3A_31] : memref<256x16xf32, #tpu.memory_space<vmem>>[vector<16xi32>, vector<16xi32>], vector<16xf32>,
        %broadcast_in_dim3A_333 = arith.constant 0 : i32
        %broadcast_in_dim3A_334 = vector.broadcast %broadcast_in_dim3A_333 : i32 to vector<16xi32>
        %broadcast_in_dim3A_335 = arith.constant 1 : i32
        %broadcast_in_dim3A_336 = vector.broadcast %broadcast_in_dim3A_335 : i32 to vector<16xi32>
        %broadcast_in_dim3A_337 = arith.constant 2 : i32
        %broadcast_in_dim3A_338 = vector.broadcast %broadcast_in_dim3A_337 : i32 to vector<16xi32>
        %broadcast_in_dim3A_339 = arith.constant 3 : i32
        %broadcast_in_dim3A_340 = vector.broadcast %broadcast_in_dim3A_339 : i32 to vector<16xi32>
        %broadcast_in_dim3A_341 = arith.constant 4 : i32
        %broadcast_in_dim3A_342 = vector.broadcast %broadcast_in_dim3A_341 : i32 to vector<16xi32>
        %broadcast_in_dim3A_343 = arith.constant 5 : i32
        %broadcast_in_dim3A_344 = vector.broadcast %broadcast_in_dim3A_343 : i32 to vector<16xi32>
        %broadcast_in_dim3A_345 = arith.constant 6 : i32
        %broadcast_in_dim3A_346 = vector.broadcast %broadcast_in_dim3A_345 : i32 to vector<16xi32>
        %broadcast_in_dim3A_347 = arith.constant 7 : i32
        %broadcast_in_dim3A_348 = vector.broadcast %broadcast_in_dim3A_347 : i32 to vector<16xi32>
        %broadcast_in_dim3A_349 = arith.constant 8 : i32
        %broadcast_in_dim3A_350 = vector.broadcast %broadcast_in_dim3A_349 : i32 to vector<16xi32>
        %broadcast_in_dim3A_351 = arith.constant 9 : i32
        %broadcast_in_dim3A_352 = vector.broadcast %broadcast_in_dim3A_351 : i32 to vector<16xi32>
        %broadcast_in_dim3A_353 = arith.constant 10 : i32
        %broadcast_in_dim3A_354 = vector.broadcast %broadcast_in_dim3A_353 : i32 to vector<16xi32>
        %broadcast_in_dim3A_355 = arith.constant 11 : i32
        %broadcast_in_dim3A_356 = vector.broadcast %broadcast_in_dim3A_355 : i32 to vector<16xi32>
        %broadcast_in_dim3A_357 = arith.constant 12 : i32
        %broadcast_in_dim3A_358 = vector.broadcast %broadcast_in_dim3A_357 : i32 to vector<16xi32>
        %broadcast_in_dim3A_359 = arith.constant 13 : i32
        %broadcast_in_dim3A_360 = vector.broadcast %broadcast_in_dim3A_359 : i32 to vector<16xi32>
        %broadcast_in_dim3A_361 = arith.constant 14 : i32
        %broadcast_in_dim3A_362 = vector.broadcast %broadcast_in_dim3A_361 : i32 to vector<16xi32>
        %broadcast_in_dim3A_363 = arith.constant 15 : i32
        %broadcast_in_dim3A_364 = vector.broadcast %broadcast_in_dim3A_363 : i32 to vector<16xi32>
        %gt3A = arith.cmpf ogt, %gather3A_318, %gather3A : vector<16xf32>
        %select_n3A_365 = arith.select %gt3A, %gather3A_318, %gather3A : vector<16xi1>, vector<16xf32>
        %select_n3A_366 = arith.select %gt3A, %broadcast_in_dim3A_336, %broadcast_in_dim3A_334 : vector<16xi1>, vector<16xi32>
        %gt3A_367 = arith.cmpf ogt, %gather3A_320, %gather3A_319 : vector<16xf32>
        %select_n3A_368 = arith.select %gt3A_367, %gather3A_320, %gather3A_319 : vector<16xi1>, vector<16xf32>
        %select_n3A_369 = arith.select %gt3A_367, %broadcast_in_dim3A_340, %broadcast_in_dim3A_338 : vector<16xi1>, vector<16xi32>
        %gt3A_370 = arith.cmpf ogt, %gather3A_322, %gather3A_321 : vector<16xf32>
        %select_n3A_371 = arith.select %gt3A_370, %gather3A_322, %gather3A_321 : vector<16xi1>, vector<16xf32>
        %select_n3A_372 = arith.select %gt3A_370, %broadcast_in_dim3A_344, %broadcast_in_dim3A_342 : vector<16xi1>, vector<16xi32>
        %gt3A_373 = arith.cmpf ogt, %gather3A_324, %gather3A_323 : vector<16xf32>
        %select_n3A_374 = arith.select %gt3A_373, %gather3A_324, %gather3A_323 : vector<16xi1>, vector<16xf32>
        %select_n3A_375 = arith.select %gt3A_373, %broadcast_in_dim3A_348, %broadcast_in_dim3A_346 : vector<16xi1>, vector<16xi32>
        %gt3A_376 = arith.cmpf ogt, %gather3A_326, %gather3A_325 : vector<16xf32>
        %select_n3A_377 = arith.select %gt3A_376, %gather3A_326, %gather3A_325 : vector<16xi1>, vector<16xf32>
        %select_n3A_378 = arith.select %gt3A_376, %broadcast_in_dim3A_352, %broadcast_in_dim3A_350 : vector<16xi1>, vector<16xi32>
        %gt3A_379 = arith.cmpf ogt, %gather3A_328, %gather3A_327 : vector<16xf32>
        %select_n3A_380 = arith.select %gt3A_379, %gather3A_328, %gather3A_327 : vector<16xi1>, vector<16xf32>
        %select_n3A_381 = arith.select %gt3A_379, %broadcast_in_dim3A_356, %broadcast_in_dim3A_354 : vector<16xi1>, vector<16xi32>
        %gt3A_382 = arith.cmpf ogt, %gather3A_330, %gather3A_329 : vector<16xf32>
        %select_n3A_383 = arith.select %gt3A_382, %gather3A_330, %gather3A_329 : vector<16xi1>, vector<16xf32>
        %select_n3A_384 = arith.select %gt3A_382, %broadcast_in_dim3A_360, %broadcast_in_dim3A_358 : vector<16xi1>, vector<16xi32>
        %gt3A_385 = arith.cmpf ogt, %gather3A_332, %gather3A_331 : vector<16xf32>
        %select_n3A_386 = arith.select %gt3A_385, %gather3A_332, %gather3A_331 : vector<16xi1>, vector<16xf32>
        %select_n3A_387 = arith.select %gt3A_385, %broadcast_in_dim3A_364, %broadcast_in_dim3A_362 : vector<16xi1>, vector<16xi32>
        %gt3A_388 = arith.cmpf ogt, %select_n3A_368, %select_n3A_365 : vector<16xf32>
        %select_n3A_389 = arith.select %gt3A_388, %select_n3A_368, %select_n3A_365 : vector<16xi1>, vector<16xf32>
        %select_n3A_390 = arith.select %gt3A_388, %select_n3A_369, %select_n3A_366 : vector<16xi1>, vector<16xi32>
        %gt3A_391 = arith.cmpf ogt, %select_n3A_374, %select_n3A_371 : vector<16xf32>
        %select_n3A_392 = arith.select %gt3A_391, %select_n3A_374, %select_n3A_371 : vector<16xi1>, vector<16xf32>
        %select_n3A_393 = arith.select %gt3A_391, %select_n3A_375, %select_n3A_372 : vector<16xi1>, vector<16xi32>
        %gt3A_394 = arith.cmpf ogt, %select_n3A_380, %select_n3A_377 : vector<16xf32>
        %select_n3A_395 = arith.select %gt3A_394, %select_n3A_380, %select_n3A_377 : vector<16xi1>, vector<16xf32>
        %select_n3A_396 = arith.select %gt3A_394, %select_n3A_381, %select_n3A_378 : vector<16xi1>, vector<16xi32>
        %gt3A_397 = arith.cmpf ogt, %select_n3A_386, %select_n3A_383 : vector<16xf32>
        %select_n3A_398 = arith.select %gt3A_397, %select_n3A_386, %select_n3A_383 : vector<16xi1>, vector<16xf32>
        %select_n3A_399 = arith.select %gt3A_397, %select_n3A_387, %select_n3A_384 : vector<16xi1>, vector<16xi32>
        %gt3A_400 = arith.cmpf ogt, %select_n3A_392, %select_n3A_389 : vector<16xf32>
        %select_n3A_401 = arith.select %gt3A_400, %select_n3A_392, %select_n3A_389 : vector<16xi1>, vector<16xf32>
        %select_n3A_402 = arith.select %gt3A_400, %select_n3A_393, %select_n3A_390 : vector<16xi1>, vector<16xi32>
        %gt3A_403 = arith.cmpf ogt, %select_n3A_398, %select_n3A_395 : vector<16xf32>
        %select_n3A_404 = arith.select %gt3A_403, %select_n3A_398, %select_n3A_395 : vector<16xi1>, vector<16xf32>
        %select_n3A_405 = arith.select %gt3A_403, %select_n3A_399, %select_n3A_396 : vector<16xi1>, vector<16xi32>
        %gt3A_406 = arith.cmpf ogt, %select_n3A_404, %select_n3A_401 : vector<16xf32>
        %select_n3A_407 = arith.select %gt3A_406, %select_n3A_404, %select_n3A_401 : vector<16xi1>, vector<16xf32>
        %select_n3A_408 = arith.select %gt3A_406, %select_n3A_405, %select_n3A_402 : vector<16xi1>, vector<16xi32>
        %sub3A = arith.subf %gather3A, %select_n3A_407 : vector<16xf32>
        %exp3A = math.exp %sub3A : vector<16xf32>
        %sub3A_409 = arith.subf %gather3A_318, %select_n3A_407 : vector<16xf32>
        %exp3A_410 = math.exp %sub3A_409 : vector<16xf32>
        %sub3A_411 = arith.subf %gather3A_319, %select_n3A_407 : vector<16xf32>
        %exp3A_412 = math.exp %sub3A_411 : vector<16xf32>
        %sub3A_413 = arith.subf %gather3A_320, %select_n3A_407 : vector<16xf32>
        %exp3A_414 = math.exp %sub3A_413 : vector<16xf32>
        %sub3A_415 = arith.subf %gather3A_321, %select_n3A_407 : vector<16xf32>
        %exp3A_416 = math.exp %sub3A_415 : vector<16xf32>
        %sub3A_417 = arith.subf %gather3A_322, %select_n3A_407 : vector<16xf32>
        %exp3A_418 = math.exp %sub3A_417 : vector<16xf32>
        %sub3A_419 = arith.subf %gather3A_323, %select_n3A_407 : vector<16xf32>
        %exp3A_420 = math.exp %sub3A_419 : vector<16xf32>
        %sub3A_421 = arith.subf %gather3A_324, %select_n3A_407 : vector<16xf32>
        %exp3A_422 = math.exp %sub3A_421 : vector<16xf32>
        %sub3A_423 = arith.subf %gather3A_325, %select_n3A_407 : vector<16xf32>
        %exp3A_424 = math.exp %sub3A_423 : vector<16xf32>
        %sub3A_425 = arith.subf %gather3A_326, %select_n3A_407 : vector<16xf32>
        %exp3A_426 = math.exp %sub3A_425 : vector<16xf32>
        %sub3A_427 = arith.subf %gather3A_327, %select_n3A_407 : vector<16xf32>
        %exp3A_428 = math.exp %sub3A_427 : vector<16xf32>
        %sub3A_429 = arith.subf %gather3A_328, %select_n3A_407 : vector<16xf32>
        %exp3A_430 = math.exp %sub3A_429 : vector<16xf32>
        %sub3A_431 = arith.subf %gather3A_329, %select_n3A_407 : vector<16xf32>
        %exp3A_432 = math.exp %sub3A_431 : vector<16xf32>
        %sub3A_433 = arith.subf %gather3A_330, %select_n3A_407 : vector<16xf32>
        %exp3A_434 = math.exp %sub3A_433 : vector<16xf32>
        %sub3A_435 = arith.subf %gather3A_331, %select_n3A_407 : vector<16xf32>
        %exp3A_436 = math.exp %sub3A_435 : vector<16xf32>
        %sub3A_437 = arith.subf %gather3A_332, %select_n3A_407 : vector<16xf32>
        %exp3A_438 = math.exp %sub3A_437 : vector<16xf32>
        %add3A_439 = arith.addf %exp3A, %exp3A_410 : vector<16xf32>
        %add3A_440 = arith.addf %exp3A_412, %exp3A_414 : vector<16xf32>
        %add3A_441 = arith.addf %exp3A_416, %exp3A_418 : vector<16xf32>
        %add3A_442 = arith.addf %exp3A_420, %exp3A_422 : vector<16xf32>
        %add3A_443 = arith.addf %exp3A_424, %exp3A_426 : vector<16xf32>
        %add3A_444 = arith.addf %exp3A_428, %exp3A_430 : vector<16xf32>
        %add3A_445 = arith.addf %exp3A_432, %exp3A_434 : vector<16xf32>
        %add3A_446 = arith.addf %exp3A_436, %exp3A_438 : vector<16xf32>
        %add3A_447 = arith.addf %add3A_439, %add3A_440 : vector<16xf32>
        %add3A_448 = arith.addf %add3A_441, %add3A_442 : vector<16xf32>
        %add3A_449 = arith.addf %add3A_443, %add3A_444 : vector<16xf32>
        %add3A_450 = arith.addf %add3A_445, %add3A_446 : vector<16xf32>
        %add3A_451 = arith.addf %add3A_447, %add3A_448 : vector<16xf32>
        %add3A_452 = arith.addf %add3A_449, %add3A_450 : vector<16xf32>
        %add3A_453 = arith.addf %add3A_451, %add3A_452 : vector<16xf32>
        %div3A = arith.constant 1.000000e+00 : f32
        %div3A_454 = vector.broadcast %div3A : f32 to vector<16xf32>
        %div3A_455 = arith.divf %div3A_454, %add3A_453 : vector<16xf32>
        %add3A_456 = arith.constant 16 : i32
        %add3A_457 = vector.broadcast %add3A_456 : i32 to vector<16xi32>
        %add3A_458 = arith.addi %select_n3A_408, %add3A_457 : vector<16xi32>
        %broadcast_in_dim3A_459 = arith.constant 1.000000e+00 : f32
        %broadcast_in_dim3A_460 = vector.broadcast %broadcast_in_dim3A_459 : f32 to vector<16xf32>
        tpu.vector_store_idx %arg6[%add3A_458, %iota3A], %broadcast_in_dim3A_460 {add = true} : memref<34x16xf32, #tpu.memory_space<vmem>>[vector<16xi32>, vector<16xi32>], vector<16xf32>,
        %bitcast3A = vector.bitcast %add3A_453 : vector<16xf32> to vector<16xi32>
        %sub3A_461 = arith.constant 1060439283 : i32
        %sub3A_462 = vector.broadcast %sub3A_461 : i32 to vector<16xi32>
        %sub3A_463 = arith.subi %bitcast3A, %sub3A_462 : vector<16xi32>
        %shift_right_arithmetic3A_464 = arith.constant 23 : i32
        %shift_right_arithmetic3A_465 = vector.broadcast %shift_right_arithmetic3A_464 : i32 to vector<16xi32>
        %shift_right_arithmetic3A_466 = arith.shrsi %sub3A_463, %shift_right_arithmetic3A_465 : vector<16xi32>
        %shift_left3A = arith.constant 23 : i32
        %shift_left3A_467 = vector.broadcast %shift_left3A : i32 to vector<16xi32>
        %shift_left3A_468 = arith.shli %shift_right_arithmetic3A_466, %shift_left3A_467 : vector<16xi32>
        %sub3A_469 = arith.subi %bitcast3A, %shift_left3A_468 : vector<16xi32>
        %bitcast3A_470 = vector.bitcast %sub3A_469 : vector<16xi32> to vector<16xf32>
        %sub3A_471 = arith.constant 1.000000e+00 : f32
        %sub3A_472 = vector.broadcast %sub3A_471 : f32 to vector<16xf32>
        %sub3A_473 = arith.subf %bitcast3A_470, %sub3A_472 : vector<16xf32>
        %broadcast_in_dim3A_474 = arith.constant 0.114484355 : f32
        %broadcast_in_dim3A_475 = vector.broadcast %broadcast_in_dim3A_474 : f32 to vector<16xf32>
        %mul3A_476 = arith.mulf %broadcast_in_dim3A_475, %sub3A_473 : vector<16xf32>
        %add3A_477 = arith.constant -0.186276972 : f32
        %add3A_478 = vector.broadcast %add3A_477 : f32 to vector<16xf32>
        %add3A_479 = arith.addf %mul3A_476, %add3A_478 : vector<16xf32>
        %mul3A_480 = arith.mulf %add3A_479, %sub3A_473 : vector<16xf32>
        %add3A_481 = arith.constant 0.206117854 : f32
        %add3A_482 = vector.broadcast %add3A_481 : f32 to vector<16xf32>
        %add3A_483 = arith.addf %mul3A_480, %add3A_482 : vector<16xf32>
        %mul3A_484 = arith.mulf %add3A_483, %sub3A_473 : vector<16xf32>
        %add3A_485 = arith.constant -0.249112099 : f32
        %add3A_486 = vector.broadcast %add3A_485 : f32 to vector<16xf32>
        %add3A_487 = arith.addf %mul3A_484, %add3A_486 : vector<16xf32>
        %mul3A_488 = arith.mulf %add3A_487, %sub3A_473 : vector<16xf32>
        %add3A_489 = arith.constant 0.333048135 : f32
        %add3A_490 = vector.broadcast %add3A_489 : f32 to vector<16xf32>
        %add3A_491 = arith.addf %mul3A_488, %add3A_490 : vector<16xf32>
        %mul3A_492 = arith.mulf %add3A_491, %sub3A_473 : vector<16xf32>
        %add3A_493 = arith.constant -0.500012934 : f32
        %add3A_494 = vector.broadcast %add3A_493 : f32 to vector<16xf32>
        %add3A_495 = arith.addf %mul3A_492, %add3A_494 : vector<16xf32>
        %mul3A_496 = arith.mulf %add3A_495, %sub3A_473 : vector<16xf32>
        %add3A_497 = arith.constant 1.0000031 : f32
        %add3A_498 = vector.broadcast %add3A_497 : f32 to vector<16xf32>
        %add3A_499 = arith.addf %mul3A_496, %add3A_498 : vector<16xf32>
        %mul3A_500 = arith.mulf %add3A_499, %sub3A_473 : vector<16xf32>
        %add3A_501 = arith.constant 3.34232695E-8 : f32
        %add3A_502 = vector.broadcast %add3A_501 : f32 to vector<16xf32>
        %add3A_503 = arith.addf %mul3A_500, %add3A_502 : vector<16xf32>
        %convert_element_type3A_504 = arith.sitofp %shift_right_arithmetic3A_466 : vector<16xi32> to vector<16xf32>
        %mul3A_505 = arith.constant 0.693147182 : f32
        %mul3A_506 = vector.broadcast %mul3A_505 : f32 to vector<16xf32>
        %mul3A_507 = arith.mulf %convert_element_type3A_504, %mul3A_506 : vector<16xf32>
        %add3A_508 = arith.addf %mul3A_507, %add3A_503 : vector<16xf32>
        %add3A_509 = arith.addf %select_n3A_407, %add3A_508 : vector<16xf32>
        %mul3A_510 = arith.mulf %exp3A, %div3A_455 : vector<16xf32>
        %mul3A_511 = arith.mulf %exp3A_410, %div3A_455 : vector<16xf32>
        %mul3A_512 = arith.mulf %exp3A_412, %div3A_455 : vector<16xf32>
        %mul3A_513 = arith.mulf %exp3A_414, %div3A_455 : vector<16xf32>
        %mul3A_514 = arith.mulf %exp3A_416, %div3A_455 : vector<16xf32>
        %mul3A_515 = arith.mulf %exp3A_418, %div3A_455 : vector<16xf32>
        %mul3A_516 = arith.mulf %exp3A_420, %div3A_455 : vector<16xf32>
        %mul3A_517 = arith.mulf %exp3A_422, %div3A_455 : vector<16xf32>
        %mul3A_518 = arith.mulf %exp3A_424, %div3A_455 : vector<16xf32>
        %mul3A_519 = arith.mulf %exp3A_426, %div3A_455 : vector<16xf32>
        %mul3A_520 = arith.mulf %exp3A_428, %div3A_455 : vector<16xf32>
        %mul3A_521 = arith.mulf %exp3A_430, %div3A_455 : vector<16xf32>
        %mul3A_522 = arith.mulf %exp3A_432, %div3A_455 : vector<16xf32>
        %mul3A_523 = arith.mulf %exp3A_434, %div3A_455 : vector<16xf32>
        %mul3A_524 = arith.mulf %exp3A_436, %div3A_455 : vector<16xf32>
        %mul3A_525 = arith.mulf %exp3A_438, %div3A_455 : vector<16xf32>
        %mul3A_526 = arith.mulf %add3A_509, %add3A_509 : vector<16xf32>
        %add3A_527 = arith.addf %scan3A_293, %mul3A_510 : vector<16xf32>
        %add3A_528 = arith.addf %scan3A_294, %mul3A_511 : vector<16xf32>
        %add3A_529 = arith.addf %scan3A_295, %mul3A_512 : vector<16xf32>
        %add3A_530 = arith.addf %scan3A_296, %mul3A_513 : vector<16xf32>
        %add3A_531 = arith.addf %scan3A_297, %mul3A_514 : vector<16xf32>
        %add3A_532 = arith.addf %scan3A_298, %mul3A_515 : vector<16xf32>
        %add3A_533 = arith.addf %scan3A_299, %mul3A_516 : vector<16xf32>
        %add3A_534 = arith.addf %scan3A_300, %mul3A_517 : vector<16xf32>
        %add3A_535 = arith.addf %scan3A_301, %mul3A_518 : vector<16xf32>
        %add3A_536 = arith.addf %scan3A_302, %mul3A_519 : vector<16xf32>
        %add3A_537 = arith.addf %scan3A_303, %mul3A_520 : vector<16xf32>
        %add3A_538 = arith.addf %scan3A_304, %mul3A_521 : vector<16xf32>
        %add3A_539 = arith.addf %scan3A_305, %mul3A_522 : vector<16xf32>
        %add3A_540 = arith.addf %scan3A_306, %mul3A_523 : vector<16xf32>
        %add3A_541 = arith.addf %scan3A_307, %mul3A_524 : vector<16xf32>
        %add3A_542 = arith.addf %scan3A_308, %mul3A_525 : vector<16xf32>
        %add3A_543 = arith.addf %scan3A_309, %mul3A_526 : vector<16xf32>
        %mul3A_544 = arith.constant 2 : i32
        %mul3A_545 = arith.muli %scan3A_292, %mul3A_544 : i32
        %add3A_546 = arith.constant 1 : i32
        %add3A_547 = arith.addi %mul3A_545, %add3A_546 : i32
        %mul3A_548 = arith.constant 16 : i32
        %mul3A_549 = arith.muli %add3A_547, %mul3A_548 : i32
        %add3A_550 = vector.broadcast %mul3A_549 : i32 to vector<16xi32>
        %add3A_551 = arith.addi %iota3A, %add3A_550 : vector<16xi32>
        %gather3A_552 = tpu.vector_load_idx %arg5[%add3A_551, %broadcast_in_dim3A_1] : memref<256x16xf32, #tpu.memory_space<vmem>>[vector<16xi32>, vector<16xi32>], vector<16xf32>,
        %gather3A_553 = tpu.vector_load_idx %arg5[%add3A_551, %broadcast_in_dim3A_3] : memref<256x16xf32, #tpu.memory_space<vmem>>[vector<16xi32>, vector<16xi32>], vector<16xf32>,
        %gather3A_554 = tpu.vector_load_idx %arg5[%add3A_551, %broadcast_in_dim3A_5] : memref<256x16xf32, #tpu.memory_space<vmem>>[vector<16xi32>, vector<16xi32>], vector<16xf32>,
        %gather3A_555 = tpu.vector_load_idx %arg5[%add3A_551, %broadcast_in_dim3A_7] : memref<256x16xf32, #tpu.memory_space<vmem>>[vector<16xi32>, vector<16xi32>], vector<16xf32>,
        %gather3A_556 = tpu.vector_load_idx %arg5[%add3A_551, %broadcast_in_dim3A_9] : memref<256x16xf32, #tpu.memory_space<vmem>>[vector<16xi32>, vector<16xi32>], vector<16xf32>,
        %gather3A_557 = tpu.vector_load_idx %arg5[%add3A_551, %broadcast_in_dim3A_11] : memref<256x16xf32, #tpu.memory_space<vmem>>[vector<16xi32>, vector<16xi32>], vector<16xf32>,
        %gather3A_558 = tpu.vector_load_idx %arg5[%add3A_551, %broadcast_in_dim3A_13] : memref<256x16xf32, #tpu.memory_space<vmem>>[vector<16xi32>, vector<16xi32>], vector<16xf32>,
        %gather3A_559 = tpu.vector_load_idx %arg5[%add3A_551, %broadcast_in_dim3A_15] : memref<256x16xf32, #tpu.memory_space<vmem>>[vector<16xi32>, vector<16xi32>], vector<16xf32>,
        %gather3A_560 = tpu.vector_load_idx %arg5[%add3A_551, %broadcast_in_dim3A_17] : memref<256x16xf32, #tpu.memory_space<vmem>>[vector<16xi32>, vector<16xi32>], vector<16xf32>,
        %gather3A_561 = tpu.vector_load_idx %arg5[%add3A_551, %broadcast_in_dim3A_19] : memref<256x16xf32, #tpu.memory_space<vmem>>[vector<16xi32>, vector<16xi32>], vector<16xf32>,
        %gather3A_562 = tpu.vector_load_idx %arg5[%add3A_551, %broadcast_in_dim3A_21] : memref<256x16xf32, #tpu.memory_space<vmem>>[vector<16xi32>, vector<16xi32>], vector<16xf32>,
        %gather3A_563 = tpu.vector_load_idx %arg5[%add3A_551, %broadcast_in_dim3A_23] : memref<256x16xf32, #tpu.memory_space<vmem>>[vector<16xi32>, vector<16xi32>], vector<16xf32>,
        %gather3A_564 = tpu.vector_load_idx %arg5[%add3A_551, %broadcast_in_dim3A_25] : memref<256x16xf32, #tpu.memory_space<vmem>>[vector<16xi32>, vector<16xi32>], vector<16xf32>,
        %gather3A_565 = tpu.vector_load_idx %arg5[%add3A_551, %broadcast_in_dim3A_27] : memref<256x16xf32, #tpu.memory_space<vmem>>[vector<16xi32>, vector<16xi32>], vector<16xf32>,
        %gather3A_566 = tpu.vector_load_idx %arg5[%add3A_551, %broadcast_in_dim3A_29] : memref<256x16xf32, #tpu.memory_space<vmem>>[vector<16xi32>, vector<16xi32>], vector<16xf32>,
        %gather3A_567 = tpu.vector_load_idx %arg5[%add3A_551, %broadcast_in_dim3A_31] : memref<256x16xf32, #tpu.memory_space<vmem>>[vector<16xi32>, vector<16xi32>], vector<16xf32>,
        %broadcast_in_dim3A_568 = arith.constant 0 : i32
        %broadcast_in_dim3A_569 = vector.broadcast %broadcast_in_dim3A_568 : i32 to vector<16xi32>
        %broadcast_in_dim3A_570 = arith.constant 1 : i32
        %broadcast_in_dim3A_571 = vector.broadcast %broadcast_in_dim3A_570 : i32 to vector<16xi32>
        %broadcast_in_dim3A_572 = arith.constant 2 : i32
        %broadcast_in_dim3A_573 = vector.broadcast %broadcast_in_dim3A_572 : i32 to vector<16xi32>
        %broadcast_in_dim3A_574 = arith.constant 3 : i32
        %broadcast_in_dim3A_575 = vector.broadcast %broadcast_in_dim3A_574 : i32 to vector<16xi32>
        %broadcast_in_dim3A_576 = arith.constant 4 : i32
        %broadcast_in_dim3A_577 = vector.broadcast %broadcast_in_dim3A_576 : i32 to vector<16xi32>
        %broadcast_in_dim3A_578 = arith.constant 5 : i32
        %broadcast_in_dim3A_579 = vector.broadcast %broadcast_in_dim3A_578 : i32 to vector<16xi32>
        %broadcast_in_dim3A_580 = arith.constant 6 : i32
        %broadcast_in_dim3A_581 = vector.broadcast %broadcast_in_dim3A_580 : i32 to vector<16xi32>
        %broadcast_in_dim3A_582 = arith.constant 7 : i32
        %broadcast_in_dim3A_583 = vector.broadcast %broadcast_in_dim3A_582 : i32 to vector<16xi32>
        %broadcast_in_dim3A_584 = arith.constant 8 : i32
        %broadcast_in_dim3A_585 = vector.broadcast %broadcast_in_dim3A_584 : i32 to vector<16xi32>
        %broadcast_in_dim3A_586 = arith.constant 9 : i32
        %broadcast_in_dim3A_587 = vector.broadcast %broadcast_in_dim3A_586 : i32 to vector<16xi32>
        %broadcast_in_dim3A_588 = arith.constant 10 : i32
        %broadcast_in_dim3A_589 = vector.broadcast %broadcast_in_dim3A_588 : i32 to vector<16xi32>
        %broadcast_in_dim3A_590 = arith.constant 11 : i32
        %broadcast_in_dim3A_591 = vector.broadcast %broadcast_in_dim3A_590 : i32 to vector<16xi32>
        %broadcast_in_dim3A_592 = arith.constant 12 : i32
        %broadcast_in_dim3A_593 = vector.broadcast %broadcast_in_dim3A_592 : i32 to vector<16xi32>
        %broadcast_in_dim3A_594 = arith.constant 13 : i32
        %broadcast_in_dim3A_595 = vector.broadcast %broadcast_in_dim3A_594 : i32 to vector<16xi32>
        %broadcast_in_dim3A_596 = arith.constant 14 : i32
        %broadcast_in_dim3A_597 = vector.broadcast %broadcast_in_dim3A_596 : i32 to vector<16xi32>
        %broadcast_in_dim3A_598 = arith.constant 15 : i32
        %broadcast_in_dim3A_599 = vector.broadcast %broadcast_in_dim3A_598 : i32 to vector<16xi32>
        %gt3A_600 = arith.cmpf ogt, %gather3A_553, %gather3A_552 : vector<16xf32>
        %select_n3A_601 = arith.select %gt3A_600, %gather3A_553, %gather3A_552 : vector<16xi1>, vector<16xf32>
        %select_n3A_602 = arith.select %gt3A_600, %broadcast_in_dim3A_571, %broadcast_in_dim3A_569 : vector<16xi1>, vector<16xi32>
        %gt3A_603 = arith.cmpf ogt, %gather3A_555, %gather3A_554 : vector<16xf32>
        %select_n3A_604 = arith.select %gt3A_603, %gather3A_555, %gather3A_554 : vector<16xi1>, vector<16xf32>
        %select_n3A_605 = arith.select %gt3A_603, %broadcast_in_dim3A_575, %broadcast_in_dim3A_573 : vector<16xi1>, vector<16xi32>
        %gt3A_606 = arith.cmpf ogt, %gather3A_557, %gather3A_556 : vector<16xf32>
        %select_n3A_607 = arith.select %gt3A_606, %gather3A_557, %gather3A_556 : vector<16xi1>, vector<16xf32>
        %select_n3A_608 = arith.select %gt3A_606, %broadcast_in_dim3A_579, %broadcast_in_dim3A_577 : vector<16xi1>, vector<16xi32>
        %gt3A_609 = arith.cmpf ogt, %gather3A_559, %gather3A_558 : vector<16xf32>
        %select_n3A_610 = arith.select %gt3A_609, %gather3A_559, %gather3A_558 : vector<16xi1>, vector<16xf32>
        %select_n3A_611 = arith.select %gt3A_609, %broadcast_in_dim3A_583, %broadcast_in_dim3A_581 : vector<16xi1>, vector<16xi32>
        %gt3A_612 = arith.cmpf ogt, %gather3A_561, %gather3A_560 : vector<16xf32>
        %select_n3A_613 = arith.select %gt3A_612, %gather3A_561, %gather3A_560 : vector<16xi1>, vector<16xf32>
        %select_n3A_614 = arith.select %gt3A_612, %broadcast_in_dim3A_587, %broadcast_in_dim3A_585 : vector<16xi1>, vector<16xi32>
        %gt3A_615 = arith.cmpf ogt, %gather3A_563, %gather3A_562 : vector<16xf32>
        %select_n3A_616 = arith.select %gt3A_615, %gather3A_563, %gather3A_562 : vector<16xi1>, vector<16xf32>
        %select_n3A_617 = arith.select %gt3A_615, %broadcast_in_dim3A_591, %broadcast_in_dim3A_589 : vector<16xi1>, vector<16xi32>
        %gt3A_618 = arith.cmpf ogt, %gather3A_565, %gather3A_564 : vector<16xf32>
        %select_n3A_619 = arith.select %gt3A_618, %gather3A_565, %gather3A_564 : vector<16xi1>, vector<16xf32>
        %select_n3A_620 = arith.select %gt3A_618, %broadcast_in_dim3A_595, %broadcast_in_dim3A_593 : vector<16xi1>, vector<16xi32>
        %gt3A_621 = arith.cmpf ogt, %gather3A_567, %gather3A_566 : vector<16xf32>
        %select_n3A_622 = arith.select %gt3A_621, %gather3A_567, %gather3A_566 : vector<16xi1>, vector<16xf32>
        %select_n3A_623 = arith.select %gt3A_621, %broadcast_in_dim3A_599, %broadcast_in_dim3A_597 : vector<16xi1>, vector<16xi32>
        %gt3A_624 = arith.cmpf ogt, %select_n3A_604, %select_n3A_601 : vector<16xf32>
        %select_n3A_625 = arith.select %gt3A_624, %select_n3A_604, %select_n3A_601 : vector<16xi1>, vector<16xf32>
        %select_n3A_626 = arith.select %gt3A_624, %select_n3A_605, %select_n3A_602 : vector<16xi1>, vector<16xi32>
        %gt3A_627 = arith.cmpf ogt, %select_n3A_610, %select_n3A_607 : vector<16xf32>
        %select_n3A_628 = arith.select %gt3A_627, %select_n3A_610, %select_n3A_607 : vector<16xi1>, vector<16xf32>
        %select_n3A_629 = arith.select %gt3A_627, %select_n3A_611, %select_n3A_608 : vector<16xi1>, vector<16xi32>
        %gt3A_630 = arith.cmpf ogt, %select_n3A_616, %select_n3A_613 : vector<16xf32>
        %select_n3A_631 = arith.select %gt3A_630, %select_n3A_616, %select_n3A_613 : vector<16xi1>, vector<16xf32>
        %select_n3A_632 = arith.select %gt3A_630, %select_n3A_617, %select_n3A_614 : vector<16xi1>, vector<16xi32>
        %gt3A_633 = arith.cmpf ogt, %select_n3A_622, %select_n3A_619 : vector<16xf32>
        %select_n3A_634 = arith.select %gt3A_633, %select_n3A_622, %select_n3A_619 : vector<16xi1>, vector<16xf32>
        %select_n3A_635 = arith.select %gt3A_633, %select_n3A_623, %select_n3A_620 : vector<16xi1>, vector<16xi32>
        %gt3A_636 = arith.cmpf ogt, %select_n3A_628, %select_n3A_625 : vector<16xf32>
        %select_n3A_637 = arith.select %gt3A_636, %select_n3A_628, %select_n3A_625 : vector<16xi1>, vector<16xf32>
        %select_n3A_638 = arith.select %gt3A_636, %select_n3A_629, %select_n3A_626 : vector<16xi1>, vector<16xi32>
        %gt3A_639 = arith.cmpf ogt, %select_n3A_634, %select_n3A_631 : vector<16xf32>
        %select_n3A_640 = arith.select %gt3A_639, %select_n3A_634, %select_n3A_631 : vector<16xi1>, vector<16xf32>
        %select_n3A_641 = arith.select %gt3A_639, %select_n3A_635, %select_n3A_632 : vector<16xi1>, vector<16xi32>
        %gt3A_642 = arith.cmpf ogt, %select_n3A_640, %select_n3A_637 : vector<16xf32>
        %select_n3A_643 = arith.select %gt3A_642, %select_n3A_640, %select_n3A_637 : vector<16xi1>, vector<16xf32>
        %select_n3A_644 = arith.select %gt3A_642, %select_n3A_641, %select_n3A_638 : vector<16xi1>, vector<16xi32>
        %sub3A_645 = arith.subf %gather3A_552, %select_n3A_643 : vector<16xf32>
        %exp3A_646 = math.exp %sub3A_645 : vector<16xf32>
        %sub3A_647 = arith.subf %gather3A_553, %select_n3A_643 : vector<16xf32>
        %exp3A_648 = math.exp %sub3A_647 : vector<16xf32>
        %sub3A_649 = arith.subf %gather3A_554, %select_n3A_643 : vector<16xf32>
        %exp3A_650 = math.exp %sub3A_649 : vector<16xf32>
        %sub3A_651 = arith.subf %gather3A_555, %select_n3A_643 : vector<16xf32>
        %exp3A_652 = math.exp %sub3A_651 : vector<16xf32>
        %sub3A_653 = arith.subf %gather3A_556, %select_n3A_643 : vector<16xf32>
        %exp3A_654 = math.exp %sub3A_653 : vector<16xf32>
        %sub3A_655 = arith.subf %gather3A_557, %select_n3A_643 : vector<16xf32>
        %exp3A_656 = math.exp %sub3A_655 : vector<16xf32>
        %sub3A_657 = arith.subf %gather3A_558, %select_n3A_643 : vector<16xf32>
        %exp3A_658 = math.exp %sub3A_657 : vector<16xf32>
        %sub3A_659 = arith.subf %gather3A_559, %select_n3A_643 : vector<16xf32>
        %exp3A_660 = math.exp %sub3A_659 : vector<16xf32>
        %sub3A_661 = arith.subf %gather3A_560, %select_n3A_643 : vector<16xf32>
        %exp3A_662 = math.exp %sub3A_661 : vector<16xf32>
        %sub3A_663 = arith.subf %gather3A_561, %select_n3A_643 : vector<16xf32>
        %exp3A_664 = math.exp %sub3A_663 : vector<16xf32>
        %sub3A_665 = arith.subf %gather3A_562, %select_n3A_643 : vector<16xf32>
        %exp3A_666 = math.exp %sub3A_665 : vector<16xf32>
        %sub3A_667 = arith.subf %gather3A_563, %select_n3A_643 : vector<16xf32>
        %exp3A_668 = math.exp %sub3A_667 : vector<16xf32>
        %sub3A_669 = arith.subf %gather3A_564, %select_n3A_643 : vector<16xf32>
        %exp3A_670 = math.exp %sub3A_669 : vector<16xf32>
        %sub3A_671 = arith.subf %gather3A_565, %select_n3A_643 : vector<16xf32>
        %exp3A_672 = math.exp %sub3A_671 : vector<16xf32>
        %sub3A_673 = arith.subf %gather3A_566, %select_n3A_643 : vector<16xf32>
        %exp3A_674 = math.exp %sub3A_673 : vector<16xf32>
        %sub3A_675 = arith.subf %gather3A_567, %select_n3A_643 : vector<16xf32>
        %exp3A_676 = math.exp %sub3A_675 : vector<16xf32>
        %add3A_677 = arith.addf %exp3A_646, %exp3A_648 : vector<16xf32>
        %add3A_678 = arith.addf %exp3A_650, %exp3A_652 : vector<16xf32>
        %add3A_679 = arith.addf %exp3A_654, %exp3A_656 : vector<16xf32>
        %add3A_680 = arith.addf %exp3A_658, %exp3A_660 : vector<16xf32>
        %add3A_681 = arith.addf %exp3A_662, %exp3A_664 : vector<16xf32>
        %add3A_682 = arith.addf %exp3A_666, %exp3A_668 : vector<16xf32>
        %add3A_683 = arith.addf %exp3A_670, %exp3A_672 : vector<16xf32>
        %add3A_684 = arith.addf %exp3A_674, %exp3A_676 : vector<16xf32>
        %add3A_685 = arith.addf %add3A_677, %add3A_678 : vector<16xf32>
        %add3A_686 = arith.addf %add3A_679, %add3A_680 : vector<16xf32>
        %add3A_687 = arith.addf %add3A_681, %add3A_682 : vector<16xf32>
        %add3A_688 = arith.addf %add3A_683, %add3A_684 : vector<16xf32>
        %add3A_689 = arith.addf %add3A_685, %add3A_686 : vector<16xf32>
        %add3A_690 = arith.addf %add3A_687, %add3A_688 : vector<16xf32>
        %add3A_691 = arith.addf %add3A_689, %add3A_690 : vector<16xf32>
        %div3A_692 = arith.constant 1.000000e+00 : f32
        %div3A_693 = vector.broadcast %div3A_692 : f32 to vector<16xf32>
        %div3A_694 = arith.divf %div3A_693, %add3A_691 : vector<16xf32>
        %add3A_695 = arith.constant 16 : i32
        %add3A_696 = vector.broadcast %add3A_695 : i32 to vector<16xi32>
        %add3A_697 = arith.addi %select_n3A_644, %add3A_696 : vector<16xi32>
        %broadcast_in_dim3A_698 = arith.constant 1.000000e+00 : f32
        %broadcast_in_dim3A_699 = vector.broadcast %broadcast_in_dim3A_698 : f32 to vector<16xf32>
        tpu.vector_store_idx %arg6[%add3A_697, %iota3A], %broadcast_in_dim3A_699 {add = true} : memref<34x16xf32, #tpu.memory_space<vmem>>[vector<16xi32>, vector<16xi32>], vector<16xf32>,
        %bitcast3A_700 = vector.bitcast %add3A_691 : vector<16xf32> to vector<16xi32>
        %sub3A_701 = arith.constant 1060439283 : i32
        %sub3A_702 = vector.broadcast %sub3A_701 : i32 to vector<16xi32>
        %sub3A_703 = arith.subi %bitcast3A_700, %sub3A_702 : vector<16xi32>
        %shift_right_arithmetic3A_704 = arith.constant 23 : i32
        %shift_right_arithmetic3A_705 = vector.broadcast %shift_right_arithmetic3A_704 : i32 to vector<16xi32>
        %shift_right_arithmetic3A_706 = arith.shrsi %sub3A_703, %shift_right_arithmetic3A_705 : vector<16xi32>
        %shift_left3A_707 = arith.constant 23 : i32
        %shift_left3A_708 = vector.broadcast %shift_left3A_707 : i32 to vector<16xi32>
        %shift_left3A_709 = arith.shli %shift_right_arithmetic3A_706, %shift_left3A_708 : vector<16xi32>
        %sub3A_710 = arith.subi %bitcast3A_700, %shift_left3A_709 : vector<16xi32>
        %bitcast3A_711 = vector.bitcast %sub3A_710 : vector<16xi32> to vector<16xf32>
        %sub3A_712 = arith.constant 1.000000e+00 : f32
        %sub3A_713 = vector.broadcast %sub3A_712 : f32 to vector<16xf32>
        %sub3A_714 = arith.subf %bitcast3A_711, %sub3A_713 : vector<16xf32>
        %broadcast_in_dim3A_715 = arith.constant 0.114484355 : f32
        %broadcast_in_dim3A_716 = vector.broadcast %broadcast_in_dim3A_715 : f32 to vector<16xf32>
        %mul3A_717 = arith.mulf %broadcast_in_dim3A_716, %sub3A_714 : vector<16xf32>
        %add3A_718 = arith.constant -0.186276972 : f32
        %add3A_719 = vector.broadcast %add3A_718 : f32 to vector<16xf32>
        %add3A_720 = arith.addf %mul3A_717, %add3A_719 : vector<16xf32>
        %mul3A_721 = arith.mulf %add3A_720, %sub3A_714 : vector<16xf32>
        %add3A_722 = arith.constant 0.206117854 : f32
        %add3A_723 = vector.broadcast %add3A_722 : f32 to vector<16xf32>
        %add3A_724 = arith.addf %mul3A_721, %add3A_723 : vector<16xf32>
        %mul3A_725 = arith.mulf %add3A_724, %sub3A_714 : vector<16xf32>
        %add3A_726 = arith.constant -0.249112099 : f32
        %add3A_727 = vector.broadcast %add3A_726 : f32 to vector<16xf32>
        %add3A_728 = arith.addf %mul3A_725, %add3A_727 : vector<16xf32>
        %mul3A_729 = arith.mulf %add3A_728, %sub3A_714 : vector<16xf32>
        %add3A_730 = arith.constant 0.333048135 : f32
        %add3A_731 = vector.broadcast %add3A_730 : f32 to vector<16xf32>
        %add3A_732 = arith.addf %mul3A_729, %add3A_731 : vector<16xf32>
        %mul3A_733 = arith.mulf %add3A_732, %sub3A_714 : vector<16xf32>
        %add3A_734 = arith.constant -0.500012934 : f32
        %add3A_735 = vector.broadcast %add3A_734 : f32 to vector<16xf32>
        %add3A_736 = arith.addf %mul3A_733, %add3A_735 : vector<16xf32>
        %mul3A_737 = arith.mulf %add3A_736, %sub3A_714 : vector<16xf32>
        %add3A_738 = arith.constant 1.0000031 : f32
        %add3A_739 = vector.broadcast %add3A_738 : f32 to vector<16xf32>
        %add3A_740 = arith.addf %mul3A_737, %add3A_739 : vector<16xf32>
        %mul3A_741 = arith.mulf %add3A_740, %sub3A_714 : vector<16xf32>
        %add3A_742 = arith.constant 3.34232695E-8 : f32
        %add3A_743 = vector.broadcast %add3A_742 : f32 to vector<16xf32>
        %add3A_744 = arith.addf %mul3A_741, %add3A_743 : vector<16xf32>
        %convert_element_type3A_745 = arith.sitofp %shift_right_arithmetic3A_706 : vector<16xi32> to vector<16xf32>
        %mul3A_746 = arith.constant 0.693147182 : f32
        %mul3A_747 = vector.broadcast %mul3A_746 : f32 to vector<16xf32>
        %mul3A_748 = arith.mulf %convert_element_type3A_745, %mul3A_747 : vector<16xf32>
        %add3A_749 = arith.addf %mul3A_748, %add3A_744 : vector<16xf32>
        %add3A_750 = arith.addf %select_n3A_643, %add3A_749 : vector<16xf32>
        %mul3A_751 = arith.mulf %exp3A_646, %div3A_694 : vector<16xf32>
        %mul3A_752 = arith.mulf %exp3A_648, %div3A_694 : vector<16xf32>
        %mul3A_753 = arith.mulf %exp3A_650, %div3A_694 : vector<16xf32>
        %mul3A_754 = arith.mulf %exp3A_652, %div3A_694 : vector<16xf32>
        %mul3A_755 = arith.mulf %exp3A_654, %div3A_694 : vector<16xf32>
        %mul3A_756 = arith.mulf %exp3A_656, %div3A_694 : vector<16xf32>
        %mul3A_757 = arith.mulf %exp3A_658, %div3A_694 : vector<16xf32>
        %mul3A_758 = arith.mulf %exp3A_660, %div3A_694 : vector<16xf32>
        %mul3A_759 = arith.mulf %exp3A_662, %div3A_694 : vector<16xf32>
        %mul3A_760 = arith.mulf %exp3A_664, %div3A_694 : vector<16xf32>
        %mul3A_761 = arith.mulf %exp3A_666, %div3A_694 : vector<16xf32>
        %mul3A_762 = arith.mulf %exp3A_668, %div3A_694 : vector<16xf32>
        %mul3A_763 = arith.mulf %exp3A_670, %div3A_694 : vector<16xf32>
        %mul3A_764 = arith.mulf %exp3A_672, %div3A_694 : vector<16xf32>
        %mul3A_765 = arith.mulf %exp3A_674, %div3A_694 : vector<16xf32>
        %mul3A_766 = arith.mulf %exp3A_676, %div3A_694 : vector<16xf32>
        %mul3A_767 = arith.mulf %add3A_750, %add3A_750 : vector<16xf32>
        %add3A_768 = arith.addf %add3A_527, %mul3A_751 : vector<16xf32>
        %add3A_769 = arith.addf %add3A_528, %mul3A_752 : vector<16xf32>
        %add3A_770 = arith.addf %add3A_529, %mul3A_753 : vector<16xf32>
        %add3A_771 = arith.addf %add3A_530, %mul3A_754 : vector<16xf32>
        %add3A_772 = arith.addf %add3A_531, %mul3A_755 : vector<16xf32>
        %add3A_773 = arith.addf %add3A_532, %mul3A_756 : vector<16xf32>
        %add3A_774 = arith.addf %add3A_533, %mul3A_757 : vector<16xf32>
        %add3A_775 = arith.addf %add3A_534, %mul3A_758 : vector<16xf32>
        %add3A_776 = arith.addf %add3A_535, %mul3A_759 : vector<16xf32>
        %add3A_777 = arith.addf %add3A_536, %mul3A_760 : vector<16xf32>
        %add3A_778 = arith.addf %add3A_537, %mul3A_761 : vector<16xf32>
        %add3A_779 = arith.addf %add3A_538, %mul3A_762 : vector<16xf32>
        %add3A_780 = arith.addf %add3A_539, %mul3A_763 : vector<16xf32>
        %add3A_781 = arith.addf %add3A_540, %mul3A_764 : vector<16xf32>
        %add3A_782 = arith.addf %add3A_541, %mul3A_765 : vector<16xf32>
        %add3A_783 = arith.addf %add3A_542, %mul3A_766 : vector<16xf32>
        %add3A_784 = arith.addf %add3A_543, %mul3A_767 : vector<16xf32>
        scf.yield %add3A_768, %add3A_769, %add3A_770, %add3A_771, %add3A_772, %add3A_773, %add3A_774, %add3A_775, %add3A_776, %add3A_777, %add3A_778, %add3A_779, %add3A_780, %add3A_781, %add3A_782, %add3A_783, %add3A_784 : vector<16xf32>, vector<16xf32>, vector<16xf32>, vector<16xf32>, vector<16xf32>, vector<16xf32>, vector<16xf32>, vector<16xf32>, vector<16xf32>, vector<16xf32>, vector<16xf32>, vector<16xf32>, vector<16xf32>, vector<16xf32>, vector<16xf32>, vector<16xf32>, vector<16xf32>
      }
      %scan3A_226 = arith.constant 8 : i32
      %add3A_227 = arith.constant 2 : i32
      %add3A_228 = arith.addi %add3A_191, %add3A_227 : i32
      %lt3A_229 = arith.constant 12 : i32
      %lt3A_230 = arith.cmpi slt, %add3A_228, %lt3A_229 : i32
      %convert_element_type3A_231 = arith.extui %lt3A_230 : i1 to i32
      %cond3A_232 = arith.constant 0 : i32
      %cond3A_233 = arith.cmpi ne, %convert_element_type3A_231, %cond3A_232 : i32
      scf.if %cond3A_233 {
        %shift_right_arithmetic3A_292 = arith.constant 2 : i32
        %shift_right_arithmetic3A_293 = arith.shrsi %add3A_228, %shift_right_arithmetic3A_292 : i32
        %mul3A_294 = arith.constant 32 : i32
        %mul3A_295 = arith.muli %mul3A_294, %shift_right_arithmetic3A_293 : i32
        %add3A_296 = arith.addi %add3A, %mul3A_295 : i32
        %mul3A_297 = arith.constant 1024 : i32
        %mul3A_298 = arith.muli %add3A_296, %mul3A_297 : i32
        %and3A_299 = arith.constant 3 : i32
        %and3A_300 = arith.andi %add3A_228, %and3A_299 : i32
        %mul3A_301 = arith.constant 256 : i32
        %mul3A_302 = arith.muli %and3A_300, %mul3A_301 : i32
        %add3A_303 = arith.addi %mul3A_298, %mul3A_302 : i32
        %multiple_of3A_304 = tpu.assume_multiple %add3A_303, 256 : i32
        %dma_start3A_305 = arith.constant 0 : i32
        %dma_start3A_306 = tpu.memref_slice %arg2[%multiple_of3A_304, %dma_start3A_305] : memref<98304x16xf32, #tpu.memory_space<hbm>> -> memref<256x16xf32, #tpu.memory_space<hbm>>
        %dma_start3A_307 = arith.constant 0 : i32
        %dma_start3A_308 = tpu.memref_slice %arg2[%multiple_of3A_304, %dma_start3A_307] : memref<98304x16xf32, #tpu.memory_space<hbm>> -> memref<256x16xf32, #tpu.memory_space<hbm>>
        tpu.enqueue_dma source(%dma_start3A_308 : memref<256x16xf32, #tpu.memory_space<hbm>>) target(%arg5 : memref<256x16xf32, #tpu.memory_space<vmem>>) target_semaphore(%arg8 : memref<!tpu.dma_semaphore, #tpu.memory_space<semaphore_mem>>)
      } else {
      }
      %and3A_234 = arith.constant 3 : i32
      %and3A_235 = arith.andi %add3A_191, %and3A_234 : i32
      %eq3A_236 = arith.constant 3 : i32
      %eq3A_237 = arith.cmpi eq, %and3A_235, %eq3A_236 : i32
      %convert_element_type3A_238 = arith.extui %eq3A_237 : i1 to i32
      %cond3A_239 = arith.constant 0 : i32
      %cond3A_240 = arith.cmpi ne, %convert_element_type3A_238, %cond3A_239 : i32
      scf.if %cond3A_240 {
        %swap3A = arith.constant 0 : i32
        %swap3A_292 = arith.index_cast %swap3A : i32 to index
        %swap3A_293 = arith.constant 0 : index
        %swap3A_294 = tpu.vector_load %arg6[%swap3A_292, %swap3A_293] {strides = array<i32>} : memref<34x16xf32, #tpu.memory_space<vmem>>, vector<16xf32>,
        tpu.vector_store %arg6[%swap3A_292, %swap3A_293], %scan3A_225#0 {strides = array<i32>} : memref<34x16xf32, #tpu.memory_space<vmem>>, vector<16xf32>,
        %swap3A_295 = arith.constant 1 : i32
        %swap3A_296 = arith.index_cast %swap3A_295 : i32 to index
        %swap3A_297 = arith.constant 0 : index
        %swap3A_298 = tpu.vector_load %arg6[%swap3A_296, %swap3A_297] {strides = array<i32>} : memref<34x16xf32, #tpu.memory_space<vmem>>, vector<16xf32>,
        tpu.vector_store %arg6[%swap3A_296, %swap3A_297], %scan3A_225#1 {strides = array<i32>} : memref<34x16xf32, #tpu.memory_space<vmem>>, vector<16xf32>,
        %swap3A_299 = arith.constant 2 : i32
        %swap3A_300 = arith.index_cast %swap3A_299 : i32 to index
        %swap3A_301 = arith.constant 0 : index
        %swap3A_302 = tpu.vector_load %arg6[%swap3A_300, %swap3A_301] {strides = array<i32>} : memref<34x16xf32, #tpu.memory_space<vmem>>, vector<16xf32>,
        tpu.vector_store %arg6[%swap3A_300, %swap3A_301], %scan3A_225#2 {strides = array<i32>} : memref<34x16xf32, #tpu.memory_space<vmem>>, vector<16xf32>,
        %swap3A_303 = arith.constant 3 : i32
        %swap3A_304 = arith.index_cast %swap3A_303 : i32 to index
        %swap3A_305 = arith.constant 0 : index
        %swap3A_306 = tpu.vector_load %arg6[%swap3A_304, %swap3A_305] {strides = array<i32>} : memref<34x16xf32, #tpu.memory_space<vmem>>, vector<16xf32>,
        tpu.vector_store %arg6[%swap3A_304, %swap3A_305], %scan3A_225#3 {strides = array<i32>} : memref<34x16xf32, #tpu.memory_space<vmem>>, vector<16xf32>,
        %swap3A_307 = arith.constant 4 : i32
        %swap3A_308 = arith.index_cast %swap3A_307 : i32 to index
        %swap3A_309 = arith.constant 0 : index
        %swap3A_310 = tpu.vector_load %arg6[%swap3A_308, %swap3A_309] {strides = array<i32>} : memref<34x16xf32, #tpu.memory_space<vmem>>, vector<16xf32>,
        tpu.vector_store %arg6[%swap3A_308, %swap3A_309], %scan3A_225#4 {strides = array<i32>} : memref<34x16xf32, #tpu.memory_space<vmem>>, vector<16xf32>,
        %swap3A_311 = arith.constant 5 : i32
        %swap3A_312 = arith.index_cast %swap3A_311 : i32 to index
        %swap3A_313 = arith.constant 0 : index
        %swap3A_314 = tpu.vector_load %arg6[%swap3A_312, %swap3A_313] {strides = array<i32>} : memref<34x16xf32, #tpu.memory_space<vmem>>, vector<16xf32>,
        tpu.vector_store %arg6[%swap3A_312, %swap3A_313], %scan3A_225#5 {strides = array<i32>} : memref<34x16xf32, #tpu.memory_space<vmem>>, vector<16xf32>,
        %swap3A_315 = arith.constant 6 : i32
        %swap3A_316 = arith.index_cast %swap3A_315 : i32 to index
        %swap3A_317 = arith.constant 0 : index
        %swap3A_318 = tpu.vector_load %arg6[%swap3A_316, %swap3A_317] {strides = array<i32>} : memref<34x16xf32, #tpu.memory_space<vmem>>, vector<16xf32>,
        tpu.vector_store %arg6[%swap3A_316, %swap3A_317], %scan3A_225#6 {strides = array<i32>} : memref<34x16xf32, #tpu.memory_space<vmem>>, vector<16xf32>,
        %swap3A_319 = arith.constant 7 : i32
        %swap3A_320 = arith.index_cast %swap3A_319 : i32 to index
        %swap3A_321 = arith.constant 0 : index
        %swap3A_322 = tpu.vector_load %arg6[%swap3A_320, %swap3A_321] {strides = array<i32>} : memref<34x16xf32, #tpu.memory_space<vmem>>, vector<16xf32>,
        tpu.vector_store %arg6[%swap3A_320, %swap3A_321], %scan3A_225#7 {strides = array<i32>} : memref<34x16xf32, #tpu.memory_space<vmem>>, vector<16xf32>,
        %swap3A_323 = arith.constant 8 : i32
        %swap3A_324 = arith.index_cast %swap3A_323 : i32 to index
        %swap3A_325 = arith.constant 0 : index
        %swap3A_326 = tpu.vector_load %arg6[%swap3A_324, %swap3A_325] {strides = array<i32>} : memref<34x16xf32, #tpu.memory_space<vmem>>, vector<16xf32>,
        tpu.vector_store %arg6[%swap3A_324, %swap3A_325], %scan3A_225#8 {strides = array<i32>} : memref<34x16xf32, #tpu.memory_space<vmem>>, vector<16xf32>,
        %swap3A_327 = arith.constant 9 : i32
        %swap3A_328 = arith.index_cast %swap3A_327 : i32 to index
        %swap3A_329 = arith.constant 0 : index
        %swap3A_330 = tpu.vector_load %arg6[%swap3A_328, %swap3A_329] {strides = array<i32>} : memref<34x16xf32, #tpu.memory_space<vmem>>, vector<16xf32>,
        tpu.vector_store %arg6[%swap3A_328, %swap3A_329], %scan3A_225#9 {strides = array<i32>} : memref<34x16xf32, #tpu.memory_space<vmem>>, vector<16xf32>,
        %swap3A_331 = arith.constant 10 : i32
        %swap3A_332 = arith.index_cast %swap3A_331 : i32 to index
        %swap3A_333 = arith.constant 0 : index
        %swap3A_334 = tpu.vector_load %arg6[%swap3A_332, %swap3A_333] {strides = array<i32>} : memref<34x16xf32, #tpu.memory_space<vmem>>, vector<16xf32>,
        tpu.vector_store %arg6[%swap3A_332, %swap3A_333], %scan3A_225#10 {strides = array<i32>} : memref<34x16xf32, #tpu.memory_space<vmem>>, vector<16xf32>,
        %swap3A_335 = arith.constant 11 : i32
        %swap3A_336 = arith.index_cast %swap3A_335 : i32 to index
        %swap3A_337 = arith.constant 0 : index
        %swap3A_338 = tpu.vector_load %arg6[%swap3A_336, %swap3A_337] {strides = array<i32>} : memref<34x16xf32, #tpu.memory_space<vmem>>, vector<16xf32>,
        tpu.vector_store %arg6[%swap3A_336, %swap3A_337], %scan3A_225#11 {strides = array<i32>} : memref<34x16xf32, #tpu.memory_space<vmem>>, vector<16xf32>,
        %swap3A_339 = arith.constant 12 : i32
        %swap3A_340 = arith.index_cast %swap3A_339 : i32 to index
        %swap3A_341 = arith.constant 0 : index
        %swap3A_342 = tpu.vector_load %arg6[%swap3A_340, %swap3A_341] {strides = array<i32>} : memref<34x16xf32, #tpu.memory_space<vmem>>, vector<16xf32>,
        tpu.vector_store %arg6[%swap3A_340, %swap3A_341], %scan3A_225#12 {strides = array<i32>} : memref<34x16xf32, #tpu.memory_space<vmem>>, vector<16xf32>,
        %swap3A_343 = arith.constant 13 : i32
        %swap3A_344 = arith.index_cast %swap3A_343 : i32 to index
        %swap3A_345 = arith.constant 0 : index
        %swap3A_346 = tpu.vector_load %arg6[%swap3A_344, %swap3A_345] {strides = array<i32>} : memref<34x16xf32, #tpu.memory_space<vmem>>, vector<16xf32>,
        tpu.vector_store %arg6[%swap3A_344, %swap3A_345], %scan3A_225#13 {strides = array<i32>} : memref<34x16xf32, #tpu.memory_space<vmem>>, vector<16xf32>,
        %swap3A_347 = arith.constant 14 : i32
        %swap3A_348 = arith.index_cast %swap3A_347 : i32 to index
        %swap3A_349 = arith.constant 0 : index
        %swap3A_350 = tpu.vector_load %arg6[%swap3A_348, %swap3A_349] {strides = array<i32>} : memref<34x16xf32, #tpu.memory_space<vmem>>, vector<16xf32>,
        tpu.vector_store %arg6[%swap3A_348, %swap3A_349], %scan3A_225#14 {strides = array<i32>} : memref<34x16xf32, #tpu.memory_space<vmem>>, vector<16xf32>,
        %swap3A_351 = arith.constant 15 : i32
        %swap3A_352 = arith.index_cast %swap3A_351 : i32 to index
        %swap3A_353 = arith.constant 0 : index
        %swap3A_354 = tpu.vector_load %arg6[%swap3A_352, %swap3A_353] {strides = array<i32>} : memref<34x16xf32, #tpu.memory_space<vmem>>, vector<16xf32>,
        tpu.vector_store %arg6[%swap3A_352, %swap3A_353], %scan3A_225#15 {strides = array<i32>} : memref<34x16xf32, #tpu.memory_space<vmem>>, vector<16xf32>,
        %swap3A_355 = arith.constant 32 : i32
        %swap3A_356 = arith.index_cast %swap3A_355 : i32 to index
        %swap3A_357 = arith.constant 0 : index
        %swap3A_358 = tpu.vector_load %arg6[%swap3A_356, %swap3A_357] {strides = array<i32>} : memref<34x16xf32, #tpu.memory_space<vmem>>, vector<16xf32>,
        tpu.vector_store %arg6[%swap3A_356, %swap3A_357], %scan3A_225#16 {strides = array<i32>} : memref<34x16xf32, #tpu.memory_space<vmem>>, vector<16xf32>,
        "tpu.region"() ({
          %run_scoped3A = tpu.sem_alloc : memref<!tpu.dma_semaphore, #tpu.memory_space<semaphore_mem>>
          %dma_start3A_359 = arith.constant 0 : i32
          %dma_start3A_360 = arith.constant 0 : i32
          %dma_start3A_361 = tpu.memref_slice %arg3[%add3A_196, %dma_start3A_359, %dma_start3A_360] : memref<96x34x16xf32, #tpu.memory_space<hbm>> -> memref<1x34x16xf32, #tpu.memory_space<hbm>>
          %dma_start3A_362 = tpu.memref_squeeze %dma_start3A_361 : memref<1x34x16xf32, #tpu.memory_space<hbm>> -> memref<34x16xf32, #tpu.memory_space<hbm>>
          %dma_start3A_363 = arith.constant 0 : i32
          %dma_start3A_364 = arith.constant 0 : i32
          %dma_start3A_365 = tpu.memref_slice %arg3[%add3A_196, %dma_start3A_363, %dma_start3A_364] : memref<96x34x16xf32, #tpu.memory_space<hbm>> -> memref<1x34x16xf32, #tpu.memory_space<hbm>>
          %dma_start3A_366 = tpu.memref_squeeze %dma_start3A_365 : memref<1x34x16xf32, #tpu.memory_space<hbm>> -> memref<34x16xf32, #tpu.memory_space<hbm>>
          tpu.enqueue_dma source(%arg6 : memref<34x16xf32, #tpu.memory_space<vmem>>) target(%dma_start3A_366 : memref<34x16xf32, #tpu.memory_space<hbm>>) target_semaphore(%run_scoped3A : memref<!tpu.dma_semaphore, #tpu.memory_space<semaphore_mem>>)
          %dma_wait3A_367 = arith.constant 0 : i32
          %dma_wait3A_368 = arith.constant 0 : i32
          %dma_wait3A_369 = tpu.memref_slice %arg3[%add3A_196, %dma_wait3A_367, %dma_wait3A_368] : memref<96x34x16xf32, #tpu.memory_space<hbm>> -> memref<1x34x16xf32, #tpu.memory_space<hbm>>
          %dma_wait3A_370 = tpu.memref_squeeze %dma_wait3A_369 : memref<1x34x16xf32, #tpu.memory_space<hbm>> -> memref<34x16xf32, #tpu.memory_space<hbm>>
          %dma_wait3A_371 = arith.constant 0 : i32
          %dma_wait3A_372 = arith.constant 0 : i32
          %dma_wait3A_373 = tpu.memref_slice %arg3[%add3A_196, %dma_wait3A_371, %dma_wait3A_372] : memref<96x34x16xf32, #tpu.memory_space<hbm>> -> memref<1x34x16xf32, #tpu.memory_space<hbm>>
          %dma_wait3A_374 = tpu.memref_squeeze %dma_wait3A_373 : memref<1x34x16xf32, #tpu.memory_space<hbm>> -> memref<34x16xf32, #tpu.memory_space<hbm>>
          tpu.wait_dma2 semaphore(%run_scoped3A : memref<!tpu.dma_semaphore, #tpu.memory_space<semaphore_mem>>) src(%arg6 : memref<34x16xf32, #tpu.memory_space<vmem>>) dst(%dma_wait3A_374 : memref<34x16xf32, #tpu.memory_space<hbm>>)
          tpu.yield
        }) : () -> ()
      } else {
      }
      %jit3A_241 = arith.constant 0.000000e+00 : f32
      %broadcast_in_dim3A_242 = vector.broadcast %jit3A_241 : f32 to vector<16xf32>
      %select_n3A_243 = arith.select %eq3A_237, %broadcast_in_dim3A_242, %scan3A_225#0 : vector<16xf32>
      %jit3A_244 = arith.constant 0.000000e+00 : f32
      %broadcast_in_dim3A_245 = vector.broadcast %jit3A_244 : f32 to vector<16xf32>
      %select_n3A_246 = arith.select %eq3A_237, %broadcast_in_dim3A_245, %scan3A_225#1 : vector<16xf32>
      %jit3A_247 = arith.constant 0.000000e+00 : f32
      %broadcast_in_dim3A_248 = vector.broadcast %jit3A_247 : f32 to vector<16xf32>
      %select_n3A_249 = arith.select %eq3A_237, %broadcast_in_dim3A_248, %scan3A_225#2 : vector<16xf32>
      %jit3A_250 = arith.constant 0.000000e+00 : f32
      %broadcast_in_dim3A_251 = vector.broadcast %jit3A_250 : f32 to vector<16xf32>
      %select_n3A_252 = arith.select %eq3A_237, %broadcast_in_dim3A_251, %scan3A_225#3 : vector<16xf32>
      %jit3A_253 = arith.constant 0.000000e+00 : f32
      %broadcast_in_dim3A_254 = vector.broadcast %jit3A_253 : f32 to vector<16xf32>
      %select_n3A_255 = arith.select %eq3A_237, %broadcast_in_dim3A_254, %scan3A_225#4 : vector<16xf32>
      %jit3A_256 = arith.constant 0.000000e+00 : f32
      %broadcast_in_dim3A_257 = vector.broadcast %jit3A_256 : f32 to vector<16xf32>
      %select_n3A_258 = arith.select %eq3A_237, %broadcast_in_dim3A_257, %scan3A_225#5 : vector<16xf32>
      %jit3A_259 = arith.constant 0.000000e+00 : f32
      %broadcast_in_dim3A_260 = vector.broadcast %jit3A_259 : f32 to vector<16xf32>
      %select_n3A_261 = arith.select %eq3A_237, %broadcast_in_dim3A_260, %scan3A_225#6 : vector<16xf32>
      %jit3A_262 = arith.constant 0.000000e+00 : f32
      %broadcast_in_dim3A_263 = vector.broadcast %jit3A_262 : f32 to vector<16xf32>
      %select_n3A_264 = arith.select %eq3A_237, %broadcast_in_dim3A_263, %scan3A_225#7 : vector<16xf32>
      %jit3A_265 = arith.constant 0.000000e+00 : f32
      %broadcast_in_dim3A_266 = vector.broadcast %jit3A_265 : f32 to vector<16xf32>
      %select_n3A_267 = arith.select %eq3A_237, %broadcast_in_dim3A_266, %scan3A_225#8 : vector<16xf32>
      %jit3A_268 = arith.constant 0.000000e+00 : f32
      %broadcast_in_dim3A_269 = vector.broadcast %jit3A_268 : f32 to vector<16xf32>
      %select_n3A_270 = arith.select %eq3A_237, %broadcast_in_dim3A_269, %scan3A_225#9 : vector<16xf32>
      %jit3A_271 = arith.constant 0.000000e+00 : f32
      %broadcast_in_dim3A_272 = vector.broadcast %jit3A_271 : f32 to vector<16xf32>
      %select_n3A_273 = arith.select %eq3A_237, %broadcast_in_dim3A_272, %scan3A_225#10 : vector<16xf32>
      %jit3A_274 = arith.constant 0.000000e+00 : f32
      %broadcast_in_dim3A_275 = vector.broadcast %jit3A_274 : f32 to vector<16xf32>
      %select_n3A_276 = arith.select %eq3A_237, %broadcast_in_dim3A_275, %scan3A_225#11 : vector<16xf32>
      %jit3A_277 = arith.constant 0.000000e+00 : f32
      %broadcast_in_dim3A_278 = vector.broadcast %jit3A_277 : f32 to vector<16xf32>
      %select_n3A_279 = arith.select %eq3A_237, %broadcast_in_dim3A_278, %scan3A_225#12 : vector<16xf32>
      %jit3A_280 = arith.constant 0.000000e+00 : f32
      %broadcast_in_dim3A_281 = vector.broadcast %jit3A_280 : f32 to vector<16xf32>
      %select_n3A_282 = arith.select %eq3A_237, %broadcast_in_dim3A_281, %scan3A_225#13 : vector<16xf32>
      %jit3A_283 = arith.constant 0.000000e+00 : f32
      %broadcast_in_dim3A_284 = vector.broadcast %jit3A_283 : f32 to vector<16xf32>
      %select_n3A_285 = arith.select %eq3A_237, %broadcast_in_dim3A_284, %scan3A_225#14 : vector<16xf32>
      %jit3A_286 = arith.constant 0.000000e+00 : f32
      %broadcast_in_dim3A_287 = vector.broadcast %jit3A_286 : f32 to vector<16xf32>
      %select_n3A_288 = arith.select %eq3A_237, %broadcast_in_dim3A_287, %scan3A_225#15 : vector<16xf32>
      %jit3A_289 = arith.constant 0.000000e+00 : f32
      %broadcast_in_dim3A_290 = vector.broadcast %jit3A_289 : f32 to vector<16xf32>
      %select_n3A_291 = arith.select %eq3A_237, %broadcast_in_dim3A_290, %scan3A_225#16 : vector<16xf32>
      scf.yield %select_n3A_243, %select_n3A_246, %select_n3A_249, %select_n3A_252, %select_n3A_255, %select_n3A_258, %select_n3A_261, %select_n3A_264, %select_n3A_267, %select_n3A_270, %select_n3A_273, %select_n3A_276, %select_n3A_279, %select_n3A_282, %select_n3A_285, %select_n3A_288, %select_n3A_291 : vector<16xf32>, vector<16xf32>, vector<16xf32>, vector<16xf32>, vector<16xf32>, vector<16xf32>, vector<16xf32>, vector<16xf32>, vector<16xf32>, vector<16xf32>, vector<16xf32>, vector<16xf32>, vector<16xf32>, vector<16xf32>, vector<16xf32>, vector<16xf32>, vector<16xf32>
    }
    %scan3A_72 = arith.constant 6 : i32
    return
  }
}

module attributes {stable_mosaic.version = 14 : i64} {
  func.func @_ep_body(%arg0: memref<96x34x16xf32, #tpu.memory_space<vmem>>, %arg1: memref<1x1xf32, #tpu.memory_space<vmem>>) attributes {dimension_semantics = [], scalar_prefetch = 0 : i64, scratch_operands = 0 : i64, tpu.core_type = #tpu.core_type<tc>} {
    %get3A = arith.constant 0 : index
    %get3A_0 = arith.constant 0 : index
    %get3A_1 = arith.constant 0 : index
    %get3A_2 = vector.load %arg0[%get3A, %get3A_0, %get3A_1] : memref<96x34x16xf32, #tpu.memory_space<vmem>>, vector<96x34x16xf32>
    %iota3A = tpu.iota {dimensions = array<i32: 0>} : vector<96x1x1xi32>
    %jit3A = arith.constant 2 : i32
    %div3A = vector.broadcast %jit3A : i32 to vector<96x1x1xi32>
    %div3A_3 = arith.divsi %iota3A, %div3A : vector<96x1x1xi32>
    %sign3A = arith.constant 0 : i32
    %sign3A_4 = vector.broadcast %sign3A : i32 to vector<96x1x1xi32>
    %sign3A_5 = arith.cmpi sgt, %iota3A, %sign3A_4 : vector<96x1x1xi32>
    %sign3A_6 = arith.extui %sign3A_5 : vector<96x1x1xi1> to vector<96x1x1xi32>
    %sign3A_7 = arith.constant 0 : i32
    %sign3A_8 = vector.broadcast %sign3A_7 : i32 to vector<96x1x1xi32>
    %sign3A_9 = arith.cmpi slt, %iota3A, %sign3A_8 : vector<96x1x1xi32>
    %sign3A_10 = arith.extui %sign3A_9 : vector<96x1x1xi1> to vector<96x1x1xi32>
    %sign3A_11 = arith.subi %sign3A_6, %sign3A_10 : vector<96x1x1xi32>
    %sign3A_12 = arith.constant 0 : i32
    %sign3A_13 = arith.cmpi sgt, %jit3A, %sign3A_12 : i32
    %sign3A_14 = arith.extui %sign3A_13 : i1 to i32
    %sign3A_15 = arith.constant 0 : i32
    %sign3A_16 = arith.cmpi slt, %jit3A, %sign3A_15 : i32
    %sign3A_17 = arith.extui %sign3A_16 : i1 to i32
    %sign3A_18 = arith.subi %sign3A_14, %sign3A_17 : i32
    %ne3A = vector.broadcast %sign3A_18 : i32 to vector<96x1x1xi32>
    %ne3A_19 = arith.cmpi ne, %sign3A_11, %ne3A : vector<96x1x1xi32>
    %rem3A = vector.broadcast %jit3A : i32 to vector<96x1x1xi32>
    %rem3A_20 = arith.remsi %iota3A, %rem3A : vector<96x1x1xi32>
    %ne3A_21 = arith.constant 0 : i32
    %ne3A_22 = vector.broadcast %ne3A_21 : i32 to vector<96x1x1xi32>
    %ne3A_23 = arith.cmpi ne, %rem3A_20, %ne3A_22 : vector<96x1x1xi32>
    %and3A = arith.andi %ne3A_19, %ne3A_23 : vector<96x1x1xi1>
    %sub3A = arith.constant 1 : i32
    %sub3A_24 = vector.broadcast %sub3A : i32 to vector<96x1x1xi32>
    %sub3A_25 = arith.subi %div3A_3, %sub3A_24 : vector<96x1x1xi32>
    %select_n3A = arith.select %and3A, %sub3A_25, %div3A_3 : vector<96x1x1xi1>, vector<96x1x1xi32>
    %jit3A_26 = arith.constant 4 : i32
    %eq3A = arith.constant 0 : i32
    %eq3A_27 = arith.cmpi eq, %jit3A_26, %eq3A : i32
    %jit3A_28 = arith.constant 1 : i32
    %select_n3A_29 = arith.select %eq3A_27, %jit3A_28, %jit3A_26 : i32
    %rem3A_30 = vector.broadcast %select_n3A_29 : i32 to vector<96x1x1xi32>
    %rem3A_31 = arith.remsi %select_n3A, %rem3A_30 : vector<96x1x1xi32>
    %ne3A_32 = arith.constant 0 : i32
    %ne3A_33 = vector.broadcast %ne3A_32 : i32 to vector<96x1x1xi32>
    %ne3A_34 = arith.cmpi ne, %rem3A_31, %ne3A_33 : vector<96x1x1xi32>
    %lt3A = arith.constant 0 : i32
    %lt3A_35 = vector.broadcast %lt3A : i32 to vector<96x1x1xi32>
    %lt3A_36 = arith.cmpi slt, %rem3A_31, %lt3A_35 : vector<96x1x1xi32>
    %lt3A_37 = arith.constant 0 : i32
    %lt3A_38 = arith.cmpi slt, %select_n3A_29, %lt3A_37 : i32
    %ne3A_39 = vector.broadcast %lt3A_38 : i1 to vector<96x1x1xi1>
    %ne3A_40 = vector.broadcast %ne3A_39 : vector<96x1x1xi1> to vector<96x1x1xi1>
    %ne3A_41 = arith.xori %lt3A_36, %ne3A_40 : vector<96x1x1xi1>
    %and3A_42 = arith.andi %ne3A_41, %ne3A_34 : vector<96x1x1xi1>
    %add3A = vector.broadcast %select_n3A_29 : i32 to vector<96x1x1xi32>
    %add3A_43 = arith.addi %rem3A_31, %add3A : vector<96x1x1xi32>
    %select_n3A_44 = arith.select %and3A_42, %add3A_43, %rem3A_31 : vector<96x1x1xi1>, vector<96x1x1xi32>
    %slice3A = vector.extract_strided_slice %get3A_2 {offsets = [0, 0, 0], sizes = [96, 16, 16], strides = [1, 1, 1]} : vector<96x34x16xf32> to vector<96x16x16xf32>
    %slice3A_45 = vector.extract_strided_slice %get3A_2 {offsets = [0, 16, 0], sizes = [96, 16, 16], strides = [1, 1, 1]} : vector<96x34x16xf32> to vector<96x16x16xf32>
    %slice3A_46 = vector.extract_strided_slice %get3A_2 {offsets = [0, 32, 0], sizes = [96, 1, 16], strides = [1, 1, 1]} : vector<96x34x16xf32> to vector<96x1x16xf32>
    %reduce_sum3A = vector.shape_cast %slice3A_46 : vector<96x1x16xf32> to vector<1x96x1x16xf32>
    %reduce_sum3A_47 = arith.constant dense<0.000000e+00> : vector<1xf32>
    %reduce_sum3A_48 = vector.multi_reduction <add>, %reduce_sum3A, %reduce_sum3A_47 [1, 2, 3] : vector<1x96x1x16xf32> to vector<1xf32>
    %reduce_sum3A_49 = vector.shape_cast %reduce_sum3A_48 : vector<1xf32> to vector<1x1x1x1xf32>
    %reduce_sum3A_50 = vector.extract %reduce_sum3A_49[0, 0, 0, 0] : f32 from vector<1x1x1x1xf32>
    %eq3A_51 = arith.constant 0 : i32
    %eq3A_52 = vector.broadcast %eq3A_51 : i32 to vector<96x1x1xi32>
    %eq3A_53 = arith.cmpi eq, %select_n3A_44, %eq3A_52 : vector<96x1x1xi32>
    %convert_element_type3A = arith.extui %eq3A_53 : vector<96x1x1xi1> to vector<96x1x1xi32>
    %convert_element_type3A_54 = arith.sitofp %convert_element_type3A : vector<96x1x1xi32> to vector<96x1x1xf32>
    %mul3A = vector.broadcast %convert_element_type3A_54 : vector<96x1x1xf32> to vector<96x16x16xf32>
    %mul3A_55 = arith.mulf %slice3A, %mul3A : vector<96x16x16xf32>
    %reduce_sum3A_56 = arith.constant dense<0.000000e+00> : vector<16x16xf32>
    %reduce_sum3A_57 = vector.multi_reduction <add>, %mul3A_55, %reduce_sum3A_56 [0] : vector<96x16x16xf32> to vector<16x16xf32>
    %reduce_sum3A_58 = arith.constant dense<0.000000e+00> : vector<16xf32>
    %reduce_sum3A_59 = vector.multi_reduction <add>, %reduce_sum3A_57, %reduce_sum3A_58 [1] : vector<16x16xf32> to vector<16xf32>
    %mul3A_60 = vector.broadcast %convert_element_type3A_54 : vector<96x1x1xf32> to vector<96x16x16xf32>
    %mul3A_61 = arith.mulf %slice3A_45, %mul3A_60 : vector<96x16x16xf32>
    %reduce_sum3A_62 = arith.constant dense<0.000000e+00> : vector<16x16xf32>
    %reduce_sum3A_63 = vector.multi_reduction <add>, %mul3A_61, %reduce_sum3A_62 [0] : vector<96x16x16xf32> to vector<16x16xf32>
    %reduce_sum3A_64 = arith.constant dense<0.000000e+00> : vector<16xf32>
    %reduce_sum3A_65 = vector.multi_reduction <add>, %reduce_sum3A_63, %reduce_sum3A_64 [1] : vector<16x16xf32> to vector<16xf32>
    %eq3A_66 = arith.constant 1 : i32
    %eq3A_67 = vector.broadcast %eq3A_66 : i32 to vector<96x1x1xi32>
    %eq3A_68 = arith.cmpi eq, %select_n3A_44, %eq3A_67 : vector<96x1x1xi32>
    %convert_element_type3A_69 = arith.extui %eq3A_68 : vector<96x1x1xi1> to vector<96x1x1xi32>
    %convert_element_type3A_70 = arith.sitofp %convert_element_type3A_69 : vector<96x1x1xi32> to vector<96x1x1xf32>
    %mul3A_71 = vector.broadcast %convert_element_type3A_70 : vector<96x1x1xf32> to vector<96x16x16xf32>
    %mul3A_72 = arith.mulf %slice3A, %mul3A_71 : vector<96x16x16xf32>
    %reduce_sum3A_73 = arith.constant dense<0.000000e+00> : vector<16x16xf32>
    %reduce_sum3A_74 = vector.multi_reduction <add>, %mul3A_72, %reduce_sum3A_73 [0] : vector<96x16x16xf32> to vector<16x16xf32>
    %reduce_sum3A_75 = arith.constant dense<0.000000e+00> : vector<16xf32>
    %reduce_sum3A_76 = vector.multi_reduction <add>, %reduce_sum3A_74, %reduce_sum3A_75 [1] : vector<16x16xf32> to vector<16xf32>
    %mul3A_77 = vector.broadcast %convert_element_type3A_70 : vector<96x1x1xf32> to vector<96x16x16xf32>
    %mul3A_78 = arith.mulf %slice3A_45, %mul3A_77 : vector<96x16x16xf32>
    %reduce_sum3A_79 = arith.constant dense<0.000000e+00> : vector<16x16xf32>
    %reduce_sum3A_80 = vector.multi_reduction <add>, %mul3A_78, %reduce_sum3A_79 [0] : vector<96x16x16xf32> to vector<16x16xf32>
    %reduce_sum3A_81 = arith.constant dense<0.000000e+00> : vector<16xf32>
    %reduce_sum3A_82 = vector.multi_reduction <add>, %reduce_sum3A_80, %reduce_sum3A_81 [1] : vector<16x16xf32> to vector<16xf32>
    %eq3A_83 = arith.constant 2 : i32
    %eq3A_84 = vector.broadcast %eq3A_83 : i32 to vector<96x1x1xi32>
    %eq3A_85 = arith.cmpi eq, %select_n3A_44, %eq3A_84 : vector<96x1x1xi32>
    %convert_element_type3A_86 = arith.extui %eq3A_85 : vector<96x1x1xi1> to vector<96x1x1xi32>
    %convert_element_type3A_87 = arith.sitofp %convert_element_type3A_86 : vector<96x1x1xi32> to vector<96x1x1xf32>
    %mul3A_88 = vector.broadcast %convert_element_type3A_87 : vector<96x1x1xf32> to vector<96x16x16xf32>
    %mul3A_89 = arith.mulf %slice3A, %mul3A_88 : vector<96x16x16xf32>
    %reduce_sum3A_90 = arith.constant dense<0.000000e+00> : vector<16x16xf32>
    %reduce_sum3A_91 = vector.multi_reduction <add>, %mul3A_89, %reduce_sum3A_90 [0] : vector<96x16x16xf32> to vector<16x16xf32>
    %reduce_sum3A_92 = arith.constant dense<0.000000e+00> : vector<16xf32>
    %reduce_sum3A_93 = vector.multi_reduction <add>, %reduce_sum3A_91, %reduce_sum3A_92 [1] : vector<16x16xf32> to vector<16xf32>
    %mul3A_94 = vector.broadcast %convert_element_type3A_87 : vector<96x1x1xf32> to vector<96x16x16xf32>
    %mul3A_95 = arith.mulf %slice3A_45, %mul3A_94 : vector<96x16x16xf32>
    %reduce_sum3A_96 = arith.constant dense<0.000000e+00> : vector<16x16xf32>
    %reduce_sum3A_97 = vector.multi_reduction <add>, %mul3A_95, %reduce_sum3A_96 [0] : vector<96x16x16xf32> to vector<16x16xf32>
    %reduce_sum3A_98 = arith.constant dense<0.000000e+00> : vector<16xf32>
    %reduce_sum3A_99 = vector.multi_reduction <add>, %reduce_sum3A_97, %reduce_sum3A_98 [1] : vector<16x16xf32> to vector<16xf32>
    %eq3A_100 = arith.constant 3 : i32
    %eq3A_101 = vector.broadcast %eq3A_100 : i32 to vector<96x1x1xi32>
    %eq3A_102 = arith.cmpi eq, %select_n3A_44, %eq3A_101 : vector<96x1x1xi32>
    %convert_element_type3A_103 = arith.extui %eq3A_102 : vector<96x1x1xi1> to vector<96x1x1xi32>
    %convert_element_type3A_104 = arith.sitofp %convert_element_type3A_103 : vector<96x1x1xi32> to vector<96x1x1xf32>
    %mul3A_105 = vector.broadcast %convert_element_type3A_104 : vector<96x1x1xf32> to vector<96x16x16xf32>
    %mul3A_106 = arith.mulf %slice3A, %mul3A_105 : vector<96x16x16xf32>
    %reduce_sum3A_107 = arith.constant dense<0.000000e+00> : vector<16x16xf32>
    %reduce_sum3A_108 = vector.multi_reduction <add>, %mul3A_106, %reduce_sum3A_107 [0] : vector<96x16x16xf32> to vector<16x16xf32>
    %reduce_sum3A_109 = arith.constant dense<0.000000e+00> : vector<16xf32>
    %reduce_sum3A_110 = vector.multi_reduction <add>, %reduce_sum3A_108, %reduce_sum3A_109 [1] : vector<16x16xf32> to vector<16xf32>
    %mul3A_111 = vector.broadcast %convert_element_type3A_104 : vector<96x1x1xf32> to vector<96x16x16xf32>
    %mul3A_112 = arith.mulf %slice3A_45, %mul3A_111 : vector<96x16x16xf32>
    %reduce_sum3A_113 = arith.constant dense<0.000000e+00> : vector<16x16xf32>
    %reduce_sum3A_114 = vector.multi_reduction <add>, %mul3A_112, %reduce_sum3A_113 [0] : vector<96x16x16xf32> to vector<16x16xf32>
    %reduce_sum3A_115 = arith.constant dense<0.000000e+00> : vector<16xf32>
    %reduce_sum3A_116 = vector.multi_reduction <add>, %reduce_sum3A_114, %reduce_sum3A_115 [1] : vector<16x16xf32> to vector<16xf32>
    %stack3A = vector.shape_cast %reduce_sum3A_59 : vector<16xf32> to vector<1x16xf32>
    %stack3A_117 = vector.shape_cast %reduce_sum3A_76 : vector<16xf32> to vector<1x16xf32>
    %stack3A_118 = vector.shape_cast %reduce_sum3A_93 : vector<16xf32> to vector<1x16xf32>
    %stack3A_119 = vector.shape_cast %reduce_sum3A_110 : vector<16xf32> to vector<1x16xf32>
    %stack3A_120 = tpu.concatenate %stack3A, %stack3A_117, %stack3A_118, %stack3A_119 in 0 : vector<1x16xf32>, vector<1x16xf32>, vector<1x16xf32>, vector<1x16xf32> -> vector<4x16xf32>
    %stack3A_121 = vector.shape_cast %reduce_sum3A_65 : vector<16xf32> to vector<1x16xf32>
    %stack3A_122 = vector.shape_cast %reduce_sum3A_82 : vector<16xf32> to vector<1x16xf32>
    %stack3A_123 = vector.shape_cast %reduce_sum3A_99 : vector<16xf32> to vector<1x16xf32>
    %stack3A_124 = vector.shape_cast %reduce_sum3A_116 : vector<16xf32> to vector<1x16xf32>
    %stack3A_125 = tpu.concatenate %stack3A_121, %stack3A_122, %stack3A_123, %stack3A_124 in 0 : vector<1x16xf32>, vector<1x16xf32>, vector<1x16xf32>, vector<1x16xf32> -> vector<4x16xf32>
    %sub3A_126 = arith.constant 2.048000e+03 : f32
    %sub3A_127 = vector.broadcast %sub3A_126 : f32 to vector<4x16xf32>
    %sub3A_128 = arith.subf %stack3A_125, %sub3A_127 : vector<4x16xf32>
    %max3A = arith.constant 0.000000e+00 : f32
    %max3A_129 = vector.broadcast %max3A : f32 to vector<4x16xf32>
    %max3A_130 = arith.maximumf %sub3A_128, %max3A_129 : vector<4x16xf32>
    %min3A = arith.constant 2.048000e+03 : f32
    %min3A_131 = vector.broadcast %min3A : f32 to vector<4x16xf32>
    %min3A_132 = arith.minimumf %stack3A_125, %min3A_131 : vector<4x16xf32>
    %reduce_sum3A_133 = arith.constant dense<0.000000e+00> : vector<4xf32>
    %reduce_sum3A_134 = vector.multi_reduction <add>, %max3A_130, %reduce_sum3A_133 [1] : vector<4x16xf32> to vector<4xf32>
    %broadcast_in_dim3A = vector.shape_cast %reduce_sum3A_134 : vector<4xf32> to vector<4x1xf32>
    %iota3A_135 = tpu.iota {dimensions = array<i32: 1>} : vector<4x16xi32>
    %eq3A_136 = arith.constant 0 : i32
    %eq3A_137 = vector.broadcast %eq3A_136 : i32 to vector<4x16xi32>
    %eq3A_138 = arith.cmpi eq, %iota3A_135, %eq3A_137 : vector<4x16xi32>
    %convert_element_type3A_139 = arith.extui %eq3A_138 : vector<4x16xi1> to vector<4x16xi32>
    %convert_element_type3A_140 = arith.sitofp %convert_element_type3A_139 : vector<4x16xi32> to vector<4x16xf32>
    %mul3A_141 = vector.broadcast %broadcast_in_dim3A : vector<4x1xf32> to vector<4x16xf32>
    %mul3A_142 = arith.mulf %mul3A_141, %convert_element_type3A_140 : vector<4x16xf32>
    %add3A_143 = arith.addf %min3A_132, %mul3A_142 : vector<4x16xf32>
    %mul3A_144 = arith.mulf %add3A_143, %stack3A_120 : vector<4x16xf32>
    %reduce_sum3A_145 = vector.shape_cast %mul3A_144 : vector<4x16xf32> to vector<1x4x16xf32>
    %reduce_sum3A_146 = arith.constant dense<0.000000e+00> : vector<1xf32>
    %reduce_sum3A_147 = vector.multi_reduction <add>, %reduce_sum3A_145, %reduce_sum3A_146 [1, 2] : vector<1x4x16xf32> to vector<1xf32>
    %reduce_sum3A_148 = vector.shape_cast %reduce_sum3A_147 : vector<1xf32> to vector<1x1x1xf32>
    %reduce_sum3A_149 = vector.extract %reduce_sum3A_148[0, 0, 0] : f32 from vector<1x1x1xf32>
    %mul3A_150 = arith.constant 6.62273835E-9 : f32
    %mul3A_151 = arith.mulf %reduce_sum3A_149, %mul3A_150 : f32
    %div3A_152 = arith.constant 9.830400e+04 : f32
    %div3A_153 = arith.divf %reduce_sum3A_50, %div3A_152 : f32
    %add3A_154 = arith.addf %div3A_153, %mul3A_151 : f32
    %mul3A_155 = arith.constant 1.000000e-03 : f32
    %mul3A_156 = arith.mulf %mul3A_155, %add3A_154 : f32
    %broadcast_in_dim3A_157 = vector.broadcast %mul3A_156 : f32 to vector<1x1xf32>
    %swap3A = arith.constant 0 : index
    %swap3A_158 = arith.constant 0 : index
    %swap3A_159 = vector.load %arg1[%swap3A, %swap3A_158] : memref<1x1xf32, #tpu.memory_space<vmem>>, vector<1x1xf32>
    tpu.vector_store %arg1[%swap3A, %swap3A_158], %broadcast_in_dim3A_157 {strides = array<i32>} : memref<1x1xf32, #tpu.memory_space<vmem>>, vector<1x1xf32>,
    return
  }
}

</mosaic_0001>

<sc_bundles>
// kernel: kernel.4.cloned.1.call-start
scs
__scs_entry_jumppad:
0x0: {  	(pc) =	sbr.rel $0x88, $3  }
0x1: {  	(tag) =	ssettag $0x0;
	lr =	simm.s32 $0x1  }
0x2: {  	[smem:$0x3FA0] =	sst lr;
	_ =	strace $0xD0000000  }
0x3: {  	_ = 	snop  }
0x4: {  	_ = 	snop  }
0x5: {  	_ = 	snop  }
0x6: {  	_ = 	snop  }
0x7: {  	_ = 	snop  }
__scs_overlays_trampoline_lowered:
0x8: {  	[smem:$0x3FAF] =	sst s0  }
0x9: {  	[smem:$0x3FB0] =	sst s1  }
0xa: {  	[smem:$0x3FB1] =	sst s2  }
0xb: {  	[smem:$0x3FB2] =	sst s3  }
0xc: {  	[smem:$0x3FB3] =	sst s4  }
0xd: {  	[smem:$0x3FB4] =	sst s5  }
0xe: {  	[smem:$0x3FB5] =	sst s6  }
0xf: {  	[smem:$0x3FB6] =	sst s7  }
0x10: {  	[smem:$0x3FB7] =	sst s8  }
0x11: {  	[smem:$0x3FB8] =	sst s9;
	s0 =	simm.s32 @!p0 $0x0  }
0x12: {  	s1 =	sld [smem:$0x3F9E];
	s0 =	simm.s32 @p0 $0x1  }
0x13: {  	[smem:$0x3FB9] =	sst s0;
	s0 =	simm.s32 @!p1 $0x0  }
0x14: {  	s2 =	sld [smem:$0x3F9D];
	s0 =	simm.s32 @p1 $0x1  }
0x15: {  	[smem:$0x3FBA] =	sst s0;
	s0 =	simm.s32 @!p2 $0x0  }
0x16: {  	s3 =	sld [smem:$0x3FDB];
	s0 =	simm.s32 @p2 $0x1  }
0x17: {  	s4 =	simm.s32 $0x1BF5;
	[smem:$0x3FBC] =	sst s0  }
0x18: {  	s0 =	sld [smem:$0x3F9F];
	_ =	swait.ge [sflag:s4], $0x0  }
0x19: {  	s7 =	sld [smem:$0x3FA0]  }
0x1a: {  	s8 =	sadd.s32 $0xFFFFE003, lr  }
0x1b: {  	s9 =	sadd.s32 $0xFFFFFEF7, lr;
	s5 =	simm.s32 $0xFFFFFFFF;
	p2 =	slt.u32 s8, $0xFFFFF086  }
0x1c: {  	p1 =	slt.u32 s9, $0xF7A;
	s5 =	simm.s32 @!p2 $0x0  }
0x1d: {  	s5 =	simm.s32 @p1 $0x1;
	p0 =	seq.s32 s7, s2  }
0x1e: {  	s7 =	smul.u32 @!p0 $0xF7A, s2;
	p2 =	seq.s32 @!p0 s5, $0x0  }
0x1f: {  	s9 =	smul.u32 $0xF7A, s1;
	s8 =	simm.s32 @!p0 $0x1BF5;
	p2 =	por !p2, p0  }
0x20: {  	[sflag:s8] =	ssyncset.s32 @!p0 $0xFFFFF086;
	s6 =	sadd.s32 @!p0 s3, s7;
	s7 =	simm.s32 @!p0 $0x108  }
0x21: {  	s3 =	sadd.s32 s3, s9;
	s6 =	sadd.s32 @!p0 $0x88, s6;
	s7 =	simm.s32 @p2 $0x1082  }
0x22: {  	[simem:s7], [sflag:s8] =	dma.local @!p0 [hbm:s6], $0xF7A  }
0x23: {  	s9 =	sor.u32 $0xD0000000, s2;
	s6 =	simm.s32 $0x108;
	_ =	swait.ge @!p0 [sflag:s8], $0x0  }
0x24: {  	s3 =	sadd.s32 $0x88, s3;
	s6 =	simm.s32 @!p1 $0x1082;
	[sflag:s4] =	ssyncset.s32 $0xFFFFF086  }
0x25: {  	[simem:s6], [sflag:s4] =	dma.local [hbm:s3], $0xF7A  }
0x26: {  	[smem:$0x3FA0] =	sst s1;
	(tag) =	ssettag s2;
	_ =	strace s9  }
0x27: {  	s1 =	sld [smem:$0x3FB0]  }
0x28: {  	s2 =	sld [smem:$0x3FB1]  }
0x29: {  	s4 =	sld [smem:$0x3FB3]  }
0x2a: {  	p0 =	seq.s32 s5, $0x0;
	s5 =	sld [smem:$0x3FB4]  }
0x2b: {  	s6 =	sld [smem:$0x3FB5]  }
0x2c: {  	s7 =	sld [smem:$0x3FB6]  }
0x2d: {  	s3 =	simm.s32 $0x108;
	s8 =	sld [smem:$0x3FB7]  }
0x2e: {  	s3 =	simm.s32 @!p0 $0x1082;
	s9 =	sld [smem:$0x3FB8]  }
0x2f: {  	lr =	sadd.s32 s0, s3;
	s0 =	sld [smem:$0x3FAF]  }
0x30: {  	s3 =	sld [smem:$0x3FB2]  }
0x31: {  	[smem:$0x3FBB] =	sst s10  }
0x32: {  	s10 =	sld [smem:$0x3FB9];
	_ =	sdelay $0x3  }
0x33: {  	p0 =	seq.s32 s10, $0x1;
	s10 =	sld [smem:$0x3FBB];
	_ =	sdelay $0x3  }
0x34: {  	[smem:$0x3FBB] =	sst s10  }
0x35: {  	s10 =	sld [smem:$0x3FBA];
	_ =	sdelay $0x3  }
0x36: {  	p1 =	seq.s32 s10, $0x1;
	s10 =	sld [smem:$0x3FBB];
	_ =	sdelay $0x3  }
0x37: {  	[smem:$0x3FBB] =	sst s10  }
0x38: {  	s10 =	sld [smem:$0x3FBC]  }
0x39: {  	_ = 	snop;
	(pc) =	sbr.ind lr, $3  }
0x3a: {  	_ = 	snop  }
0x3b: {  	_ = 	snop  }
0x3c: {  	p2 =	seq.s32 s10, $0x1;
	s10 =	sld [smem:$0x3FBB]  }
0x3d: {  	_ =	shalt  }
0x3e: {  	_ =	shalt  }
0x3f: {  	_ =	shalt  }
0x40: {  	_ =	shalt  }
0x41: {  	_ =	shalt  }
0x42: {  	_ =	shalt  }
0x43: {  	_ =	shalt  }
0x44: {  	_ =	shalt  }
0x45: {  	_ =	shalt  }
0x46: {  	_ =	shalt  }
0x47: {  	_ =	shalt  }
0x48: {  	_ =	shalt  }
0x49: {  	_ =	shalt  }
0x4a: {  	_ =	shalt  }
0x4b: {  	_ =	shalt  }
0x4c: {  	_ =	shalt  }
0x4d: {  	_ =	shalt  }
0x4e: {  	_ =	shalt  }
0x4f: {  	_ =	shalt  }
0x50: {  	_ =	shalt  }
0x51: {  	_ =	shalt  }
0x52: {  	_ =	shalt  }
0x53: {  	_ =	shalt  }
0x54: {  	_ =	shalt  }
0x55: {  	_ =	shalt  }
0x56: {  	_ =	shalt  }
0x57: {  	_ =	shalt  }
0x58: {  	_ =	shalt  }
0x59: {  	_ =	shalt  }
0x5a: {  	_ =	shalt  }
0x5b: {  	_ =	shalt  }
0x5c: {  	_ =	shalt  }
0x5d: {  	_ =	shalt  }
0x5e: {  	_ =	shalt  }
0x5f: {  	_ =	shalt  }
0x60: {  	_ =	shalt  }
0x61: {  	_ =	shalt  }
0x62: {  	_ =	shalt  }
0x63: {  	_ =	shalt  }
0x64: {  	_ =	shalt  }
0x65: {  	_ =	shalt  }
0x66: {  	_ =	shalt  }
0x67: {  	_ =	shalt  }
0x68: {  	_ =	shalt  }
0x69: {  	_ =	shalt  }
0x6a: {  	_ =	shalt  }
0x6b: {  	_ =	shalt  }
0x6c: {  	_ =	shalt  }
0x6d: {  	_ =	shalt  }
0x6e: {  	_ =	shalt  }
0x6f: {  	_ =	shalt  }
0x70: {  	_ =	shalt  }
0x71: {  	_ =	shalt  }
0x72: {  	_ =	shalt  }
0x73: {  	_ =	shalt  }
0x74: {  	_ =	shalt  }
0x75: {  	_ =	shalt  }
0x76: {  	_ =	shalt  }
0x77: {  	_ =	shalt  }
0x78: {  	_ =	shalt  }
0x79: {  	_ =	shalt  }
0x7a: {  	_ =	shalt  }
0x7b: {  	_ =	shalt  }
0x7c: {  	_ =	shalt  }
0x7d: {  	_ =	shalt  }
0x7e: {  	_ =	shalt  }
0x7f: {  	_ =	shalt  }
0x80: {  	_ =	shalt  }
0x81: {  	_ =	shalt  }
0x82: {  	_ =	shalt  }
0x83: {  	_ =	shalt  }
0x84: {  	_ =	shalt  }
0x85: {  	_ =	shalt  }
0x86: {  	_ =	shalt  }
0x87: {  	_ =	shalt  }
.Lfunc_end0:
.L_simem_size_0:
called_computation_lowered:
.L_overlay_start_0:
0x88: {  	s2 =	sld [smem:$0x3FD9]  }
0x89: {  	s3 =	sld [smem:$0x3FFE];
	_ =	sdelay $0x1  }
0x8a: {  	s1 =	srdreg.scid  }
0x8b: {  	s0 =	sand.u32 $0x1, s1  }
0x8c: {  	s16 =	sshll.u32 s0, $0xA;
	s2 =	sadd.s32 s3, s2  }
0x8d: {  	s2 =	sadd.s32 s2, s16  }
0x8e: {  	[smem:$0x3FC7] =	sst s2  }
0x8f: {  	_ = 	snop  }
0x90: {  	(tm) =	ssettm $0x1  }
0x91: {  	s17 =	sld [smem:$0x3FFB];
	_ =	sdelay $0x3  }
0x92: {  	_ =	strace s17  }
0x93: {  	s2 =	sld [smem:$0x3FFC];
	_ =	sdelay $0x3  }
0x94: {  	_ =	strace s2  }
0x95: {  	s2 =	sld [smem:$0x3FFD];
	_ =	sdelay $0x3  }
0x96: {  	_ =	strace s2  }
0x97: {  	_ =	strace $0x8FFFFFFF  }
0x98: {  	s18 =	sld [smem:$0x3FDB];
	_ =	sdelay $0x1  }
0x99: {  	s19 =	simm.s32 $_scs_section_size  }
0x9a: {  	s4 =	simm.s32 $_size__tile_overlayer_lowered;
	s5 =	simm.s32 $_tile_overlayer_lowered  }
0x9b: {  	s22 =	simm.s32 $0x1BFF;
	s21 =	sshll.u32 s5, $0x1;
	s2 =	sadd.s32 s19, s18  }
0x9c: {  	s6 =	simm.s32 $0x0;
	s20 =	sshll.u32 s4, $0x1;
	s4 =	sadd.s32 s21, s2  }
0x9d: {  	[timem:s6], [sflag:s22] =	dma.local [hbm:s4], s20  }
0x9e: {  	_ =	swait.ge [sflag:s22], s20  }
0x9f: {  	s3 =	ssub.s32 $0x0, s20;
	[sflag:s22] =	ssyncset.done $0x0  }
0xa0: {  	[sflag:s22] =	ssyncadd.s32 s3;
	_ =	sdelay $0x1  }
0xa1: {  	s23 =	simm.s32 $0x1B8B  }
0xa2: {  	_ =	swait.ge [sflag:s23], $0x1  }
0xa3: {  	[sflag:s23] =	ssyncset.done $0x0  }
0xa4: {  	s25 =	simm.s32 $0x1B8E;
	s24 =	sld [smem:$0x3FFE];
	[sflag:s23] =	ssyncadd.s32 $0xFFFFFFFF  }
0xa5: {  	s26 =	simm.s32 $execute0_lowered;
	[smem:$0x3FD2] =	sst s25  }
0xa6: {  	s4 =	sshll.u32 s26, $0x1;
	_ =	strace $0x80000046;
	[dreg:$0x1] =	wrdreg $0xFFFFFFFF  }
0xa7: {  	s28 =	simm.s32 $_size_execute0_lowered;
	s2 =	sadd.s32 s2, s4;
	[dreg:$0x0] =	wrdreg $0x0  }
0xa8: {  	s4 =	sshll.u32 s28, $0x1;
	[dreg:$0x2] =	wrdreg s2  }
0xa9: {  	[dreg:$0x3] =	wrdreg s4  }
0xaa: {  	[dreg:$0x4] =	wrdreg $0xC0  }
0xab: {  	_ =	task [dreg:s6], $0x5FFFF  }
0xac: {  	[dreg:$0x1] =	wrdreg $0xFFFFFFFF  }
0xad: {  	[dreg:$0x0] =	wrdreg $0x60  }
0xae: {  	[dreg:$0x2] =	wrdreg s24  }
0xaf: {  	[dreg:$0x3] =	wrdreg $0x9  }
0xb0: {  	_ =	task.clear_ibuf [dreg:s6], $0x4FFFF;
	_ =	strace $0x90000046  }
0xb1: {  	s29 =	simm.s32 $0x9;
	_ =	strace $0x80000048  }
0xb2: {  	_ =	swait.ge [sflag:s29], $0x1  }
0xb3: {  	[sflag:s29] =	ssyncadd.s32 $0xFFFFFFFF  }
0xb4: {  	_ =	strace $0x90000048  }
0xb5: {  	_ =	sfence  }
0xb6: {  	s30 =	sld [smem:$0x0];
	_ =	sdelay $0x2  }
0xb7: {  	s31 =	sshll.u32 s1, $0xD;
	s1 =	sshrl.u32 s1, $0x2  }
0xb8: {  	s3 =	sand.u32 $0x4000, s31;
	s1 =	sadd.s32 s1, s30  }
0xb9: {  	s0 =	sor.u32 s3, s0;
	s1 =	sshll.u32 s1, $0x11  }
0xba: {  	s0 =	sor.u32 s1, s0  }
0xbb: {  	s0 =	sadd.s32 $0x8F2B, s0  }
0xbc: {  	[sflag:s0] =	ssyncadd.remote.s32 $0x1  }
0xbd: {  	_ =	sfence.sel $0xFFFF  }
0xbe: {  	[dreg:$0x0] =	wrdreg $0xFFFFFFFF;
	(pc) =	sbr.abs _section_cstart, $3  }
0xbf: {  	[dreg:$0x1] =	wrdreg $0xFFFFFFFF  }
0xc0: {  	_ =	task.clear_ibuf [dreg:s6], $0x2FFFF;
	_ =	strace $0x9FFFFFFF  }
0xc1: {  	(tm) =	ssettm $0x7FFFFFFF  }
tec
execute0_lowered:
.L_overlay_start_1:
0x0: {  	(tag) =	ssettag $0x1  }
0x1: {  	s6 =	rddreg [dreg:$0x0]  }
0x2: {  	s0 =	rddreg [dreg:$0x1]  }
0x3: {  	s3 =	srdreg.scid;
	s1 =	stileid.u32  }
0x4: {  	s2 =	simm.s32 $0x0;
	s10 =	simm.s32 $0x1;
	s11 =	simm.s32 $0x10000  }
0x5: {  	s12 =	simm.s32 $0x2;
	s13 =	simm.s32 $0x3;
	s14 =	simm.s32 $0x0  }
0x6: {  	s3 =	sand.u32 $0x1, s3;
	s4 =	sshll.u32 s1, $0x1;
	[smem:$0x7FF] =	sst s2  }
0x7: {  	v9 =	vlaneseq.u32;
	s5 =	ssub.s32 $0x2, s3;
	s3 =	sor.u32 s3, s4;
	s4 =	sadd.s32 $0x600, s6  }
0x8: {  	v53 =	vmul.u32 $0x80, v9;
	v56 =	vor.u32 $0x800, v9;
	_ =	strace $0x80000047;
	s7 =	sshrl.u32 s5, $0x1;
	s8 =	sshll.u32 s3, $0xE  }
0x9: {  	s6 =	sadd.s32 $0x180600, s6;
	[tilespmem:$0x1FFF0] =	vst v56;
	s9 =	ssub.s32 s5, s7;
	s5 =	sadd.s32 s4, s8  }
0xa: {  	v54 =	vimm.f32 $1.000000000e+00;
	[tilespmem:$0x1FFE0] =	vst v53;
	s7 =	sadd.s32 $0x1000, s5;
	s8 =	smax.u32 s9, $0x1;
	s9 =	simm.s32 $0x8000  }
.LBB2_1:
0xb: {  	v11 =	vimm.f32 $0.0e+00;
	v12 =	vimm.f32 $0.0e+00  }
0xc: {  	v13 =	vimm.f32 $0.0e+00;
	v15 =	vimm.f32 $0.0e+00;
	v16 =	vimm.f32 $0.0e+00  }
0xd: {  	v14 =	vimm.f32 $0.0e+00;
	v17 =	vimm.f32 $0.0e+00;
	v18 =	vimm.f32 $0.0e+00  }
0xe: {  	[tilespmem:s2], [sflag:$0x1] =	stream.linear.gather [hbm4b:s5+s2], $0x8000, $0x38;
	v19 =	vimm.f32 $0.0e+00;
	v20 =	vimm.f32 $0.0e+00;
	v21 =	vimm.f32 $0.0e+00;
	[tilespmem:$0x11400] =	vst v63  }
0xf: {  	v22 =	vimm.f32 $0.0e+00;
	v23 =	vimm.f32 $0.0e+00;
	v24 =	vimm.f32 $0.0e+00;
	s15 =	simm.s32 $0x0  }
0x10: {  	v25 =	vimm.f32 $0.0e+00;
	v26 =	vimm.f32 $0.0e+00;
	v27 =	vimm.f32 $0.0e+00;
	[tilespmem:s9], [sflag:$0x2] =	stream.linear.gather [hbm4b:s7+s2], $0x8000, $0x38;
	[tilespmem:$0x11400] =	vst v63  }
.LBB2_2:
0x11: {  	_ =	swait.ge [sflag:s10], $0x8000;
	s16 =	sand.u32 $0x1, s15  }
0x12: {  	[sflag:s10] =	ssyncset.done $0x0;
	p0 =	seq.s32 s16, $0x1  }
0x13: {  	[sflag:s10] =	ssyncadd.s32 $0xFFFF8000;
	v28 =	vimm.f32 @!p0 $0.0e+00  }
0x14: {  	[tilespmem:$0x10800] =	vst @!p0 v28  }
0x15: {  	[tilespmem:$0x10880] =	vst @!p0 v28  }
0x16: {  	[tilespmem:$0x10900] =	vst @!p0 v28  }
0x17: {  	[tilespmem:$0x10980] =	vst @!p0 v28  }
0x18: {  	[tilespmem:$0x10A00] =	vst @!p0 v28  }
0x19: {  	[tilespmem:$0x10A80] =	vst @!p0 v28  }
0x1a: {  	[tilespmem:$0x10B00] =	vst @!p0 v28  }
0x1b: {  	[tilespmem:$0x10B80] =	vst @!p0 v28  }
0x1c: {  	[tilespmem:$0x10C00] =	vst @!p0 v28  }
0x1d: {  	[tilespmem:$0x10C80] =	vst @!p0 v28  }
0x1e: {  	[tilespmem:$0x10D00] =	vst @!p0 v28  }
0x1f: {  	[tilespmem:$0x10D80] =	vst @!p0 v28  }
0x20: {  	[tilespmem:$0x10E00] =	vst @!p0 v28  }
0x21: {  	v63 =	vimm.s32 $0x2;
	[tilespmem:$0x10E80] =	vst @!p0 v28  }
0x22: {  	v55 =	vimm.s32 $0x4;
	v57 =	vimm.s32 $0x6;
	v58 =	vimm.s32 $0x8;
	[tilespmem:$0x10F00] =	vst @!p0 v28  }
0x23: {  	v59 =	vimm.s32 $0xA;
	v60 =	vimm.s32 $0xC;
	v61 =	vimm.s32 $0xE;
	s17 =	sshll.u32 s15, $0x1;
	s18 =	simm.s32 $0x0;
	[tilespmem:$0x10F80] =	vst @!p0 v28  }
.LBB2_3:
0x24: {  	_ = 	snop  }
0x25: {  	v28 =	vmov s18  }
0x26: {  	v28 =	vshll.u32 v28, $0x7  }
0x27: {  	v28 =	vor.u32 v53, v28  }
0x28: {  	v29 =	vor.u32 $0x1, v28  }
0x29: {  	v30 =	vor.u32 $0x2, v28  }
0x2a: {  	v31 =	vor.u32 $0x3, v28  }
0x2b: {  	v32 =	vor.u32 $0x4, v28  }
0x2c: {  	v34 =	vor.u32 $0x5, v28;
	v33 =	vld.idx.msk [tilespmem:v28+s2+$0x0], $0xffff  }
0x2d: {  	v35 =	vor.u32 $0x6, v28;
	v29 =	vld.idx.msk [tilespmem:v29+s2+$0x0], $0xffff  }
0x2e: {  	v36 =	vor.u32 $0x7, v28;
	v30 =	vld.idx.msk [tilespmem:v30+s2+$0x0], $0xffff  }
0x2f: {  	v37 =	vor.u32 $0x8, v28;
	v31 =	vld.idx.msk [tilespmem:v31+s2+$0x0], $0xffff  }
0x30: {  	v38 =	vor.u32 $0x9, v28;
	v32 =	vld.idx.msk [tilespmem:v32+s2+$0x0], $0xffff  }
0x31: {  	v39 =	vor.u32 $0xA, v28;
	v34 =	vld.idx.msk [tilespmem:v34+s2+$0x0], $0xffff  }
0x32: {  	v40 =	vor.u32 $0xB, v28;
	v35 =	vld.idx.msk [tilespmem:v35+s2+$0x0], $0xffff  }
0x33: {  	v41 =	vor.u32 $0xC, v28;
	v36 =	vld.idx.msk [tilespmem:v36+s2+$0x0], $0xffff  }
0x34: {  	v42 =	vor.u32 $0xD, v28;
	v37 =	vld.idx.msk [tilespmem:v37+s2+$0x0], $0xffff  }
0x35: {  	v38 =	vld.idx.msk [tilespmem:v38+s2+$0x0], $0xffff  }
0x36: {  	v39 =	vld.idx.msk [tilespmem:v39+s2+$0x0], $0xffff  }
0x37: {  	v40 =	vld.idx.msk [tilespmem:v40+s2+$0x0], $0xffff  }
0x38: {  	v43 =	vor.u32 $0xE, v28;
	v41 =	vld.idx.msk [tilespmem:v41+s2+$0x0], $0xffff  }
0x39: {  	v28 =	vor.u32 $0xF, v28;
	v42 =	vld.idx.msk [tilespmem:v42+s2+$0x0], $0xffff;
	_ =	sdelay $0x2  }
0x3a: {  	v0 =	vimm.s32 $0x0;
	vm0 =	vgt.f32 v29, v33  }
0x3b: {  	v43 =	vld.idx.msk [tilespmem:v43+s2+$0x0], $0xffff;
	vm1 =	vgt.f32 v31, v30;
	vm2 =	vgt.f32 v34, v32;
	vm3 =	vgt.f32 v36, v35  }
0x3c: {  	v44 =	vld.idx.msk [tilespmem:v28+s2+$0x0], $0xffff;
	vm4 =	vgt.f32 v38, v37;
	vm5 =	vgt.f32 v40, v39;
	vm6 =	vgt.f32 v42, v41  }
0x3d: {  	v28 =	vsel vm0, v29, v33;
	v45 =	vsel vm0, $0x1, v0;
	v46 =	vsel vm1, v31, v30  }
0x3e: {  	v47 =	vsel vm2, v34, v32;
	v48 =	vsel vm3, v36, v35;
	v49 =	vsel vm4, v38, v37  }
0x3f: {  	v50 =	vsel vm5, v40, v39;
	v51 =	vsel vm6, v42, v41;
	v6 =	vsel vm1, $0x3, v63  }
0x40: {  	v7 =	vsel vm2, $0x5, v55;
	v63 =	vsel vm3, $0x7, v57;
	v0 =	vsel vm4, $0x9, v58  }
0x41: {  	v1 =	vsel vm5, $0xB, v59;
	v2 =	vsel vm6, $0xD, v60;
	vm7 =	vgt.f32 v44, v43  }
0x42: {  	vm8 =	vgt.f32 v46, v28;
	vm9 =	vgt.f32 v48, v47;
	v52 =	vsel vm7, v44, v43  }
0x43: {  	vm10 =	vgt.f32 v50, v49;
	v28 =	vsel vm8, v46, v28;
	vm11 =	vgt.f32 v52, v51  }
0x44: {  	s19 =	sadd.s32 $0x10, s18;
	v3 =	vsel vm9, v48, v47;
	v4 =	vsel vm10, v50, v49;
	v5 =	vsel vm11, v52, v51  }
0x45: {  	v55 =	vmov s19;
	vm12 =	vgt.f32 v3, v28;
	vm13 =	vgt.f32 v5, v4  }
0x46: {  	v45 =	vsel vm8, v6, v45;
	v28 =	vsel vm12, v3, v28;
	v62 =	vsel vm13, v5, v4  }
0x47: {  	v47 =	vsel vm9, v63, v7;
	v3 =	vsel vm7, $0xF, v61;
	vm14 =	vgt.f32 v62, v28  }
0x48: {  	v48 =	vsel vm10, v1, v0;
	v46 =	vsel vm11, v3, v2;
	v28 =	vsel vm14, v62, v28  }
0x49: {  	v45 =	vsel vm12, v47, v45;
	v47 =	vsel vm13, v46, v48;
	v33 =	vsub.f32 v33, v28  }
0x4a: {  	v50 =	vsel vm14, v47, v45;
	v29 =	vsub.f32 v29, v28;
	v30 =	vsub.f32 v30, v28  }
0x4b: {  	v31 =	vsub.f32 v31, v28;
	v32 =	vsub.f32 v32, v28;
	v33 =	vmul.f32 $1.442695020e+00, v33  }
0x4c: {  	v4 =	vsub.f32 v34, v28;
	v6 =	vsub.f32 v35, v28;
	v29 =	vmul.f32 $1.442695020e+00, v29  }
0x4d: {  	v7 =	vsub.f32 v36, v28;
	v30 =	vmul.f32 $1.442695020e+00, v30;
	(erf) = vpow2.f32 v33  }
0x4e: {  	v37 =	vsub.f32 v37, v28;
	(erf) = vpow2.f32 v29;
	v29 =	vmul.f32 $1.442695020e+00, v31  }
0x4f: {  	v49 =	vsub.f32 v38, v28;
	v5 =	vmul.f32 $1.442695020e+00, v32;
	(erf) = vpow2.f32 v30  }
0x50: {  	v51 =	vsub.f32 v39, v28;
	(erf) = vpow2.f32 v29;
	v29 =	vmul.f32 $1.442695020e+00, v4  }
0x51: {  	v52 =	vsub.f32 v40, v28;
	v36 =	vmul.f32 $1.442695020e+00, v6;
	(erf) = vpow2.f32 v5  }
0x52: {  	v32 =	vshll.u32 v50, $0x7;
	(erf) = vpow2.f32 v29;
	v29 =	vmul.f32 $1.442695020e+00, v7  }
0x53: {  	v57 =	vsub.f32 v41, v28;
	v32 =	vor.u32 v56, v32;
	(erf) = vpow2.f32 v36  }
0x54: {  	v33 =	vshll.u32 v55, $0x7;
	(erf) = vpow2.f32 v29;
	v29 =	vmul.f32 $1.442695020e+00, v49  }
0x55: {  	v48 =	vmul.f32 $1.442695020e+00, v37;
	v45 =	vor.u32 v53, v33;
	v30 =	vmul.f32 $1.442695020e+00, v51  }
0x56: {  	v59 =	vsub.f32 v42, v28;
	v31 =	vmul.f32 $1.442695020e+00, v52;
	v58 =	vor.u32 $0x1, v45  }
0x57: {  	v61 =	vsub.f32 v43, v28;
	v62 =	vor.u32 $0x3, v45;
	(erf) = vpow2.f32 v48  }
0x58: {  	v33 =	vmul.f32 $1.442695020e+00, v57;
	v0 =	vor.u32 $0x4, v45;
	(erf) = vpow2.f32 v29;
	v29 =	vpop (erf)  }
0x59: {  	v63 =	vsub.f32 v44, v28;
	v1 =	vor.u32 $0x5, v45;
	[tilespmem:v32+s11+$0x0] =	vst.idx.add.f32.msk $0xffff, v54;
	(erf) = vpow2.f32 v30;
	v30 =	vpop (erf)  }
0x5a: {  	v35 =	vmul.f32 $1.442695020e+00, v59;
	v2 =	vor.u32 $0x6, v45;
	v46 =	vld.idx.msk [tilespmem:v45+s2+$0x0], $0xffff;
	(erf) = vpow2.f32 v31;
	v31 =	vpop (erf)  }
0x5b: {  	v37 =	vmul.f32 $1.442695020e+00, v61;
	v3 =	vor.u32 $0x7, v45;
	v47 =	vld.idx.msk [tilespmem:v58+s2+$0x0], $0xffff;
	v32 =	vpop (erf);
	(erf) = vpow2.f32 v33  }
0x5c: {  	v39 =	vmul.f32 $1.442695020e+00, v63;
	v53 =	vor.u32 $0xA, v45;
	v49 =	vld.idx.msk [tilespmem:v62+s2+$0x0], $0xffff;
	v33 =	vpop (erf);
	(erf) = vpow2.f32 v35  }
0x5d: {  	v6 =	vor.u32 $0xB, v45;
	v50 =	vld.idx.msk [tilespmem:v0+s2+$0x0], $0xffff;
	v34 =	vpop (erf);
	(erf) = vpow2.f32 v37  }
0x5e: {  	v60 =	vor.u32 $0x2, v45;
	v52 =	vld.idx.msk [tilespmem:v1+s2+$0x0], $0xffff;
	v35 =	vpop (erf);
	(erf) = vpow2.f32 v39  }
0x5f: {  	v4 =	vor.u32 $0x8, v45;
	v54 =	vld.idx.msk [tilespmem:v2+s2+$0x0], $0xffff;
	v36 =	vpop (erf)  }
0x60: {  	v5 =	vor.u32 $0x9, v45;
	v56 =	vld.idx.msk [tilespmem:v3+s2+$0x0], $0xffff;
	v37 =	vpop (erf)  }
0x61: {  	v59 =	vor.u32 $0xD, v45;
	v53 =	vld.idx.msk [tilespmem:v53+s2+$0x0], $0xffff;
	v38 =	vpop (erf)  }
0x62: {  	v7 =	vor.u32 $0xC, v45;
	v55 =	vld.idx.msk [tilespmem:v6+s2+$0x0], $0xffff;
	v39 =	vpop (erf)  }
0x63: {  	v48 =	vld.idx.msk [tilespmem:v60+s2+$0x0], $0xffff;
	v40 =	vpop (erf)  }
0x64: {  	v58 =	vld.idx.msk [tilespmem:v4+s2+$0x0], $0xffff;
	v60 =	vor.u32 $0xE, v45;
	v41 =	vpop (erf)  }
0x65: {  	v45 =	vor.u32 $0xF, v45;
	v51 =	vld.idx.msk [tilespmem:v5+s2+$0x0], $0xffff;
	vm6 =	vgt.f32 v47, v46;
	v42 =	vpop (erf)  }
0x66: {  	v59 =	vld.idx.msk [tilespmem:v59+s2+$0x0], $0xffff;
	vm3 =	vgt.f32 v52, v50;
	v61 =	vadd.f32 v30, v29;
	v62 =	vadd.f32 v32, v31;
	v43 =	vpop (erf)  }
0x67: {  	v57 =	vld.idx.msk [tilespmem:v7+s2+$0x0], $0xffff;
	vm10 =	vgt.f32 v56, v54;
	v2 =	vadd.f32 v38, v37;
	v3 =	vadd.f32 v40, v39;
	v44 =	vpop (erf)  }
0x68: {  	vm2 =	vgt.f32 v55, v53;
	v4 =	vadd.f32 v42, v41;
	v5 =	vadd.f32 v44, v43  }
0x69: {  	v60 =	vld.idx.msk [tilespmem:v60+s2+$0x0], $0xffff;
	vm7 =	vgt.f32 v49, v48;
	v63 =	vadd.f32 v34, v33;
	v1 =	vadd.f32 v36, v35  }
0x6a: {  	vm9 =	vgt.f32 v51, v58;
	v2 =	vadd.f32 v3, v2;
	v3 =	vadd.f32 v5, v4;
	v4 =	vld.idx.msk [tilespmem:v45+s2+$0x0], $0xffff  }
0x6b: {  	v0 =	vsel vm10, v56, v54;
	v7 =	vsel vm2, v55, v53;
	v6 =	vsel vm9, v51, v58  }
0x6c: {  	vm4 =	vgt.f32 v59, v57;
	v61 =	vadd.f32 v62, v61;
	v1 =	vadd.f32 v1, v63  }
0x6d: {  	v8 =	vsel vm4, v59, v57;
	vm8 =	vgt.f32 v7, v6;
	v62 =	vsel vm3, v52, v50  }
0x6e: {  	vm13 =	vgt.f32 v0, v62;
	v1 =	vadd.f32 v1, v61;
	v5 =	vsel vm6, v47, v46  }
0x6f: {  	v45 =	vsel vm7, v49, v48;
	v2 =	vadd.f32 v3, v2;
	vm1 =	vgt.f32 v4, v60  }
0x70: {  	v63 =	vsel vm13, v0, v62;
	vm11 =	vgt.f32 v45, v5;
	v10 =	vsel vm1, v4, v60  }
0x71: {  	v5 =	vsel vm11, v45, v5;
	v1 =	vadd.f32 v2, v1;
	vm5 =	vgt.f32 v10, v8  }
0x72: {  	v6 =	vsel vm8, v7, v6;
	vm14 =	vgt.f32 v63, v5;
	v62 =	vsel vm5, v10, v8  }
0x73: {  	v63 =	vsel vm14, v63, v5;
	v5 =	vadd.s32 $0xC0CAFB0D, v1;
	vm12 =	vgt.f32 v62, v6  }
0x74: {  	v7 =	vand.u32 $0xFF800000, v5;
	v45 =	vsel vm12, v62, v6  }
0x75: {  	(erf) = vrcp.f32 v1;
	v1 =	vsub.s32 v1, v7;
	vm15 =	vgt.f32 v45, v63  }
0x76: {  	v1 =	vadd.f32 $-1.000000000e+00, v1;
	v45 =	vsel vm15, v45, v63  }
0x77: {  	v46 =	vsub.f32 v46, v45;
	v3 =	vsub.f32 v47, v45  }
0x78: {  	v48 =	vsub.f32 v48, v45;
	v8 =	vsub.f32 v49, v45  }
0x79: {  	v50 =	vsub.f32 v50, v45;
	v2 =	vmul.f32 $1.442695020e+00, v46;
	v3 =	vmul.f32 $1.442695020e+00, v3  }
0x7a: {  	v63 =	vsub.f32 v54, v45;
	v49 =	vmul.f32 $1.442695020e+00, v48;
	v61 =	vmul.f32 $1.442695020e+00, v8  }
0x7b: {  	v8 =	vsub.f32 v52, v45;
	v62 =	vmul.f32 $1.442695020e+00, v50;
	(erf) = vpow2.f32 v2  }
0x7c: {  	v47 =	vmul.f32 $1.442695020e+00, v63;
	v48 =	vsub.f32 v58, v45;
	(erf) = vpow2.f32 v3  }
0x7d: {  	v54 =	vsub.f32 v57, v45;
	v46 =	vmul.f32 $1.442695020e+00, v8;
	(erf) = vpow2.f32 v49  }
0x7e: {  	v8 =	vsub.f32 v56, v45;
	v50 =	vmul.f32 $1.442695020e+00, v48;
	(erf) = vpow2.f32 v61  }
0x7f: {  	v57 =	vsub.f32 v60, v45;
	v56 =	vmul.f32 $1.442695020e+00, v54;
	(erf) = vpow2.f32 v62  }
0x80: {  	v49 =	vmul.f32 $1.442695020e+00, v8;
	v8 =	vsub.f32 v51, v45;
	(erf) = vpow2.f32 v46  }
0x81: {  	v51 =	vsub.f32 v53, v45;
	v61 =	vmul.f32 $1.144843550e-01, v1;
	(erf) = vpow2.f32 v47  }
0x82: {  	v52 =	vmul.f32 $1.442695020e+00, v8;
	v8 =	vsub.f32 v55, v45;
	(erf) = vpow2.f32 v49  }
0x83: {  	v4 =	vsub.f32 v4, v45;
	v10 =	vpop (erf);
	v53 =	vmul.f32 $1.442695020e+00, v51;
	(erf) = vpow2.f32 v50  }
0x84: {  	v55 =	vmul.f32 $1.442695020e+00, v8;
	v8 =	vsub.f32 v59, v45;
	v46 =	vpop (erf);
	(erf) = vpow2.f32 v52  }
0x85: {  	v2 =	vadd.f32 $-1.862769720e-01, v61;
	v59 =	vmul.f32 $1.442695020e+00, v57;
	v47 =	vpop (erf);
	(erf) = vpow2.f32 v53  }
0x86: {  	v58 =	vmul.f32 $1.442695020e+00, v8;
	v48 =	vpop (erf);
	(erf) = vpow2.f32 v55  }
0x87: {  	v2 =	vmul.f32 v2, v1;
	v49 =	vpop (erf);
	(erf) = vpow2.f32 v56  }
0x88: {  	v60 =	vmul.f32 $1.442695020e+00, v4;
	v6 =	vpop (erf);
	(erf) = vpow2.f32 v58  }
0x89: {  	v2 =	vadd.f32 $2.061178540e-01, v2;
	v4 =	vpop (erf);
	(erf) = vpow2.f32 v59  }
0x8a: {  	v7 =	vpop (erf);
	(erf) = vpow2.f32 v60  }
0x8b: {  	v2 =	vmul.f32 v2, v1;
	v3 =	vpop (erf)  }
0x8c: {  	v8 =	vpop (erf)  }
0x8d: {  	v2 =	vadd.f32 $-2.491120990e-01, v2;
	v50 =	vpop (erf)  }
0x8e: {  	v51 =	vpop (erf)  }
0x8f: {  	v2 =	vmul.f32 v2, v1;
	v52 =	vpop (erf)  }
0x90: {  	v55 =	vadd.f32 v47, v46;
	v56 =	vadd.f32 v49, v48;
	v53 =	vpop (erf)  }
0x91: {  	v58 =	vadd.f32 v4, v6;
	v2 =	vadd.f32 $3.330481350e-01, v2;
	v54 =	vpop (erf)  }
0x92: {  	v5 =	vshra.s32 v5, $0x17;
	v55 =	vadd.f32 v56, v55;
	v59 =	vadd.f32 v3, v7;
	v57 =	vpop (erf)  }
0x93: {  	v61 =	vadd.f32 v50, v8;
	v2 =	vmul.f32 v2, v1;
	v62 =	vadd.f32 v52, v51;
	v60 =	vpop (erf)  }
0x94: {  	v5 =	vcvt.s32.f32 v5;
	v63 =	vadd.f32 v54, v53;
	v0 =	vadd.f32 v60, v57  }
0x95: {  	v56 =	vadd.f32 v59, v58;
	v2 =	vadd.f32 $-5.000129340e-01, v2  }
0x96: {  	v5 =	vmul.f32 $6.931471820e-01, v5;
	v62 =	vadd.f32 v62, v61;
	v0 =	vadd.f32 v0, v63  }
0x97: {  	v9 =	vimm.s32 $0x2;
	v40 =	vmul.f32 v10, v40;
	v2 =	vmul.f32 v2, v1  }
0x98: {  	v42 =	vmul.f32 v10, v42;
	v55 =	vadd.f32 v56, v55;
	v0 =	vadd.f32 v0, v62  }
0x99: {  	v43 =	vmul.f32 v10, v43;
	v14 =	vadd.f32 v40, v14;
	v2 =	vadd.f32 $1.000003100e+00, v2  }
0x9a: {  	v35 =	vmul.f32 v10, v35;
	v15 =	vadd.f32 v42, v15;
	v0 =	vadd.f32 v0, v55  }
0x9b: {  	v13 =	vadd.f32 v43, v13;
	v61 =	vimm.s32 $0x0;
	v1 =	vmul.f32 v2, v1  }
0x9c: {  	v59 =	vsel vm6, $0x1, v61;
	v61 =	vsel vm7, $0x3, v9;
	v55 =	vadd.s32 $0xC0CAFB0D, v0  }
0x9d: {  	v9 =	vimm.s32 $0x4;
	v1 =	vadd.f32 $3.342326950e-08, v1;
	v63 =	vand.u32 $0xFF800000, v55  }
0x9e: {  	v59 =	vsel vm11, v61, v59;
	v61 =	vimm.s32 $0xC;
	v56 =	vsub.s32 v0, v63  }
0x9f: {  	v61 =	vsel vm4, $0xD, v61;
	v1 =	vadd.f32 v1, v5;
	v56 =	vadd.f32 $-1.000000000e+00, v56  }
0xa0: {  	v2 =	vimm.s32 $0xA;
	v62 =	vsel vm3, $0x5, v9;
	v9 =	vimm.s32 $0x6  }
0xa1: {  	v1 =	vadd.f32 v1, v28;
	v28 =	vmul.f32 v10, v30;
	v58 =	vmul.f32 $1.144843550e-01, v56  }
0xa2: {  	v2 =	vsel vm2, $0xB, v2;
	(erf) = vrcp.f32 v0;
	v63 =	vsel vm10, $0x7, v9  }
0xa3: {  	v9 =	vimm.s32 $0x8;
	v26 =	vadd.f32 v28, v26;
	v58 =	vadd.f32 $-1.862769720e-01, v58  }
0xa4: {  	v28 =	vmul.f32 v10, v33;
	v0 =	vadd.f32 v35, v21;
	v21 =	vmul.f32 v10, v37  }
0xa5: {  	v1 =	vmul.f32 v1, v1;
	v9 =	vsel vm9, $0x9, v9;
	v58 =	vmul.f32 v58, v56  }
0xa6: {  	v62 =	vsel vm13, v63, v62;
	v63 =	vimm.s32 $0xE;
	v2 =	vsel vm8, v2, v9  }
0xa7: {  	v59 =	vsel vm14, v62, v59;
	v62 =	vmul.f32 v10, v29;
	v58 =	vadd.f32 $2.061178540e-01, v58  }
0xa8: {  	v29 =	vmul.f32 v10, v31;
	v23 =	vadd.f32 v28, v23;
	v28 =	vmul.f32 v10, v38  }
0xa9: {  	v19 =	vadd.f32 v21, v19;
	v21 =	vshra.s32 v55, $0x17;
	v9 =	vmul.f32 v58, v56  }
0xaa: {  	v1 =	vadd.f32 v1, v11;
	v5 =	vadd.f32 v62, v27;
	v27 =	vmul.f32 v10, v32  }
0xab: {  	v25 =	vadd.f32 v29, v25;
	v29 =	vmul.f32 v10, v39;
	v9 =	vadd.f32 $-2.491120990e-01, v9  }
0xac: {  	v21 =	vcvt.s32.f32 v21;
	v24 =	vadd.f32 v27, v24;
	v27 =	vmul.f32 v10, v34  }
0xad: {  	v18 =	vadd.f32 v28, v18;
	v17 =	vadd.f32 v29, v17;
	v11 =	vpop (erf);
	v9 =	vmul.f32 v9, v56  }
0xae: {  	v22 =	vadd.f32 v27, v22;
	v27 =	vmul.f32 v10, v36;
	v28 =	vmul.f32 v11, v47  }
0xaf: {  	v29 =	vmul.f32 v11, v48;
	v6 =	vmul.f32 v11, v6;
	v9 =	vadd.f32 $3.330481350e-01, v9  }
0xb0: {  	v63 =	vsel vm1, $0xF, v63;
	v4 =	vmul.f32 v11, v4;
	v7 =	vmul.f32 v11, v7  }
0xb1: {  	v55 =	vimm.s32 $0x4;
	v3 =	vmul.f32 v11, v3;
	v9 =	vmul.f32 v9, v56  }
0xb2: {  	v34 =	vimm.s32 $0x0;
	v8 =	vmul.f32 v11, v8;
	v47 =	vmul.f32 v11, v50  }
0xb3: {  	v48 =	vmul.f32 v11, v51;
	v50 =	vmul.f32 v11, v54;
	v9 =	vadd.f32 $-5.000129340e-01, v9  }
0xb4: {  	v54 =	vimm.f32 $1.000000000e+00;
	v51 =	vmul.f32 v11, v57;
	v57 =	vimm.s32 $0x6  }
0xb5: {  	v20 =	vadd.f32 v27, v20;
	v26 =	vadd.f32 v28, v26;
	v9 =	vmul.f32 v9, v56  }
0xb6: {  	v27 =	vmul.f32 v10, v41;
	v25 =	vadd.f32 v29, v25;
	v23 =	vadd.f32 v6, v23  }
0xb7: {  	v10 =	vmul.f32 v10, v44;
	v22 =	vadd.f32 v4, v22;
	v9 =	vadd.f32 $1.000003100e+00, v9  }
0xb8: {  	v28 =	vmul.f32 v11, v53;
	v19 =	vadd.f32 v8, v19;
	v18 =	vadd.f32 v47, v18  }
0xb9: {  	v17 =	vadd.f32 v48, v17;
	v58 =	vsel vm5, v63, v61;
	v9 =	vmul.f32 v9, v56;
	v56 =	vld [tilespmem:$0x1FFF0]  }
0xba: {  	v15 =	vadd.f32 v50, v15;
	v13 =	vadd.f32 v51, v13;
	v2 =	vsel vm12, v58, v2  }
0xbb: {  	v10 =	vadd.f32 v10, v12;
	v12 =	vmul.f32 $6.931471820e-01, v21;
	v9 =	vadd.f32 $3.342326950e-08, v9  }
0xbc: {  	v61 =	vimm.s32 $0xE;
	v63 =	vimm.s32 $0x2;
	v2 =	vsel vm15, v2, v59  }
0xbd: {  	v21 =	vmul.f32 v11, v46;
	v2 =	vshll.u32 v2, $0x7;
	v9 =	vadd.f32 v9, v12  }
0xbe: {  	p0 =	sne.s32 s18, $0xE0;
	v16 =	vadd.f32 v27, v16;
	v20 =	vadd.f32 v3, v20;
	v2 =	vor.u32 v56, v2  }
.Ltmp0:
0xbf: {  	v58 =	vimm.s32 $0x8;
	v27 =	vadd.f32 v21, v5;
	v9 =	vadd.f32 v9, v45;
	(pc) =	sbr.rel @p0 .LBB2_3-.Ltmp0, $4  }
0xc0: {  	v21 =	vadd.f32 v7, v0;
	v12 =	vmul.f32 v11, v49;
	v49 =	vmul.f32 v11, v52  }
0xc1: {  	v16 =	vadd.f32 v28, v16;
	v52 =	vmul.f32 v11, v60;
	v62 =	vmul.f32 v9, v9  }
0xc2: {  	v53 =	vld [tilespmem:$0x1FFE0];
	v59 =	vimm.s32 $0xA;
	v24 =	vadd.f32 v12, v24;
	v14 =	vadd.f32 v49, v14  }
0xc3: {  	s18 =	sadd.s32 $0x20, s18;
	v60 =	vimm.s32 $0xC;
	v12 =	vadd.f32 v52, v10;
	[tilespmem:v2+s11+$0x0] =	vst.idx.add.f32.msk $0xffff, v54;
	v11 =	vadd.f32 v62, v1  }
0xc4: {  	p0 =	seq.s32 s15, $0x5  }
0xc5: {  	s18 =	sadd.s32 @!p0 $0x2, s17  }
0xc6: {  	s19 =	sshll.u32 @!p0 s18, $0x3  }
0xc7: {  	s18 =	sshll.u32 @!p0 s18, $0xC;
	s19 =	sand.u32 @!p0 $0xE0, s19  }
0xc8: {  	s18 =	sand.u32 @!p0 $0x2000, s18;
	s19 =	sor.u32 @!p0 s3, s19  }
0xc9: {  	s18 =	sadd.s32 @!p0 s4, s18;
	s19 =	sshll.u32 @!p0 s19, $0xE  }
0xca: {  	s18 =	sadd.s32 @!p0 s19, s18;
	s19 =	simm.s32 @!p0 $0x0  }
0xcb: {  	[tilespmem:s19], [sflag:$0x1] =	stream.linear.gather @!p0 [hbm4b:s18+s19], $0x8000, $0x38;
	[tilespmem:$0x11400] =	vst v63  }
0xcc: {  	_ =	swait.ge [sflag:s12], $0x8000  }
0xcd: {  	[sflag:s12] =	ssyncset.done $0x0  }
0xce: {  	s18 =	simm.s32 $0x0;
	[sflag:s12] =	ssyncadd.s32 $0xFFFF8000  }
.LBB2_5:
0xcf: {  	_ = 	snop  }
0xd0: {  	v0 =	vmov s18  }
0xd1: {  	v0 =	vshll.u32 v0, $0x7  }
0xd2: {  	v0 =	vor.u32 v53, v0  }
0xd3: {  	v1 =	vor.u32 $0x1, v0  }
0xd4: {  	v2 =	vor.u32 $0x2, v0  }
0xd5: {  	v3 =	vor.u32 $0x3, v0  }
0xd6: {  	v4 =	vor.u32 $0x4, v0  }
0xd7: {  	v6 =	vor.u32 $0x5, v0;
	v5 =	vld.idx.msk [tilespmem:v0+s9+$0x0], $0xffff  }
0xd8: {  	v7 =	vor.u32 $0x6, v0;
	v1 =	vld.idx.msk [tilespmem:v1+s9+$0x0], $0xffff  }
0xd9: {  	v8 =	vor.u32 $0x7, v0;
	v2 =	vld.idx.msk [tilespmem:v2+s9+$0x0], $0xffff  }
0xda: {  	v9 =	vor.u32 $0x8, v0;
	v3 =	vld.idx.msk [tilespmem:v3+s9+$0x0], $0xffff  }
0xdb: {  	v10 =	vor.u32 $0x9, v0;
	v4 =	vld.idx.msk [tilespmem:v4+s9+$0x0], $0xffff  }
0xdc: {  	v28 =	vor.u32 $0xA, v0;
	v6 =	vld.idx.msk [tilespmem:v6+s9+$0x0], $0xffff  }
0xdd: {  	v29 =	vor.u32 $0xB, v0;
	v7 =	vld.idx.msk [tilespmem:v7+s9+$0x0], $0xffff  }
0xde: {  	v30 =	vor.u32 $0xC, v0;
	v8 =	vld.idx.msk [tilespmem:v8+s9+$0x0], $0xffff  }
0xdf: {  	v31 =	vor.u32 $0xD, v0;
	v9 =	vld.idx.msk [tilespmem:v9+s9+$0x0], $0xffff  }
0xe0: {  	v10 =	vld.idx.msk [tilespmem:v10+s9+$0x0], $0xffff  }
0xe1: {  	v33 =	vld.idx.msk [tilespmem:v28+s9+$0x0], $0xffff  }
0xe2: {  	v32 =	vor.u32 $0xE, v0;
	v29 =	vld.idx.msk [tilespmem:v29+s9+$0x0], $0xffff  }
0xe3: {  	v0 =	vor.u32 $0xF, v0;
	v30 =	vld.idx.msk [tilespmem:v30+s9+$0x0], $0xffff  }
0xe4: {  	v31 =	vld.idx.msk [tilespmem:v31+s9+$0x0], $0xffff;
	_ =	sdelay $0x2  }
0xe5: {  	v32 =	vld.idx.msk [tilespmem:v32+s9+$0x0], $0xffff;
	vm0 =	vgt.f32 v1, v5;
	vm1 =	vgt.f32 v3, v2  }
0xe6: {  	v0 =	vld.idx.msk [tilespmem:v0+s9+$0x0], $0xffff;
	vm2 =	vgt.f32 v6, v4;
	vm3 =	vgt.f32 v8, v7;
	vm4 =	vgt.f32 v10, v9  }
0xe7: {  	vm5 =	vgt.f32 v29, v33;
	vm6 =	vgt.f32 v31, v30;
	v28 =	vsel vm0, v1, v5  }
0xe8: {  	v34 =	vsel vm0, $0x1, v34;
	v35 =	vsel vm1, v3, v2;
	v36 =	vsel vm2, v6, v4  }
0xe9: {  	v37 =	vsel vm3, v8, v7;
	v38 =	vsel vm4, v10, v9;
	v39 =	vsel vm5, v29, v33  }
0xea: {  	v40 =	vsel vm6, v31, v30;
	v49 =	vsel vm1, $0x3, v63;
	v50 =	vsel vm2, $0x5, v55  }
0xeb: {  	v52 =	vsel vm3, $0x7, v57;
	v55 =	vsel vm4, $0x9, v58;
	vm7 =	vgt.f32 v0, v32  }
0xec: {  	vm8 =	vgt.f32 v35, v28;
	vm9 =	vgt.f32 v37, v36;
	v41 =	vsel vm7, v0, v32  }
0xed: {  	vm10 =	vgt.f32 v39, v38;
	v28 =	vsel vm8, v35, v28;
	vm11 =	vgt.f32 v41, v40  }
0xee: {  	v46 =	vsel vm9, v37, v36;
	v47 =	vsel vm10, v39, v38;
	v48 =	vsel vm11, v41, v40  }
0xef: {  	v57 =	vsel vm5, $0xB, v59;
	vm12 =	vgt.f32 v46, v28;
	vm13 =	vgt.f32 v48, v47  }
0xf0: {  	v58 =	vsel vm6, $0xD, v60;
	v28 =	vsel vm12, v46, v28;
	v51 =	vsel vm13, v48, v47  }
0xf1: {  	s19 =	sadd.s32 $0x10, s18;
	v34 =	vsel vm8, v49, v34;
	v36 =	vsel vm9, v52, v50;
	vm14 =	vgt.f32 v51, v28  }
0xf2: {  	v37 =	vsel vm10, v57, v55;
	v50 =	vmov s19;
	v28 =	vsel vm14, v51, v28  }
0xf3: {  	v59 =	vsel vm7, $0xF, v61;
	v5 =	vsub.f32 v5, v28;
	v1 =	vsub.f32 v1, v28  }
0xf4: {  	v34 =	vsel vm12, v36, v34;
	v2 =	vsub.f32 v2, v28;
	v3 =	vsub.f32 v3, v28  }
0xf5: {  	v35 =	vsel vm11, v59, v58;
	v4 =	vsub.f32 v4, v28;
	v61 =	vsub.f32 v6, v28  }
0xf6: {  	v42 =	vsel vm13, v35, v37;
	v36 =	vsub.f32 v7, v28;
	v39 =	vsub.f32 v8, v28  }
0xf7: {  	v46 =	vsel vm14, v42, v34;
	v41 =	vsub.f32 v9, v28;
	v45 =	vsub.f32 v10, v28  }
0xf8: {  	v48 =	vsub.f32 v33, v28;
	v5 =	vmul.f32 $1.442695020e+00, v5;
	v1 =	vmul.f32 $1.442695020e+00, v1  }
0xf9: {  	v49 =	vsub.f32 v29, v28;
	v2 =	vmul.f32 $1.442695020e+00, v2;
	v60 =	vmul.f32 $1.442695020e+00, v3  }
0xfa: {  	v62 =	vmul.f32 $1.442695020e+00, v4;
	v4 =	vshll.u32 v46, $0x7;
	(erf) = vpow2.f32 v5  }
0xfb: {  	v4 =	vor.u32 v56, v4;
	v5 =	vshll.u32 v50, $0x7;
	(erf) = vpow2.f32 v1  }
0xfc: {  	v38 =	vmul.f32 $1.442695020e+00, v61;
	v52 =	vor.u32 v53, v5;
	(erf) = vpow2.f32 v2  }
0xfd: {  	v40 =	vmul.f32 $1.442695020e+00, v36;
	v58 =	vor.u32 $0x4, v52;
	(erf) = vpow2.f32 v60  }
0xfe: {  	v43 =	vmul.f32 $1.442695020e+00, v39;
	v9 =	vor.u32 $0x5, v52;
	(erf) = vpow2.f32 v62  }
0xff: {  	v44 =	vmul.f32 $1.442695020e+00, v41;
	v61 =	vor.u32 $0x7, v52;
	(erf) = vpow2.f32 v38  }
0x100: {  	v47 =	vmul.f32 $1.442695020e+00, v45;
	v46 =	vor.u32 $0xD, v52;
	[tilespmem:v4+s11+$0x0] =	vst.idx.add.f32.msk $0xffff, v54;
	(erf) = vpow2.f32 v40  }
0x101: {  	v53 =	vsub.f32 v30, v28;
	v56 =	vor.u32 $0x2, v52;
	v7 =	vld.idx.msk [tilespmem:v52+s9+$0x0], $0xffff;
	(erf) = vpow2.f32 v43  }
0x102: {  	v2 =	vmul.f32 $1.442695020e+00, v48;
	v4 =	vld.idx.msk [tilespmem:v58+s9+$0x0], $0xffff;
	v43 =	vor.u32 $0xA, v52;
	(erf) = vpow2.f32 v44  }
0x103: {  	v51 =	vmul.f32 $1.442695020e+00, v49;
	v45 =	vor.u32 $0xC, v52;
	v9 =	vld.idx.msk [tilespmem:v9+s9+$0x0], $0xffff;
	(erf) = vpow2.f32 v47;
	v29 =	vpop (erf)  }
0x104: {  	v5 =	vor.u32 $0x1, v52;
	v6 =	vld.idx.msk [tilespmem:v61+s9+$0x0], $0xffff;
	(erf) = vpow2.f32 v2;
	v30 =	vpop (erf);
	v2 =	vmul.f32 $1.442695020e+00, v53  }
0x105: {  	v55 =	vsub.f32 v31, v28;
	v60 =	vor.u32 $0x6, v52;
	v58 =	vld.idx.msk [tilespmem:v46+s9+$0x0], $0xffff;
	(erf) = vpow2.f32 v51;
	v31 =	vpop (erf)  }
0x106: {  	v57 =	vsub.f32 v32, v28;
	v8 =	vor.u32 $0x3, v52;
	v32 =	vpop (erf);
	(erf) = vpow2.f32 v2;
	v2 =	vld.idx.msk [tilespmem:v56+s9+$0x0], $0xffff  }
0x107: {  	v0 =	vsub.f32 v0, v28;
	v1 =	vmul.f32 $1.442695020e+00, v55;
	v44 =	vor.u32 $0xB, v52;
	v50 =	vld.idx.msk [tilespmem:v43+s9+$0x0], $0xffff  }
0x108: {  	v59 =	vmul.f32 $1.442695020e+00, v57;
	v10 =	vor.u32 $0x9, v52;
	v56 =	vld.idx.msk [tilespmem:v45+s9+$0x0], $0xffff  }
0x109: {  	v0 =	vmul.f32 $1.442695020e+00, v0;
	v3 =	vor.u32 $0xF, v52;
	v33 =	vpop (erf);
	(erf) = vpow2.f32 v1;
	v1 =	vld.idx.msk [tilespmem:v5+s9+$0x0], $0xffff  }
0x10a: {  	v47 =	vor.u32 $0xE, v52;
	v5 =	vld.idx.msk [tilespmem:v60+s9+$0x0], $0xffff;
	v34 =	vpop (erf);
	(erf) = vpow2.f32 v59  }
0x10b: {  	v35 =	vpop (erf);
	(erf) = vpow2.f32 v0;
	v0 =	vld.idx.msk [tilespmem:v8+s9+$0x0], $0xffff;
	v8 =	vor.u32 $0x8, v52  }
0x10c: {  	v53 =	vld.idx.msk [tilespmem:v44+s9+$0x0], $0xffff;
	v36 =	vpop (erf)  }
0x10d: {  	v10 =	vld.idx.msk [tilespmem:v10+s9+$0x0], $0xffff;
	v48 =	vadd.f32 v30, v29;
	v49 =	vadd.f32 v32, v31;
	v37 =	vpop (erf)  }
0x10e: {  	v3 =	vld.idx.msk [tilespmem:v3+s9+$0x0], $0xffff;
	v51 =	vadd.f32 v34, v33;
	v38 =	vpop (erf)  }
0x10f: {  	vm3 =	vgt.f32 v9, v4;
	v46 =	vadd.f32 v49, v48;
	v49 =	vld.idx.msk [tilespmem:v47+s9+$0x0], $0xffff;
	v52 =	vadd.f32 v36, v35;
	v39 =	vpop (erf)  }
0x110: {  	vm4 =	vgt.f32 v58, v56;
	vm6 =	vgt.f32 v1, v7;
	vm10 =	vgt.f32 v6, v5;
	v40 =	vpop (erf);
	v8 =	vld.idx.msk [tilespmem:v8+s9+$0x0], $0xffff  }
0x111: {  	vm2 =	vgt.f32 v53, v50;
	v54 =	vadd.f32 v38, v37;
	v48 =	vadd.f32 v52, v51;
	v41 =	vpop (erf)  }
0x112: {  	v51 =	vsel vm6, v1, v7;
	v55 =	vsel vm10, v6, v5;
	vm7 =	vgt.f32 v0, v2;
	v42 =	vpop (erf)  }
0x113: {  	v59 =	vsel vm2, v53, v50;
	v62 =	vadd.f32 v40, v39;
	v52 =	vsel vm7, v0, v2;
	v43 =	vpop (erf)  }
0x114: {  	vm1 =	vgt.f32 v3, v49;
	vm11 =	vgt.f32 v52, v51;
	v60 =	vadd.f32 v42, v41;
	v44 =	vpop (erf)  }
0x115: {  	v47 =	vadd.f32 v62, v54;
	v61 =	vadd.f32 v44, v43;
	vm9 =	vgt.f32 v10, v8  }
0x116: {  	v54 =	vsel vm3, v9, v4;
	v51 =	vsel vm11, v52, v51;
	v57 =	vsel vm9, v10, v8  }
0x117: {  	v45 =	vadd.f32 v61, v60;
	v60 =	vsel vm4, v58, v56;
	v61 =	vsel vm1, v3, v49  }
0x118: {  	vm13 =	vgt.f32 v55, v54;
	vm8 =	vgt.f32 v59, v57;
	vm5 =	vgt.f32 v61, v60  }
0x119: {  	v62 =	vsel vm13, v55, v54;
	v59 =	vsel vm8, v59, v57;
	v60 =	vsel vm5, v61, v60  }
0x11a: {  	v46 =	vadd.f32 v48, v46;
	vm14 =	vgt.f32 v62, v51;
	vm12 =	vgt.f32 v60, v59  }
0x11b: {  	v45 =	vadd.f32 v45, v47;
	v61 =	vsel vm14, v62, v51;
	v62 =	vsel vm12, v60, v59  }
0x11c: {  	vm15 =	vgt.f32 v62, v61  }
0x11d: {  	v51 =	vadd.f32 v45, v46;
	v45 =	vsel vm15, v62, v61  }
0x11e: {  	v7 =	vsub.f32 v7, v45  }
0x11f: {  	v1 =	vsub.f32 v1, v45  }
0x120: {  	v2 =	vsub.f32 v2, v45;
	v7 =	vmul.f32 $1.442695020e+00, v7  }
0x121: {  	(erf) = vrcp.f32 v51;
	v0 =	vsub.f32 v0, v45;
	v1 =	vmul.f32 $1.442695020e+00, v1  }
0x122: {  	v4 =	vsub.f32 v4, v45;
	v2 =	vmul.f32 $1.442695020e+00, v2;
	(erf) = vpow2.f32 v7  }
0x123: {  	v47 =	vsub.f32 v9, v45;
	v0 =	vmul.f32 $1.442695020e+00, v0;
	(erf) = vpow2.f32 v1  }
0x124: {  	v55 =	vsub.f32 v5, v45;
	v48 =	vmul.f32 $1.442695020e+00, v4;
	(erf) = vpow2.f32 v2  }
0x125: {  	v59 =	vsub.f32 v6, v45;
	v57 =	vmul.f32 $1.442695020e+00, v47;
	(erf) = vpow2.f32 v0  }
0x126: {  	v61 =	vsub.f32 v8, v45;
	v60 =	vmul.f32 $1.442695020e+00, v55;
	(erf) = vpow2.f32 v48  }
0x127: {  	v46 =	vsub.f32 v10, v45;
	v62 =	vmul.f32 $1.442695020e+00, v59;
	(erf) = vpow2.f32 v57  }
0x128: {  	v47 =	vmul.f32 $1.442695020e+00, v61;
	v48 =	vsub.f32 v50, v45;
	(erf) = vpow2.f32 v60  }
0x129: {  	v53 =	vsub.f32 v53, v45;
	v50 =	vmul.f32 $1.442695020e+00, v46;
	(erf) = vpow2.f32 v62  }
0x12a: {  	v5 =	vpop (erf);
	v57 =	vsub.f32 v56, v45;
	v55 =	vmul.f32 $1.442695020e+00, v48;
	(erf) = vpow2.f32 v47  }
0x12b: {  	v59 =	vmul.f32 $1.442695020e+00, v53;
	v60 =	vsub.f32 v58, v45;
	v46 =	vpop (erf);
	(erf) = vpow2.f32 v50  }
0x12c: {  	v61 =	vmul.f32 $1.442695020e+00, v57;
	v62 =	vsub.f32 v49, v45;
	v47 =	vpop (erf);
	(erf) = vpow2.f32 v55  }
0x12d: {  	v53 =	vmul.f32 $1.442695020e+00, v60;
	v55 =	vsub.f32 v3, v45;
	v48 =	vpop (erf);
	(erf) = vpow2.f32 v59  }
0x12e: {  	v52 =	vadd.s32 $0xC0CAFB0D, v51;
	v57 =	vmul.f32 $1.442695020e+00, v62;
	v49 =	vpop (erf);
	(erf) = vpow2.f32 v61  }
0x12f: {  	v54 =	vand.u32 $0xFF800000, v52;
	v58 =	vmul.f32 $1.442695020e+00, v55;
	v4 =	vpop (erf);
	(erf) = vpow2.f32 v53  }
0x130: {  	v56 =	vsub.s32 v51, v54;
	v1 =	vpop (erf);
	(erf) = vpow2.f32 v57  }
0x131: {  	v3 =	vadd.f32 $-1.000000000e+00, v56;
	v6 =	vpop (erf);
	(erf) = vpow2.f32 v58  }
0x132: {  	v0 =	vpop (erf)  }
0x133: {  	v59 =	vmul.f32 $1.144843550e-01, v3;
	v7 =	vpop (erf)  }
0x134: {  	v8 =	vpop (erf)  }
0x135: {  	v2 =	vadd.f32 $-1.862769720e-01, v59;
	v9 =	vpop (erf)  }
0x136: {  	v52 =	vshra.s32 v52, $0x17;
	v10 =	vpop (erf)  }
0x137: {  	v52 =	vcvt.s32.f32 v52;
	v53 =	vadd.f32 v47, v46;
	v2 =	vmul.f32 v2, v3;
	v50 =	vpop (erf)  }
0x138: {  	v29 =	vmul.f32 v5, v29;
	v54 =	vadd.f32 v49, v48;
	v56 =	vadd.f32 v1, v4;
	v51 =	vpop (erf)  }
0x139: {  	v38 =	vmul.f32 v5, v38;
	v57 =	vadd.f32 v0, v6;
	v2 =	vadd.f32 $2.061178540e-01, v2;
	v55 =	vpop (erf)  }
0x13a: {  	v39 =	vmul.f32 v5, v39;
	v59 =	vadd.f32 v8, v7;
	v60 =	vadd.f32 v10, v9;
	v58 =	vpop (erf)  }
0x13b: {  	v40 =	vmul.f32 v5, v40;
	v61 =	vadd.f32 v51, v50;
	v62 =	vadd.f32 v58, v55  }
0x13c: {  	v42 =	vmul.f32 v5, v42;
	v53 =	vadd.f32 v54, v53;
	v54 =	vadd.f32 v57, v56  }
0x13d: {  	v2 =	vmul.f32 v2, v3;
	v60 =	vadd.f32 v60, v59;
	v62 =	vadd.f32 v62, v61  }
0x13e: {  	v27 =	vadd.f32 v29, v27;
	v29 =	vmul.f32 v5, v32;
	v53 =	vadd.f32 v54, v53  }
0x13f: {  	v43 =	vmul.f32 v5, v43;
	v2 =	vadd.f32 $-2.491120990e-01, v2;
	v59 =	vadd.f32 v62, v60  }
0x140: {  	v18 =	vadd.f32 v38, v18;
	v24 =	vadd.f32 v29, v24;
	v29 =	vmul.f32 v5, v34  }
0x141: {  	v17 =	vadd.f32 v39, v17;
	v2 =	vmul.f32 v2, v3;
	v53 =	vadd.f32 v59, v53  }
0x142: {  	v14 =	vadd.f32 v40, v14;
	v22 =	vadd.f32 v29, v22;
	v29 =	vmul.f32 v5, v36  }
0x143: {  	v15 =	vadd.f32 v42, v15;
	v2 =	vadd.f32 $3.330481350e-01, v2;
	v54 =	vadd.s32 $0xC0CAFB0D, v53  }
0x144: {  	v20 =	vadd.f32 v29, v20;
	v29 =	vmul.f32 v5, v41;
	v60 =	vand.u32 $0xFF800000, v54  }
0x145: {  	v13 =	vadd.f32 v43, v13;
	v2 =	vmul.f32 v2, v3;
	v56 =	vsub.s32 v53, v60  }
0x146: {  	v52 =	vmul.f32 $6.931471820e-01, v52;
	v16 =	vadd.f32 v29, v16;
	v56 =	vadd.f32 $-1.000000000e+00, v56  }
0x147: {  	v61 =	vimm.s32 $0x0;
	v62 =	vimm.s32 $0x6;
	v2 =	vadd.f32 $-5.000129340e-01, v2  }
0x148: {  	v59 =	vsel vm6, $0x1, v61;
	v61 =	vimm.s32 $0x4;
	v57 =	vmul.f32 $1.144843550e-01, v56  }
0x149: {  	v62 =	vsel vm10, $0x7, v62;
	v2 =	vmul.f32 v2, v3;
	v61 =	vsel vm3, $0x5, v61  }
0x14a: {  	v61 =	vsel vm13, v62, v61;
	v62 =	vimm.s32 $0xE;
	v57 =	vadd.f32 $-1.862769720e-01, v57  }
0x14b: {  	(erf) = vrcp.f32 v53;
	v2 =	vadd.f32 $1.000003100e+00, v2;
	v62 =	vsel vm1, $0xF, v62  }
0x14c: {  	v29 =	vshra.s32 v54, $0x17;
	v54 =	vimm.f32 $1.000000000e+00;
	v57 =	vmul.f32 v57, v56  }
0x14d: {  	v60 =	vsel vm7, $0x3, v63;
	v63 =	vimm.s32 $0x8;
	v2 =	vmul.f32 v2, v3  }
0x14e: {  	v29 =	vcvt.s32.f32 v29;
	v63 =	vsel vm9, $0x9, v63;
	v57 =	vadd.f32 $2.061178540e-01, v57  }
0x14f: {  	v3 =	vimm.s32 $0xA;
	v59 =	vsel vm11, v60, v59;
	v2 =	vadd.f32 $3.342326950e-08, v2  }
0x150: {  	v60 =	vimm.s32 $0xC;
	v3 =	vsel vm2, $0xB, v3;
	v57 =	vmul.f32 v57, v56  }
0x151: {  	v60 =	vsel vm4, $0xD, v60;
	v59 =	vsel vm14, v61, v59;
	v2 =	vadd.f32 v2, v52  }
0x152: {  	v61 =	vimm.s32 $0xE;
	v60 =	vsel vm5, v62, v60;
	v62 =	vadd.f32 $-2.491120990e-01, v57  }
0x153: {  	v3 =	vsel vm8, v3, v63;
	v2 =	vadd.f32 v2, v28;
	v28 =	vmul.f32 v5, v30  }
0x154: {  	v63 =	vimm.s32 $0x2;
	v3 =	vsel vm12, v60, v3;
	v62 =	vmul.f32 v62, v56  }
0x155: {  	v26 =	vadd.f32 v28, v26;
	v28 =	vmul.f32 v5, v33;
	v2 =	vmul.f32 v2, v2  }
0x156: {  	v60 =	vimm.s32 $0xC;
	v30 =	vmul.f32 v5, v31;
	v34 =	vadd.f32 $3.330481350e-01, v62  }
0x157: {  	v23 =	vadd.f32 v28, v23;
	v28 =	vmul.f32 v5, v35;
	v2 =	vadd.f32 v2, v11;
	v11 =	vpop (erf)  }
0x158: {  	v25 =	vadd.f32 v30, v25;
	v47 =	vmul.f32 v11, v47;
	v30 =	vmul.f32 v34, v56  }
0x159: {  	v3 =	vsel vm15, v3, v59;
	v48 =	vmul.f32 v11, v48;
	v4 =	vmul.f32 v11, v4  }
0x15a: {  	v21 =	vadd.f32 v28, v21;
	v28 =	vmul.f32 v5, v37;
	v30 =	vadd.f32 $-5.000129340e-01, v30  }
0x15b: {  	v59 =	vimm.s32 $0xA;
	v1 =	vmul.f32 v11, v1;
	v6 =	vmul.f32 v11, v6  }
0x15c: {  	v0 =	vmul.f32 v11, v0;
	v19 =	vadd.f32 v28, v19;
	v28 =	vmul.f32 v30, v56  }
0x15d: {  	v3 =	vshll.u32 v3, $0x7;
	v7 =	vmul.f32 v11, v7;
	v8 =	vmul.f32 v11, v8  }
0x15e: {  	v9 =	vmul.f32 v11, v9;
	v10 =	vmul.f32 v11, v10;
	v28 =	vadd.f32 $1.000003100e+00, v28  }
0x15f: {  	v52 =	vmul.f32 v11, v58;
	v5 =	vmul.f32 v5, v44;
	v26 =	vadd.f32 v47, v26  }
0x160: {  	v25 =	vadd.f32 v48, v25;
	v23 =	vadd.f32 v4, v23;
	v28 =	vmul.f32 v28, v56;
	v56 =	vld [tilespmem:$0x1FFF0]  }
0x161: {  	v58 =	vimm.s32 $0x8;
	v22 =	vadd.f32 v1, v22;
	v20 =	vadd.f32 v0, v20  }
0x162: {  	v5 =	vadd.f32 v5, v12;
	v12 =	vadd.f32 $3.342326950e-08, v28;
	v28 =	vmul.f32 $6.931471820e-01, v29  }
0x163: {  	v57 =	vimm.s32 $0x6;
	v18 =	vadd.f32 v8, v18;
	v17 =	vadd.f32 v9, v17  }
0x164: {  	v14 =	vadd.f32 v10, v14;
	v29 =	vmul.f32 v11, v46;
	v12 =	vadd.f32 v12, v28  }
0x165: {  	p1 =	sne.s32 s18, $0xE0;
	v21 =	vadd.f32 v6, v21;
	v28 =	vmul.f32 v11, v49;
	v3 =	vor.u32 v56, v3  }
.Ltmp1:
0x166: {  	v27 =	vadd.f32 v29, v27;
	v29 =	vmul.f32 v11, v50;
	v12 =	vadd.f32 v12, v45;
	(pc) =	sbr.rel @p1 .LBB2_5-.Ltmp1, $4  }
0x167: {  	v19 =	vadd.f32 v7, v19;
	v50 =	vmul.f32 v11, v51;
	v51 =	vmul.f32 v11, v55  }
0x168: {  	v24 =	vadd.f32 v28, v24;
	v16 =	vadd.f32 v29, v16;
	v62 =	vmul.f32 v12, v12  }
0x169: {  	v53 =	vld [tilespmem:$0x1FFE0];
	v34 =	vimm.s32 $0x0;
	v15 =	vadd.f32 v50, v15;
	v13 =	vadd.f32 v51, v13  }
0x16a: {  	s18 =	sadd.s32 $0x20, s18;
	v55 =	vimm.s32 $0x4;
	v12 =	vadd.f32 v52, v5;
	[tilespmem:v3+s11+$0x0] =	vst.idx.add.f32.msk $0xffff, v54;
	v11 =	vadd.f32 v62, v2  }
0x16b: {  	s17 =	sadd.s32 @!p0 $0x3, s17  }
0x16c: {  	s18 =	sshll.u32 @!p0 s17, $0x3  }
0x16d: {  	s17 =	sshll.u32 @!p0 s17, $0xC;
	s18 =	sand.u32 @!p0 $0xE0, s18  }
0x16e: {  	s17 =	sand.u32 @!p0 $0x3000, s17;
	s18 =	sor.u32 @!p0 s3, s18  }
0x16f: {  	p1 =	seq.s32 @!p0 s16, $0x0;
	s17 =	sadd.s32 @!p0 s4, s17;
	s16 =	sshll.u32 @!p0 s18, $0xE  }
0x170: {  	s18 =	simm.s32 @!p0 $0x8000;
	s16 =	sadd.s32 @!p0 s16, s17;
	s17 =	simm.s32 @!p0 $0x0  }
0x171: {  	[tilespmem:s18], [sflag:$0x2] =	stream.linear.gather @!p0 [hbm4b:s16+s17], $0x8000, $0x38;
	[tilespmem:$0x11400] =	vst v63  }
0x172: {  	p0 =	por p0, !p1  }
0x173: {  	[tilespmem:$0x10000] =	vst @p0 v27  }
0x174: {  	[tilespmem:$0x10080] =	vst @p0 v26  }
0x175: {  	[tilespmem:$0x10100] =	vst @p0 v25  }
0x176: {  	[tilespmem:$0x10180] =	vst @p0 v24  }
0x177: {  	[tilespmem:$0x10200] =	vst @p0 v23  }
0x178: {  	[tilespmem:$0x10280] =	vst @p0 v22  }
0x179: {  	[tilespmem:$0x10300] =	vst @p0 v21  }
0x17a: {  	[tilespmem:$0x10380] =	vst @p0 v20  }
0x17b: {  	[tilespmem:$0x10400] =	vst @p0 v19  }
0x17c: {  	[tilespmem:$0x10480] =	vst @p0 v18  }
0x17d: {  	[tilespmem:$0x10500] =	vst @p0 v17  }
0x17e: {  	s16 =	sshll.u32 @p0 s15, $0x4;
	[tilespmem:$0x10600] =	vst @p0 v16  }
0x17f: {  	[tilespmem:$0x10680] =	vst @p0 v15;
	s16 =	sand.u32 @p0 $0x60, s16  }
0x180: {  	[tilespmem:$0x10780] =	vst @p0 v12;
	s16 =	sor.u32 @p0 s3, s16  }
0x181: {  	[tilespmem:$0x11000] =	vst @p0 v11;
	s16 =	smul.u32 @p0 $0x280, s16  }
0x182: {  	[tilespmem:$0x10700] =	vst @p0 v13;
	v11 =	vimm.f32 @p0 $0.0e+00;
	v12 =	vimm.f32 @p0 $0.0e+00  }
0x183: {  	[tilespmem:$0x10580] =	vst @p0 v14;
	v13 =	vimm.f32 @p0 $0.0e+00;
	v15 =	vimm.f32 @p0 $0.0e+00;
	v16 =	vimm.f32 @p0 $0.0e+00;
	s16 =	sadd.s32 @p0 s6, s16  }
0x184: {  	v14 =	vimm.f32 @p0 $0.0e+00;
	v17 =	vimm.f32 @p0 $0.0e+00;
	v18 =	vimm.f32 @p0 $0.0e+00;
	[hbm4b:s16+s2] =	stream.linear.scatter @p0 [tilespmem:s11], [sflag:$0x3], $0x1100, $0x38;
	[tilespmem:$0x11400] =	vst v63  }
0x185: {  	v19 =	vimm.f32 @p0 $0.0e+00;
	v20 =	vimm.f32 @p0 $0.0e+00;
	v21 =	vimm.f32 @p0 $0.0e+00;
	_ =	swait.ge @p0 [sflag:s13], $0x1100  }
0x186: {  	v22 =	vimm.f32 @p0 $0.0e+00;
	v23 =	vimm.f32 @p0 $0.0e+00;
	v24 =	vimm.f32 @p0 $0.0e+00;
	s15 =	sadd.s32 $0x1, s15;
	[sflag:s13] =	ssyncset.done @p0 $0x0  }
0x187: {  	v25 =	vimm.f32 @p0 $0.0e+00;
	v26 =	vimm.f32 @p0 $0.0e+00;
	v27 =	vimm.f32 @p0 $0.0e+00;
	[sflag:s13] =	ssyncadd.s32 @p0 $0xFFFFEF00;
	p0 =	sne.s32 s15, $0x6  }
.Ltmp2:
0x188: {  	_ = 	snop;
	(pc) =	sbr.rel @p0 .LBB2_2-.Ltmp2, $1  }
0x189: {  	_ =	sdelay $0x3  }
0x18a: {  	s14 =	sadd.s32 $0x1, s14  }
0x18b: {  	p0 =	sne.s32 s14, s8  }
.Ltmp3:
0x18c: {  	_ = 	snop;
	(pc) =	sbr.rel @p0 .LBB2_1-.Ltmp3, $1  }
0x18d: {  	_ =	sdelay $0x3  }
0x18e: {  	_ =	sfence.sel $0x180000  }
0x18f: {  	[bflag:$0x0] =	sbarrier.arrive $0xFFFF  }
0x190: {  	p0 =	sne.s32 s1, $0x0;
	_ =	strace $0x90000047  }
0x191: {  	s0 =	sadd.s32 @!p0 $0x100000, s0;
	[bflag:$0x2] =	sbarrier.arrive $0xFFFF  }
0x192: {  	[sflag:s0] =	ssyncadd.tile.s32 @!p0 $0x1;
	_ =	shalt  }
.Lfunc_end2:
_tile_overlayer_lowered:
.L_overlay_start_2:
0x193: {  	(tag) =	ssettag $0x2  }
0x194: {  	s0 =	rddreg [dreg:$0x0];
	s2 =	stileid.u32  }
0x195: {  	s1 =	rddreg [dreg:$0x1];
	p0 =	sne.s32 s2, $0x0  }
0x196: {  	s3 =	rddreg [dreg:$0x2];
	[bflag:$0x3] =	sbarrier.arrive $0xFFFF;
	s2 =	simm.s32 @!p0 $0x1C03  }
0x197: {  	[timem:s3], [sflag:s2] =	dma.local @!p0 [hbm:s0], s1  }
0x198: {  	s0 =	simm.s32 @!p0 $0x3  }
0x199: {  	_ =	swait.ge @!p0 [sflag:s0], s1  }
0x19a: {  	s1 =	ssub.s32 @!p0 $0x0, s1;
	[sflag:s0] =	ssyncset.done @!p0 $0x0  }
0x19b: {  	[sflag:s0] =	ssyncadd.s32 @!p0 s1  }
0x19c: {  	[bflag:$0x3] =	sbarrier.arrive $0xFFFF  }
0x19d: {  	_ =	shalt  }

</sc_bundles>
